<compile_context>
chip_gen: v7x
topology: tpu7x:2x2x1
jax: 0.10.2.dev20260603
libtpu: 0.0.44.dev20260713+nightly
codegen_flags: <defaults>
</compile_context>

<pallas_src>
import jax
import jax.numpy as jnp
from jax import lax
from jax.experimental import pallas as pl
from jax.experimental.pallas import tpu as pltpu
from jax.experimental.pallas import tpu_sc as plsc

B, C, H, W = 8, 96, 224, 224
K = 3
CB = 16
NC_ = C // CB
NPLANES = B * 6


def _mean_body(f1_ref, f2_ref, m1_ref, m2_ref):
    m1_ref[...] = jnp.mean(f1_ref[...], axis=(2, 3)).reshape(1, 1, 1, CB)
    m2_ref[...] = jnp.mean(f2_ref[...], axis=(2, 3)).reshape(1, 1, 1, CB)


def _channel_means(F1, F2):
    out_sd = jax.ShapeDtypeStruct((B, NC_, 1, CB), jnp.float32)
    m1, m2 = pl.pallas_call(
        _mean_body,
        grid=(B, NC_),
        in_specs=[
            pl.BlockSpec((1, CB, H, W), lambda b, c: (b, c, 0, 0)),
            pl.BlockSpec((1, CB, H, W), lambda b, c: (b, c, 0, 0)),
        ],
        out_specs=[
            pl.BlockSpec((1, 1, 1, CB), lambda b, c: (b, c, 0, 0)),
            pl.BlockSpec((1, 1, 1, CB), lambda b, c: (b, c, 0, 0)),
        ],
        out_shape=[out_sd, out_sd],
        compiler_params=pltpu.CompilerParams(
            dimension_semantics=(pltpu.PARALLEL, pltpu.PARALLEL)),
    )(F1, F2)
    return m1.reshape(B, C), m2.reshape(B, C)


def _gating_body(fr_ref, x1_ref, x2_ref, wfr_ref,
                 rows_ref, w1_ref, w2_ref):
    fr_r = fr_ref[...].astype(jnp.bfloat16).astype(jnp.float32)
    wfr_r = wfr_ref[...].astype(jnp.bfloat16).astype(jnp.float32)
    mfr = jnp.mean(fr_r, axis=(2, 3))
    frp = (mfr[:, :, None] * wfr_r[None, :, :]).sum(axis=1)
    iota = lax.broadcasted_iota(jnp.int32, (B, C), 1)

    def top3(dist, w_ref):
        d = dist
        vals, idxs = [], []
        for _ in range(K):
            v = jnp.max(d, axis=1, keepdims=True)
            hit = d == v
            idx = jnp.min(jnp.where(hit, iota, C), axis=1, keepdims=True)
            vals.append(v)
            idxs.append(idx)
            d = jnp.where(iota == idx, -jnp.inf, d)
        tv = jnp.concatenate(vals, axis=1)
        ti = jnp.concatenate(idxs, axis=1)
        e = jnp.exp(tv - tv[:, :1])
        w_ref[...] = e / jnp.sum(e, axis=1, keepdims=True)
        return ti

    ti1 = top3(-jnp.abs(frp - x1_ref[...]), w1_ref)
    ti2 = top3(-jnp.abs(frp - x2_ref[...]), w2_ref)
    boff = lax.broadcasted_iota(jnp.int32, (B, K), 0) * C
    pad = jnp.zeros((B, 2), jnp.int32)
    rows_ref[...] = jnp.concatenate([boff + ti1, boff + ti2, pad], axis=1)


def _gating(fr, x1, x2, wfr_t):
    return pl.pallas_call(
        _gating_body,
        out_shape=[
            jax.ShapeDtypeStruct((B, 8), jnp.int32),
            jax.ShapeDtypeStruct((B, K), jnp.float32),
            jax.ShapeDtypeStruct((B, K), jnp.float32),
        ],
    )(fr, x1, x2, wfr_t)


def _sc_gather_body(rows_hbm, f1_hbm, f2_hbm, out_hbm, idx_v, plane_v, sem):
    wid = lax.axis_index("s") * 2 + lax.axis_index("c")
    pltpu.sync_copy(rows_hbm, idx_v)
    iota16 = lax.iota(jnp.int32, 16)
    c0 = idx_v[pl.ds(0, 16)]
    c1 = idx_v[pl.ds(16, 16)]
    c2 = idx_v[pl.ds(32, 16)]
    c3 = idx_v[pl.ds(48, 16)]

    def do_plane(p):
        b = p // 6
        slot = p - b * 6
        q = b * 8 + slot
        chunk = q // 16
        lane = q - chunk * 16
        chv = jnp.full((16,), chunk, jnp.int32)
        cv = jnp.where(chv == 0, c0,
                       jnp.where(chv == 1, c1,
                                 jnp.where(chv == 2, c2, c3)))
        lv = jnp.full((16,), lane, jnp.int32)
        row = jnp.sum(jnp.where(iota16 == lv, cv, 0))

        @pl.when(slot < K)
        def _():
            pltpu.async_copy(f1_hbm.at[row], plane_v, sem).wait()

        @pl.when(slot >= K)
        def _():
            pltpu.async_copy(f2_hbm.at[row], plane_v, sem).wait()

        pltpu.sync_copy(plane_v, out_hbm.at[p])

    do_plane(wid)

    @pl.when(wid < NPLANES - 32)
    def _():
        do_plane(wid + 32)


def _sc_gather(rows64, F1r, F2r):
    f = pl.kernel(
        _sc_gather_body,
        out_type=jax.ShapeDtypeStruct((NPLANES, H, W), jnp.float32),
        mesh=plsc.VectorSubcoreMesh(core_axis_name="c", subcore_axis_name="s"),
        compiler_params=pltpu.CompilerParams(needs_layout_passes=False),
        scratch_types=[
            pltpu.VMEM((64,), jnp.int32),
            pltpu.VMEM((H, W), jnp.float32),
            pltpu.SemaphoreType.DMA,
        ],
    )
    return f(rows64, F1r, F2r)


def _shift3(x):
    zcol = jnp.zeros((H, 1), jnp.float32)
    return (jnp.concatenate([zcol, x[:, :W - 1]], axis=1),
            x,
            jnp.concatenate([x[:, 1:], zcol], axis=1))


def _fuse_body(cat_ref, w1_ref, w2_ref, wl_ref, bl_ref, wa1_ref, wa2_ref,
               out_ref, catp_ref, fusedp_ref, h_ref):
    b = pl.program_id(0)
    catp_ref[:, :, 0:1, :] = jnp.zeros((6, 3, 1, W), jnp.float32)
    catp_ref[:, :, H + 1:H + 2, :] = jnp.zeros((6, 3, 1, W), jnp.float32)
    fusedp_ref[:, :, 0:1, :] = jnp.zeros((3, 3, 1, W), jnp.float32)
    fusedp_ref[:, :, H + 1:H + 2, :] = jnp.zeros((3, 3, 1, W), jnp.float32)

    for k in range(6):
        s0, s1, s2 = _shift3(cat_ref[0, k])
        catp_ref[k, 0, 1:H + 1, :] = s0
        catp_ref[k, 1, 1:H + 1, :] = s1
        catp_ref[k, 2, 1:H + 1, :] = s2

    acc1 = [jnp.full((H, W), bl_ref[o], dtype=jnp.float32) for o in range(3)]
    for i in range(6):
        ws = w1_ref[b, i] if i < K else w2_ref[b, i - K]
        for dy in range(3):
            for dx in range(3):
                s = catp_ref[i, dx, dy:dy + H, :]
                for o in range(3):
                    acc1[o] = acc1[o] + s * (wl_ref[(o * 6 + i) * 9 + dy * 3 + dx] * ws)
    for o in range(3):
        s0, s1, s2 = _shift3(acc1[o])
        fusedp_ref[o, 0, 1:H + 1, :] = s0
        fusedp_ref[o, 1, 1:H + 1, :] = s1
        fusedp_ref[o, 2, 1:H + 1, :] = s2

    acc2 = [jnp.zeros((H, W), dtype=jnp.float32) for _ in range(8)]
    for i in range(3):
        for dy in range(3):
            for dx in range(3):
                s = fusedp_ref[i, dx, dy:dy + H, :]
                for o in range(8):
                    acc2[o] = acc2[o] + s * wa1_ref[(o * 3 + i) * 9 + dy * 3 + dx]
    for o in range(8):
        h_ref[o] = jnp.maximum(acc2[o], 0.0)

    acc3 = [jnp.zeros((H, W), dtype=jnp.float32) for _ in range(3)]
    for i in range(8):
        hv = h_ref[i]
        for o in range(3):
            acc3[o] = acc3[o] + hv * wa2_ref[o * 8 + i]
    for o in range(3):
        out_ref[0, o] = jax.nn.sigmoid(acc3[o])


def _fuse(catg, w1, w2, wl, bl, wa1, wa2):
    return pl.pallas_call(
        _fuse_body,
        grid=(B,),
        in_specs=[
            pl.BlockSpec((1, 6, H, W), lambda b: (b, 0, 0, 0)),
            pl.BlockSpec(memory_space=pltpu.SMEM),
            pl.BlockSpec(memory_space=pltpu.SMEM),
            pl.BlockSpec(memory_space=pltpu.SMEM),
            pl.BlockSpec(memory_space=pltpu.SMEM),
            pl.BlockSpec(memory_space=pltpu.SMEM),
            pl.BlockSpec(memory_space=pltpu.SMEM),
        ],
        out_specs=pl.BlockSpec((1, 3, H, W), lambda b: (b, 0, 0, 0)),
        out_shape=jax.ShapeDtypeStruct((B, 3, H, W), jnp.float32),
        scratch_shapes=[
            pltpu.VMEM((6, 3, H + 2, W), jnp.float32),
            pltpu.VMEM((3, 3, H + 2, W), jnp.float32),
            pltpu.VMEM((8, H, W), jnp.float32),
        ],
    )(catg, w1, w2, wl, bl, wa1, wa2)


def kernel(F1, F2, fr, W_fr, W_last, b_last, W_att1, W_att2):
    x1, x2 = _channel_means(F1, F2)
    wfr_t = W_fr.reshape(C, 3).T
    rows, w1, w2 = _gating(fr, x1, x2, wfr_t)
    F1r = F1.reshape(B * C, H, W)
    F2r = F2.reshape(B * C, H, W)
    catg = _sc_gather(rows.reshape(-1), F1r, F2r)
    catg = catg.reshape(B, 6, H, W)
    wl = W_last.reshape(-1)
    wa1 = W_att1.reshape(-1)
    wa2 = W_att2.reshape(-1)
    return _fuse(catg, w1, w2, wl, b_last, wa1, wa2)

# --- scband reference (transcript-rebuilt; emitter-appended) ---
"""Pipeline reference for scband-fuse-mo-e-25709674234437 (READ-ONLY COPY).

The authoritative reference and input builder live on the scoring server;
editing this copy changes nothing except your own understanding.
"""

import jax, jax.numpy as jnp
import numpy as np

K = 3

def conv2d(x, w, pad):
    return jax.lax.conv_general_dilated(x, w, window_strides=(1, 1), padding=[(pad, pad), (pad, pad)], dimension_numbers=('NCHW', 'OIHW', 'NCHW'))

def setup_inputs(seed: int = 0):
    key = jax.random.key(seed)
    ks = jax.random.split(key, 8)
    B, C, H, W = 8, 96, 224, 224
    F1 = jax.random.normal(ks[0], (B, C, H, W), dtype=jnp.float32)
    F2 = jax.random.normal(ks[1], (B, C, H, W), dtype=jnp.float32)
    fr = jax.random.normal(ks[2], (B, 3, H, W), dtype=jnp.float32)
    # learned params
    W_fr = jax.random.normal(ks[3], (C, 3, 1, 1), dtype=jnp.float32) * (1.0 / np.sqrt(3))
    W_last = jax.random.normal(ks[4], (3, 6, 3, 3), dtype=jnp.float32) * (1.0 / np.sqrt(6 * 9))
    b_last = jnp.zeros((3,), dtype=jnp.float32)
    W_att1 = jax.random.normal(ks[5], (8, 3, 3, 3), dtype=jnp.float32) * (1.0 / np.sqrt(3 * 9))
    W_att2 = jax.random.normal(ks[6], (3, 8, 1, 1), dtype=jnp.float32) * (1.0 / np.sqrt(8))
    return {"F1": F1, "F2": F2, "fr": fr, "W_fr": W_fr, "W_last": W_last, "b_last": b_last, "W_att1": W_att1, "W_att2": W_att2}

def reference(F1, F2, fr, W_fr, W_last, b_last, W_att1, W_att2):
    # gating network
    x1 = jnp.mean(F1, axis=(2, 3))  # [B, C]
    x2 = jnp.mean(F2, axis=(2, 3))  # [B, C]
    frc = conv2d(fr, W_fr, 0)       # 1x1 conv, [B, C, H, W]
    frp = jnp.mean(frc, axis=(2, 3))  # [B, C]
    dist1 = -jnp.abs(frp - x1)
    dist2 = -jnp.abs(frp - x2)
    tv1, ti1 = jax.lax.top_k(dist1, K)
    tv2, ti2 = jax.lax.top_k(dist2, K)
    w1 = jax.nn.softmax(tv1, axis=1)
    w2 = jax.nn.softmax(tv2, axis=1)
    # expert (channel) selection via gather
    F1_sel = jnp.take_along_axis(F1, ti1[:, :, None, None], axis=1)  # [B, K, H, W]
    F2_sel = jnp.take_along_axis(F2, ti2[:, :, None, None], axis=1)
    F1_out = F1_sel * w1[:, :, None, None]
    F2_out = F2_sel * w2[:, :, None, None]
    F_cat = jnp.concatenate([F1_out, F2_out], axis=1)  # [B, 6, H, W]
    F_fused = conv2d(F_cat, W_last, 1) + b_last[None, :, None, None]
    h = conv2d(F_fused, W_att1, 1)
    h = jax.nn.relu(h)
    h = conv2d(h, W_att2, 0)
    return jax.nn.sigmoid(h)

if __name__ == "__main__":
    import jax
    _d = setup_inputs()
    print(jax.jit(kernel)(*tuple(_d.values())))

</pallas_src>

<mosaic_0001>
#map = affine_map<(d0, d1) -> (0)>
#map1 = affine_map<(d0, d1) -> (0, 0, 0)>
module attributes {stable_mosaic.version = 14 : i64} {
  func.func @_sc_gather_body(%arg0: i32, %arg1: i32, %arg2: memref<64xi32, #tpu.memory_space<hbm>>, %arg3: memref<768x224x224xf32, #tpu.memory_space<hbm>>, %arg4: memref<768x224x224xf32, #tpu.memory_space<hbm>>, %arg5: memref<48x224x224xf32, #tpu.memory_space<hbm>>, %arg6: memref<64xi32, #tpu.memory_space<vmem>>, %arg7: memref<224x224xf32, #tpu.memory_space<vmem>>, %arg8: memref<!tpu.dma_semaphore, #tpu.memory_space<semaphore_mem>>) attributes {dimension_semantics = [#tpu.dimension_semantics<core_parallel>, #tpu.dimension_semantics<subcore_parallel>], iteration_bounds = array<i64: 2, 16>, scalar_prefetch = 0 : i64, scratch_operands = 3 : i64, tpu.core_type = #tpu.core_type<sc_vector_subcore>, window_params = [{transform_indices = #map}, {transform_indices = #map1}, {transform_indices = #map1}, {transform_indices = #map1}]} {
    %mul3A = arith.constant 2 : i32
    %mul3A_0 = arith.muli %arg1, %mul3A : i32
    %add3A = arith.addi %mul3A_0, %arg0 : i32
    "tpu.region"() ({
      %run_scoped3A = tpu.sem_alloc : memref<!tpu.dma_semaphore, #tpu.memory_space<semaphore_mem>>
      tpu.enqueue_dma source(%arg2 : memref<64xi32, #tpu.memory_space<hbm>>) target(%arg6 : memref<64xi32, #tpu.memory_space<vmem>>) target_semaphore(%run_scoped3A : memref<!tpu.dma_semaphore, #tpu.memory_space<semaphore_mem>>)
      tpu.wait_dma2 semaphore(%run_scoped3A : memref<!tpu.dma_semaphore, #tpu.memory_space<semaphore_mem>>) src(%arg2 : memref<64xi32, #tpu.memory_space<hbm>>) dst(%arg6 : memref<64xi32, #tpu.memory_space<vmem>>)
      tpu.yield
    }) : () -> ()
    %iota3A = tpu.iota {dimensions = array<i32: 0>} : vector<16xi32>
    %get3A = arith.constant 0 : index
    %get3A_1 = tpu.vector_load %arg6[%get3A] {strides = array<i32>} : memref<64xi32, #tpu.memory_space<vmem>>, vector<16xi32>,
    %get3A_2 = arith.constant 16 : index
    %get3A_3 = tpu.vector_load %arg6[%get3A_2] {strides = array<i32>} : memref<64xi32, #tpu.memory_space<vmem>>, vector<16xi32>,
    %get3A_4 = arith.constant 32 : index
    %get3A_5 = tpu.vector_load %arg6[%get3A_4] {strides = array<i32>} : memref<64xi32, #tpu.memory_space<vmem>>, vector<16xi32>,
    %get3A_6 = arith.constant 48 : index
    %get3A_7 = tpu.vector_load %arg6[%get3A_6] {strides = array<i32>} : memref<64xi32, #tpu.memory_space<vmem>>, vector<16xi32>,
    %jit3A = arith.constant 6 : i32
    %div3A = arith.divsi %add3A, %jit3A : i32
    %sign3A = arith.constant 0 : i32
    %sign3A_8 = arith.cmpi sgt, %add3A, %sign3A : i32
    %sign3A_9 = arith.extui %sign3A_8 : i1 to i32
    %sign3A_10 = arith.constant 0 : i32
    %sign3A_11 = arith.cmpi slt, %add3A, %sign3A_10 : i32
    %sign3A_12 = arith.extui %sign3A_11 : i1 to i32
    %sign3A_13 = arith.subi %sign3A_9, %sign3A_12 : i32
    %sign3A_14 = arith.constant 0 : i32
    %sign3A_15 = arith.cmpi sgt, %jit3A, %sign3A_14 : i32
    %sign3A_16 = arith.extui %sign3A_15 : i1 to i32
    %sign3A_17 = arith.constant 0 : i32
    %sign3A_18 = arith.cmpi slt, %jit3A, %sign3A_17 : i32
    %sign3A_19 = arith.extui %sign3A_18 : i1 to i32
    %sign3A_20 = arith.subi %sign3A_16, %sign3A_19 : i32
    %ne3A = arith.cmpi ne, %sign3A_13, %sign3A_20 : i32
    %rem3A = arith.remsi %add3A, %jit3A : i32
    %ne3A_21 = arith.constant 0 : i32
    %ne3A_22 = arith.cmpi ne, %rem3A, %ne3A_21 : i32
    %and3A = arith.andi %ne3A, %ne3A_22 : i1
    %sub3A = arith.constant 1 : i32
    %sub3A_23 = arith.subi %div3A, %sub3A : i32
    %select_n3A = arith.select %and3A, %sub3A_23, %div3A : i32
    %mul3A_24 = arith.constant 6 : i32
    %mul3A_25 = arith.muli %select_n3A, %mul3A_24 : i32
    %sub3A_26 = arith.subi %add3A, %mul3A_25 : i32
    %mul3A_27 = arith.constant 8 : i32
    %mul3A_28 = arith.muli %select_n3A, %mul3A_27 : i32
    %add3A_29 = arith.addi %mul3A_28, %sub3A_26 : i32
    %jit3A_30 = arith.constant 16 : i32
    %div3A_31 = arith.divsi %add3A_29, %jit3A_30 : i32
    %sign3A_32 = arith.constant 0 : i32
    %sign3A_33 = arith.cmpi sgt, %add3A_29, %sign3A_32 : i32
    %sign3A_34 = arith.extui %sign3A_33 : i1 to i32
    %sign3A_35 = arith.constant 0 : i32
    %sign3A_36 = arith.cmpi slt, %add3A_29, %sign3A_35 : i32
    %sign3A_37 = arith.extui %sign3A_36 : i1 to i32
    %sign3A_38 = arith.subi %sign3A_34, %sign3A_37 : i32
    %sign3A_39 = arith.constant 0 : i32
    %sign3A_40 = arith.cmpi sgt, %jit3A_30, %sign3A_39 : i32
    %sign3A_41 = arith.extui %sign3A_40 : i1 to i32
    %sign3A_42 = arith.constant 0 : i32
    %sign3A_43 = arith.cmpi slt, %jit3A_30, %sign3A_42 : i32
    %sign3A_44 = arith.extui %sign3A_43 : i1 to i32
    %sign3A_45 = arith.subi %sign3A_41, %sign3A_44 : i32
    %ne3A_46 = arith.cmpi ne, %sign3A_38, %sign3A_45 : i32
    %rem3A_47 = arith.remsi %add3A_29, %jit3A_30 : i32
    %ne3A_48 = arith.constant 0 : i32
    %ne3A_49 = arith.cmpi ne, %rem3A_47, %ne3A_48 : i32
    %and3A_50 = arith.andi %ne3A_46, %ne3A_49 : i1
    %sub3A_51 = arith.constant 1 : i32
    %sub3A_52 = arith.subi %div3A_31, %sub3A_51 : i32
    %select_n3A_53 = arith.select %and3A_50, %sub3A_52, %div3A_31 : i32
    %mul3A_54 = arith.constant 16 : i32
    %mul3A_55 = arith.muli %select_n3A_53, %mul3A_54 : i32
    %sub3A_56 = arith.subi %add3A_29, %mul3A_55 : i32
    %broadcast_in_dim3A = vector.broadcast %select_n3A_53 : i32 to vector<16xi32>
    %eq3A = arith.constant 0 : i32
    %eq3A_57 = vector.broadcast %eq3A : i32 to vector<16xi32>
    %eq3A_58 = arith.cmpi eq, %broadcast_in_dim3A, %eq3A_57 : vector<16xi32>
    %eq3A_59 = arith.constant 1 : i32
    %eq3A_60 = vector.broadcast %eq3A_59 : i32 to vector<16xi32>
    %eq3A_61 = arith.cmpi eq, %broadcast_in_dim3A, %eq3A_60 : vector<16xi32>
    %eq3A_62 = arith.constant 2 : i32
    %eq3A_63 = vector.broadcast %eq3A_62 : i32 to vector<16xi32>
    %eq3A_64 = arith.cmpi eq, %broadcast_in_dim3A, %eq3A_63 : vector<16xi32>
    %select_n3A_65 = arith.select %eq3A_64, %get3A_5, %get3A_7 : vector<16xi1>, vector<16xi32>
    %select_n3A_66 = arith.select %eq3A_61, %get3A_3, %select_n3A_65 : vector<16xi1>, vector<16xi32>
    %select_n3A_67 = arith.select %eq3A_58, %get3A_1, %select_n3A_66 : vector<16xi1>, vector<16xi32>
    %broadcast_in_dim3A_68 = vector.broadcast %sub3A_56 : i32 to vector<16xi32>
    %eq3A_69 = arith.cmpi eq, %iota3A, %broadcast_in_dim3A_68 : vector<16xi32>
    %jit3A_70 = arith.constant 0 : i32
    %broadcast_in_dim3A_71 = vector.broadcast %jit3A_70 : i32 to vector<16xi32>
    %select_n3A_72 = arith.select %eq3A_69, %select_n3A_67, %broadcast_in_dim3A_71 : vector<16xi1>, vector<16xi32>
    %reduce_sum3A = arith.constant true
    %reduce_sum3A_73 = vector.broadcast %reduce_sum3A : i1 to vector<16xi1>
    %reduce_sum3A_74 = tpu.scan <sum>, %select_n3A_72 masked %reduce_sum3A_73 : vector<16xi32>, vector<16xi1> -> vector<16xi32>
    %reduce_sum3A_75 = vector.extract %reduce_sum3A_74[15] : i32 from vector<16xi32>
    %lt3A = arith.constant 3 : i32
    %lt3A_76 = arith.cmpi slt, %sub3A_26, %lt3A : i32
    %convert_element_type3A = arith.extui %lt3A_76 : i1 to i32
    %cond3A = arith.constant 0 : i32
    %cond3A_77 = arith.cmpi ne, %convert_element_type3A, %cond3A : i32
    scf.if %cond3A_77 {
      %dma_start3A = arith.constant 0 : i32
      %dma_start3A_87 = arith.constant 0 : i32
      %dma_start3A_88 = tpu.memref_slice %arg3[%reduce_sum3A_75, %dma_start3A, %dma_start3A_87] : memref<768x224x224xf32, #tpu.memory_space<hbm>> -> memref<1x224x224xf32, #tpu.memory_space<hbm>>
      %dma_start3A_89 = tpu.memref_squeeze %dma_start3A_88 : memref<1x224x224xf32, #tpu.memory_space<hbm>> -> memref<224x224xf32, #tpu.memory_space<hbm>>
      %dma_start3A_90 = arith.constant 0 : i32
      %dma_start3A_91 = arith.constant 0 : i32
      %dma_start3A_92 = tpu.memref_slice %arg3[%reduce_sum3A_75, %dma_start3A_90, %dma_start3A_91] : memref<768x224x224xf32, #tpu.memory_space<hbm>> -> memref<1x224x224xf32, #tpu.memory_space<hbm>>
      %dma_start3A_93 = tpu.memref_squeeze %dma_start3A_92 : memref<1x224x224xf32, #tpu.memory_space<hbm>> -> memref<224x224xf32, #tpu.memory_space<hbm>>
      tpu.enqueue_dma source(%dma_start3A_93 : memref<224x224xf32, #tpu.memory_space<hbm>>) target(%arg7 : memref<224x224xf32, #tpu.memory_space<vmem>>) target_semaphore(%arg8 : memref<!tpu.dma_semaphore, #tpu.memory_space<semaphore_mem>>)
      %dma_wait3A = arith.constant 0 : i32
      %dma_wait3A_94 = arith.constant 0 : i32
      %dma_wait3A_95 = tpu.memref_slice %arg3[%reduce_sum3A_75, %dma_wait3A, %dma_wait3A_94] : memref<768x224x224xf32, #tpu.memory_space<hbm>> -> memref<1x224x224xf32, #tpu.memory_space<hbm>>
      %dma_wait3A_96 = tpu.memref_squeeze %dma_wait3A_95 : memref<1x224x224xf32, #tpu.memory_space<hbm>> -> memref<224x224xf32, #tpu.memory_space<hbm>>
      %dma_wait3A_97 = arith.constant 0 : i32
      %dma_wait3A_98 = arith.constant 0 : i32
      %dma_wait3A_99 = tpu.memref_slice %arg3[%reduce_sum3A_75, %dma_wait3A_97, %dma_wait3A_98] : memref<768x224x224xf32, #tpu.memory_space<hbm>> -> memref<1x224x224xf32, #tpu.memory_space<hbm>>
      %dma_wait3A_100 = tpu.memref_squeeze %dma_wait3A_99 : memref<1x224x224xf32, #tpu.memory_space<hbm>> -> memref<224x224xf32, #tpu.memory_space<hbm>>
      tpu.wait_dma2 semaphore(%arg8 : memref<!tpu.dma_semaphore, #tpu.memory_space<semaphore_mem>>) src(%dma_wait3A_100 : memref<224x224xf32, #tpu.memory_space<hbm>>) dst(%arg7 : memref<224x224xf32, #tpu.memory_space<vmem>>)
    } else {
    }
    %ge3A = arith.constant 3 : i32
    %ge3A_78 = arith.cmpi sge, %sub3A_26, %ge3A : i32
    %convert_element_type3A_79 = arith.extui %ge3A_78 : i1 to i32
    %cond3A_80 = arith.constant 0 : i32
    %cond3A_81 = arith.cmpi ne, %convert_element_type3A_79, %cond3A_80 : i32
    scf.if %cond3A_81 {
      %dma_start3A = arith.constant 0 : i32
      %dma_start3A_87 = arith.constant 0 : i32
      %dma_start3A_88 = tpu.memref_slice %arg4[%reduce_sum3A_75, %dma_start3A, %dma_start3A_87] : memref<768x224x224xf32, #tpu.memory_space<hbm>> -> memref<1x224x224xf32, #tpu.memory_space<hbm>>
      %dma_start3A_89 = tpu.memref_squeeze %dma_start3A_88 : memref<1x224x224xf32, #tpu.memory_space<hbm>> -> memref<224x224xf32, #tpu.memory_space<hbm>>
      %dma_start3A_90 = arith.constant 0 : i32
      %dma_start3A_91 = arith.constant 0 : i32
      %dma_start3A_92 = tpu.memref_slice %arg4[%reduce_sum3A_75, %dma_start3A_90, %dma_start3A_91] : memref<768x224x224xf32, #tpu.memory_space<hbm>> -> memref<1x224x224xf32, #tpu.memory_space<hbm>>
      %dma_start3A_93 = tpu.memref_squeeze %dma_start3A_92 : memref<1x224x224xf32, #tpu.memory_space<hbm>> -> memref<224x224xf32, #tpu.memory_space<hbm>>
      tpu.enqueue_dma source(%dma_start3A_93 : memref<224x224xf32, #tpu.memory_space<hbm>>) target(%arg7 : memref<224x224xf32, #tpu.memory_space<vmem>>) target_semaphore(%arg8 : memref<!tpu.dma_semaphore, #tpu.memory_space<semaphore_mem>>)
      %dma_wait3A = arith.constant 0 : i32
      %dma_wait3A_94 = arith.constant 0 : i32
      %dma_wait3A_95 = tpu.memref_slice %arg4[%reduce_sum3A_75, %dma_wait3A, %dma_wait3A_94] : memref<768x224x224xf32, #tpu.memory_space<hbm>> -> memref<1x224x224xf32, #tpu.memory_space<hbm>>
      %dma_wait3A_96 = tpu.memref_squeeze %dma_wait3A_95 : memref<1x224x224xf32, #tpu.memory_space<hbm>> -> memref<224x224xf32, #tpu.memory_space<hbm>>
      %dma_wait3A_97 = arith.constant 0 : i32
      %dma_wait3A_98 = arith.constant 0 : i32
      %dma_wait3A_99 = tpu.memref_slice %arg4[%reduce_sum3A_75, %dma_wait3A_97, %dma_wait3A_98] : memref<768x224x224xf32, #tpu.memory_space<hbm>> -> memref<1x224x224xf32, #tpu.memory_space<hbm>>
      %dma_wait3A_100 = tpu.memref_squeeze %dma_wait3A_99 : memref<1x224x224xf32, #tpu.memory_space<hbm>> -> memref<224x224xf32, #tpu.memory_space<hbm>>
      tpu.wait_dma2 semaphore(%arg8 : memref<!tpu.dma_semaphore, #tpu.memory_space<semaphore_mem>>) src(%dma_wait3A_100 : memref<224x224xf32, #tpu.memory_space<hbm>>) dst(%arg7 : memref<224x224xf32, #tpu.memory_space<vmem>>)
    } else {
    }
    "tpu.region"() ({
      %run_scoped3A = tpu.sem_alloc : memref<!tpu.dma_semaphore, #tpu.memory_space<semaphore_mem>>
      %dma_start3A = arith.constant 0 : i32
      %dma_start3A_87 = arith.constant 0 : i32
      %dma_start3A_88 = tpu.memref_slice %arg5[%add3A, %dma_start3A, %dma_start3A_87] : memref<48x224x224xf32, #tpu.memory_space<hbm>> -> memref<1x224x224xf32, #tpu.memory_space<hbm>>
      %dma_start3A_89 = tpu.memref_squeeze %dma_start3A_88 : memref<1x224x224xf32, #tpu.memory_space<hbm>> -> memref<224x224xf32, #tpu.memory_space<hbm>>
      %dma_start3A_90 = arith.constant 0 : i32
      %dma_start3A_91 = arith.constant 0 : i32
      %dma_start3A_92 = tpu.memref_slice %arg5[%add3A, %dma_start3A_90, %dma_start3A_91] : memref<48x224x224xf32, #tpu.memory_space<hbm>> -> memref<1x224x224xf32, #tpu.memory_space<hbm>>
      %dma_start3A_93 = tpu.memref_squeeze %dma_start3A_92 : memref<1x224x224xf32, #tpu.memory_space<hbm>> -> memref<224x224xf32, #tpu.memory_space<hbm>>
      tpu.enqueue_dma source(%arg7 : memref<224x224xf32, #tpu.memory_space<vmem>>) target(%dma_start3A_93 : memref<224x224xf32, #tpu.memory_space<hbm>>) target_semaphore(%run_scoped3A : memref<!tpu.dma_semaphore, #tpu.memory_space<semaphore_mem>>)
      %dma_wait3A = arith.constant 0 : i32
      %dma_wait3A_94 = arith.constant 0 : i32
      %dma_wait3A_95 = tpu.memref_slice %arg5[%add3A, %dma_wait3A, %dma_wait3A_94] : memref<48x224x224xf32, #tpu.memory_space<hbm>> -> memref<1x224x224xf32, #tpu.memory_space<hbm>>
      %dma_wait3A_96 = tpu.memref_squeeze %dma_wait3A_95 : memref<1x224x224xf32, #tpu.memory_space<hbm>> -> memref<224x224xf32, #tpu.memory_space<hbm>>
      %dma_wait3A_97 = arith.constant 0 : i32
      %dma_wait3A_98 = arith.constant 0 : i32
      %dma_wait3A_99 = tpu.memref_slice %arg5[%add3A, %dma_wait3A_97, %dma_wait3A_98] : memref<48x224x224xf32, #tpu.memory_space<hbm>> -> memref<1x224x224xf32, #tpu.memory_space<hbm>>
      %dma_wait3A_100 = tpu.memref_squeeze %dma_wait3A_99 : memref<1x224x224xf32, #tpu.memory_space<hbm>> -> memref<224x224xf32, #tpu.memory_space<hbm>>
      tpu.wait_dma2 semaphore(%run_scoped3A : memref<!tpu.dma_semaphore, #tpu.memory_space<semaphore_mem>>) src(%arg7 : memref<224x224xf32, #tpu.memory_space<vmem>>) dst(%dma_wait3A_100 : memref<224x224xf32, #tpu.memory_space<hbm>>)
      tpu.yield
    }) : () -> ()
    %lt3A_82 = arith.constant 16 : i32
    %lt3A_83 = arith.cmpi slt, %add3A, %lt3A_82 : i32
    %convert_element_type3A_84 = arith.extui %lt3A_83 : i1 to i32
    %cond3A_85 = arith.constant 0 : i32
    %cond3A_86 = arith.cmpi ne, %convert_element_type3A_84, %cond3A_85 : i32
    scf.if %cond3A_86 {
      %add3A_87 = arith.constant 32 : i32
      %add3A_88 = arith.addi %add3A, %add3A_87 : i32
      %jit3A_89 = arith.constant 6 : i32
      %div3A_90 = arith.divsi %add3A_88, %jit3A_89 : i32
      %sign3A_91 = arith.constant 0 : i32
      %sign3A_92 = arith.cmpi sgt, %add3A_88, %sign3A_91 : i32
      %sign3A_93 = arith.extui %sign3A_92 : i1 to i32
      %sign3A_94 = arith.constant 0 : i32
      %sign3A_95 = arith.cmpi slt, %add3A_88, %sign3A_94 : i32
      %sign3A_96 = arith.extui %sign3A_95 : i1 to i32
      %sign3A_97 = arith.subi %sign3A_93, %sign3A_96 : i32
      %sign3A_98 = arith.constant 0 : i32
      %sign3A_99 = arith.cmpi sgt, %jit3A_89, %sign3A_98 : i32
      %sign3A_100 = arith.extui %sign3A_99 : i1 to i32
      %sign3A_101 = arith.constant 0 : i32
      %sign3A_102 = arith.cmpi slt, %jit3A_89, %sign3A_101 : i32
      %sign3A_103 = arith.extui %sign3A_102 : i1 to i32
      %sign3A_104 = arith.subi %sign3A_100, %sign3A_103 : i32
      %ne3A_105 = arith.cmpi ne, %sign3A_97, %sign3A_104 : i32
      %rem3A_106 = arith.remsi %add3A_88, %jit3A_89 : i32
      %ne3A_107 = arith.constant 0 : i32
      %ne3A_108 = arith.cmpi ne, %rem3A_106, %ne3A_107 : i32
      %and3A_109 = arith.andi %ne3A_105, %ne3A_108 : i1
      %sub3A_110 = arith.constant 1 : i32
      %sub3A_111 = arith.subi %div3A_90, %sub3A_110 : i32
      %select_n3A_112 = arith.select %and3A_109, %sub3A_111, %div3A_90 : i32
      %mul3A_113 = arith.constant 6 : i32
      %mul3A_114 = arith.muli %select_n3A_112, %mul3A_113 : i32
      %sub3A_115 = arith.subi %add3A_88, %mul3A_114 : i32
      %mul3A_116 = arith.constant 8 : i32
      %mul3A_117 = arith.muli %select_n3A_112, %mul3A_116 : i32
      %add3A_118 = arith.addi %mul3A_117, %sub3A_115 : i32
      %jit3A_119 = arith.constant 16 : i32
      %div3A_120 = arith.divsi %add3A_118, %jit3A_119 : i32
      %sign3A_121 = arith.constant 0 : i32
      %sign3A_122 = arith.cmpi sgt, %add3A_118, %sign3A_121 : i32
      %sign3A_123 = arith.extui %sign3A_122 : i1 to i32
      %sign3A_124 = arith.constant 0 : i32
      %sign3A_125 = arith.cmpi slt, %add3A_118, %sign3A_124 : i32
      %sign3A_126 = arith.extui %sign3A_125 : i1 to i32
      %sign3A_127 = arith.subi %sign3A_123, %sign3A_126 : i32
      %sign3A_128 = arith.constant 0 : i32
      %sign3A_129 = arith.cmpi sgt, %jit3A_119, %sign3A_128 : i32
      %sign3A_130 = arith.extui %sign3A_129 : i1 to i32
      %sign3A_131 = arith.constant 0 : i32
      %sign3A_132 = arith.cmpi slt, %jit3A_119, %sign3A_131 : i32
      %sign3A_133 = arith.extui %sign3A_132 : i1 to i32
      %sign3A_134 = arith.subi %sign3A_130, %sign3A_133 : i32
      %ne3A_135 = arith.cmpi ne, %sign3A_127, %sign3A_134 : i32
      %rem3A_136 = arith.remsi %add3A_118, %jit3A_119 : i32
      %ne3A_137 = arith.constant 0 : i32
      %ne3A_138 = arith.cmpi ne, %rem3A_136, %ne3A_137 : i32
      %and3A_139 = arith.andi %ne3A_135, %ne3A_138 : i1
      %sub3A_140 = arith.constant 1 : i32
      %sub3A_141 = arith.subi %div3A_120, %sub3A_140 : i32
      %select_n3A_142 = arith.select %and3A_139, %sub3A_141, %div3A_120 : i32
      %mul3A_143 = arith.constant 16 : i32
      %mul3A_144 = arith.muli %select_n3A_142, %mul3A_143 : i32
      %sub3A_145 = arith.subi %add3A_118, %mul3A_144 : i32
      %broadcast_in_dim3A_146 = vector.broadcast %select_n3A_142 : i32 to vector<16xi32>
      %eq3A_147 = arith.constant 0 : i32
      %eq3A_148 = vector.broadcast %eq3A_147 : i32 to vector<16xi32>
      %eq3A_149 = arith.cmpi eq, %broadcast_in_dim3A_146, %eq3A_148 : vector<16xi32>
      %eq3A_150 = arith.constant 1 : i32
      %eq3A_151 = vector.broadcast %eq3A_150 : i32 to vector<16xi32>
      %eq3A_152 = arith.cmpi eq, %broadcast_in_dim3A_146, %eq3A_151 : vector<16xi32>
      %eq3A_153 = arith.constant 2 : i32
      %eq3A_154 = vector.broadcast %eq3A_153 : i32 to vector<16xi32>
      %eq3A_155 = arith.cmpi eq, %broadcast_in_dim3A_146, %eq3A_154 : vector<16xi32>
      %select_n3A_156 = arith.select %eq3A_155, %get3A_5, %get3A_7 : vector<16xi1>, vector<16xi32>
      %select_n3A_157 = arith.select %eq3A_152, %get3A_3, %select_n3A_156 : vector<16xi1>, vector<16xi32>
      %select_n3A_158 = arith.select %eq3A_149, %get3A_1, %select_n3A_157 : vector<16xi1>, vector<16xi32>
      %broadcast_in_dim3A_159 = vector.broadcast %sub3A_145 : i32 to vector<16xi32>
      %eq3A_160 = arith.cmpi eq, %iota3A, %broadcast_in_dim3A_159 : vector<16xi32>
      %jit3A_161 = arith.constant 0 : i32
      %broadcast_in_dim3A_162 = vector.broadcast %jit3A_161 : i32 to vector<16xi32>
      %select_n3A_163 = arith.select %eq3A_160, %select_n3A_158, %broadcast_in_dim3A_162 : vector<16xi1>, vector<16xi32>
      %reduce_sum3A_164 = arith.constant true
      %reduce_sum3A_165 = vector.broadcast %reduce_sum3A_164 : i1 to vector<16xi1>
      %reduce_sum3A_166 = tpu.scan <sum>, %select_n3A_163 masked %reduce_sum3A_165 : vector<16xi32>, vector<16xi1> -> vector<16xi32>
      %reduce_sum3A_167 = vector.extract %reduce_sum3A_166[15] : i32 from vector<16xi32>
      %lt3A_168 = arith.constant 3 : i32
      %lt3A_169 = arith.cmpi slt, %sub3A_115, %lt3A_168 : i32
      %convert_element_type3A_170 = arith.extui %lt3A_169 : i1 to i32
      %cond3A_171 = arith.constant 0 : i32
      %cond3A_172 = arith.cmpi ne, %convert_element_type3A_170, %cond3A_171 : i32
      scf.if %cond3A_172 {
        %dma_start3A = arith.constant 0 : i32
        %dma_start3A_178 = arith.constant 0 : i32
        %dma_start3A_179 = tpu.memref_slice %arg3[%reduce_sum3A_167, %dma_start3A, %dma_start3A_178] : memref<768x224x224xf32, #tpu.memory_space<hbm>> -> memref<1x224x224xf32, #tpu.memory_space<hbm>>
        %dma_start3A_180 = tpu.memref_squeeze %dma_start3A_179 : memref<1x224x224xf32, #tpu.memory_space<hbm>> -> memref<224x224xf32, #tpu.memory_space<hbm>>
        %dma_start3A_181 = arith.constant 0 : i32
        %dma_start3A_182 = arith.constant 0 : i32
        %dma_start3A_183 = tpu.memref_slice %arg3[%reduce_sum3A_167, %dma_start3A_181, %dma_start3A_182] : memref<768x224x224xf32, #tpu.memory_space<hbm>> -> memref<1x224x224xf32, #tpu.memory_space<hbm>>
        %dma_start3A_184 = tpu.memref_squeeze %dma_start3A_183 : memref<1x224x224xf32, #tpu.memory_space<hbm>> -> memref<224x224xf32, #tpu.memory_space<hbm>>
        tpu.enqueue_dma source(%dma_start3A_184 : memref<224x224xf32, #tpu.memory_space<hbm>>) target(%arg7 : memref<224x224xf32, #tpu.memory_space<vmem>>) target_semaphore(%arg8 : memref<!tpu.dma_semaphore, #tpu.memory_space<semaphore_mem>>)
        %dma_wait3A = arith.constant 0 : i32
        %dma_wait3A_185 = arith.constant 0 : i32
        %dma_wait3A_186 = tpu.memref_slice %arg3[%reduce_sum3A_167, %dma_wait3A, %dma_wait3A_185] : memref<768x224x224xf32, #tpu.memory_space<hbm>> -> memref<1x224x224xf32, #tpu.memory_space<hbm>>
        %dma_wait3A_187 = tpu.memref_squeeze %dma_wait3A_186 : memref<1x224x224xf32, #tpu.memory_space<hbm>> -> memref<224x224xf32, #tpu.memory_space<hbm>>
        %dma_wait3A_188 = arith.constant 0 : i32
        %dma_wait3A_189 = arith.constant 0 : i32
        %dma_wait3A_190 = tpu.memref_slice %arg3[%reduce_sum3A_167, %dma_wait3A_188, %dma_wait3A_189] : memref<768x224x224xf32, #tpu.memory_space<hbm>> -> memref<1x224x224xf32, #tpu.memory_space<hbm>>
        %dma_wait3A_191 = tpu.memref_squeeze %dma_wait3A_190 : memref<1x224x224xf32, #tpu.memory_space<hbm>> -> memref<224x224xf32, #tpu.memory_space<hbm>>
        tpu.wait_dma2 semaphore(%arg8 : memref<!tpu.dma_semaphore, #tpu.memory_space<semaphore_mem>>) src(%dma_wait3A_191 : memref<224x224xf32, #tpu.memory_space<hbm>>) dst(%arg7 : memref<224x224xf32, #tpu.memory_space<vmem>>)
      } else {
      }
      %ge3A_173 = arith.constant 3 : i32
      %ge3A_174 = arith.cmpi sge, %sub3A_115, %ge3A_173 : i32
      %convert_element_type3A_175 = arith.extui %ge3A_174 : i1 to i32
      %cond3A_176 = arith.constant 0 : i32
      %cond3A_177 = arith.cmpi ne, %convert_element_type3A_175, %cond3A_176 : i32
      scf.if %cond3A_177 {
        %dma_start3A = arith.constant 0 : i32
        %dma_start3A_178 = arith.constant 0 : i32
        %dma_start3A_179 = tpu.memref_slice %arg4[%reduce_sum3A_167, %dma_start3A, %dma_start3A_178] : memref<768x224x224xf32, #tpu.memory_space<hbm>> -> memref<1x224x224xf32, #tpu.memory_space<hbm>>
        %dma_start3A_180 = tpu.memref_squeeze %dma_start3A_179 : memref<1x224x224xf32, #tpu.memory_space<hbm>> -> memref<224x224xf32, #tpu.memory_space<hbm>>
        %dma_start3A_181 = arith.constant 0 : i32
        %dma_start3A_182 = arith.constant 0 : i32
        %dma_start3A_183 = tpu.memref_slice %arg4[%reduce_sum3A_167, %dma_start3A_181, %dma_start3A_182] : memref<768x224x224xf32, #tpu.memory_space<hbm>> -> memref<1x224x224xf32, #tpu.memory_space<hbm>>
        %dma_start3A_184 = tpu.memref_squeeze %dma_start3A_183 : memref<1x224x224xf32, #tpu.memory_space<hbm>> -> memref<224x224xf32, #tpu.memory_space<hbm>>
        tpu.enqueue_dma source(%dma_start3A_184 : memref<224x224xf32, #tpu.memory_space<hbm>>) target(%arg7 : memref<224x224xf32, #tpu.memory_space<vmem>>) target_semaphore(%arg8 : memref<!tpu.dma_semaphore, #tpu.memory_space<semaphore_mem>>)
        %dma_wait3A = arith.constant 0 : i32
        %dma_wait3A_185 = arith.constant 0 : i32
        %dma_wait3A_186 = tpu.memref_slice %arg4[%reduce_sum3A_167, %dma_wait3A, %dma_wait3A_185] : memref<768x224x224xf32, #tpu.memory_space<hbm>> -> memref<1x224x224xf32, #tpu.memory_space<hbm>>
        %dma_wait3A_187 = tpu.memref_squeeze %dma_wait3A_186 : memref<1x224x224xf32, #tpu.memory_space<hbm>> -> memref<224x224xf32, #tpu.memory_space<hbm>>
        %dma_wait3A_188 = arith.constant 0 : i32
        %dma_wait3A_189 = arith.constant 0 : i32
        %dma_wait3A_190 = tpu.memref_slice %arg4[%reduce_sum3A_167, %dma_wait3A_188, %dma_wait3A_189] : memref<768x224x224xf32, #tpu.memory_space<hbm>> -> memref<1x224x224xf32, #tpu.memory_space<hbm>>
        %dma_wait3A_191 = tpu.memref_squeeze %dma_wait3A_190 : memref<1x224x224xf32, #tpu.memory_space<hbm>> -> memref<224x224xf32, #tpu.memory_space<hbm>>
        tpu.wait_dma2 semaphore(%arg8 : memref<!tpu.dma_semaphore, #tpu.memory_space<semaphore_mem>>) src(%dma_wait3A_191 : memref<224x224xf32, #tpu.memory_space<hbm>>) dst(%arg7 : memref<224x224xf32, #tpu.memory_space<vmem>>)
      } else {
      }
      "tpu.region"() ({
        %run_scoped3A = tpu.sem_alloc : memref<!tpu.dma_semaphore, #tpu.memory_space<semaphore_mem>>
        %dma_start3A = arith.constant 0 : i32
        %dma_start3A_178 = arith.constant 0 : i32
        %dma_start3A_179 = tpu.memref_slice %arg5[%add3A_88, %dma_start3A, %dma_start3A_178] : memref<48x224x224xf32, #tpu.memory_space<hbm>> -> memref<1x224x224xf32, #tpu.memory_space<hbm>>
        %dma_start3A_180 = tpu.memref_squeeze %dma_start3A_179 : memref<1x224x224xf32, #tpu.memory_space<hbm>> -> memref<224x224xf32, #tpu.memory_space<hbm>>
        %dma_start3A_181 = arith.constant 0 : i32
        %dma_start3A_182 = arith.constant 0 : i32
        %dma_start3A_183 = tpu.memref_slice %arg5[%add3A_88, %dma_start3A_181, %dma_start3A_182] : memref<48x224x224xf32, #tpu.memory_space<hbm>> -> memref<1x224x224xf32, #tpu.memory_space<hbm>>
        %dma_start3A_184 = tpu.memref_squeeze %dma_start3A_183 : memref<1x224x224xf32, #tpu.memory_space<hbm>> -> memref<224x224xf32, #tpu.memory_space<hbm>>
        tpu.enqueue_dma source(%arg7 : memref<224x224xf32, #tpu.memory_space<vmem>>) target(%dma_start3A_184 : memref<224x224xf32, #tpu.memory_space<hbm>>) target_semaphore(%run_scoped3A : memref<!tpu.dma_semaphore, #tpu.memory_space<semaphore_mem>>)
        %dma_wait3A = arith.constant 0 : i32
        %dma_wait3A_185 = arith.constant 0 : i32
        %dma_wait3A_186 = tpu.memref_slice %arg5[%add3A_88, %dma_wait3A, %dma_wait3A_185] : memref<48x224x224xf32, #tpu.memory_space<hbm>> -> memref<1x224x224xf32, #tpu.memory_space<hbm>>
        %dma_wait3A_187 = tpu.memref_squeeze %dma_wait3A_186 : memref<1x224x224xf32, #tpu.memory_space<hbm>> -> memref<224x224xf32, #tpu.memory_space<hbm>>
        %dma_wait3A_188 = arith.constant 0 : i32
        %dma_wait3A_189 = arith.constant 0 : i32
        %dma_wait3A_190 = tpu.memref_slice %arg5[%add3A_88, %dma_wait3A_188, %dma_wait3A_189] : memref<48x224x224xf32, #tpu.memory_space<hbm>> -> memref<1x224x224xf32, #tpu.memory_space<hbm>>
        %dma_wait3A_191 = tpu.memref_squeeze %dma_wait3A_190 : memref<1x224x224xf32, #tpu.memory_space<hbm>> -> memref<224x224xf32, #tpu.memory_space<hbm>>
        tpu.wait_dma2 semaphore(%run_scoped3A : memref<!tpu.dma_semaphore, #tpu.memory_space<semaphore_mem>>) src(%arg7 : memref<224x224xf32, #tpu.memory_space<vmem>>) dst(%dma_wait3A_191 : memref<224x224xf32, #tpu.memory_space<hbm>>)
        tpu.yield
      }) : () -> ()
    } else {
    }
    return
  }
}

module attributes {stable_mosaic.version = 14 : i64} {
  func.func @_mean_body(%arg0: i32, %arg1: i32, %arg2: memref<1x16x224x224xf32, #tpu.memory_space<vmem>>, %arg3: memref<1x16x224x224xf32, #tpu.memory_space<vmem>>, %arg4: memref<1x1x1x16xf32, #tpu.memory_space<vmem>>, %arg5: memref<1x1x1x16xf32, #tpu.memory_space<vmem>>) attributes {dimension_semantics = [#tpu.dimension_semantics<parallel>, #tpu.dimension_semantics<parallel>], iteration_bounds = array<i64: 8, 6>, scalar_prefetch = 0 : i64, scratch_operands = 0 : i64, tpu.core_type = #tpu.core_type<tc>, window_params = [{transform_indices = @transform_0, window_bounds = array<i64: 1, 16, 224, 224>}, {transform_indices = @transform_1, window_bounds = array<i64: 1, 16, 224, 224>}, {transform_indices = @transform_2, window_bounds = array<i64: 1, 1, 1, 16>}, {transform_indices = @transform_3, window_bounds = array<i64: 1, 1, 1, 16>}]} {
    %get3A = arith.constant 0 : index
    %get3A_0 = arith.constant 0 : index
    %get3A_1 = arith.constant 0 : index
    %get3A_2 = arith.constant 0 : index
    %get3A_3 = vector.load %arg2[%get3A, %get3A_0, %get3A_1, %get3A_2] : memref<1x16x224x224xf32, #tpu.memory_space<vmem>>, vector<1x16x224x224xf32>
    %reduce_sum3A = arith.constant dense<0.000000e+00> : vector<1x16xf32>
    %reduce_sum3A_4 = vector.multi_reduction <add>, %get3A_3, %reduce_sum3A [2, 3] : vector<1x16x224x224xf32> to vector<1x16xf32>
    %div3A = arith.constant 5.017600e+04 : f32
    %div3A_5 = vector.broadcast %div3A : f32 to vector<1x16xf32>
    %div3A_6 = arith.divf %reduce_sum3A_4, %div3A_5 : vector<1x16xf32>
    %reshape3A = vector.shape_cast %div3A_6 : vector<1x16xf32> to vector<1x1x1x16xf32>
    %swap3A = arith.constant 0 : index
    %swap3A_7 = arith.constant 0 : index
    %swap3A_8 = arith.constant 0 : index
    %swap3A_9 = arith.constant 0 : index
    %swap3A_10 = vector.load %arg4[%swap3A, %swap3A_7, %swap3A_8, %swap3A_9] : memref<1x1x1x16xf32, #tpu.memory_space<vmem>>, vector<1x1x1x16xf32>
    tpu.vector_store %arg4[%swap3A, %swap3A_7, %swap3A_8, %swap3A_9], %reshape3A {strides = array<i32>} : memref<1x1x1x16xf32, #tpu.memory_space<vmem>>, vector<1x1x1x16xf32>,
    %get3A_11 = arith.constant 0 : index
    %get3A_12 = arith.constant 0 : index
    %get3A_13 = arith.constant 0 : index
    %get3A_14 = arith.constant 0 : index
    %get3A_15 = vector.load %arg3[%get3A_11, %get3A_12, %get3A_13, %get3A_14] : memref<1x16x224x224xf32, #tpu.memory_space<vmem>>, vector<1x16x224x224xf32>
    %reduce_sum3A_16 = arith.constant dense<0.000000e+00> : vector<1x16xf32>
    %reduce_sum3A_17 = vector.multi_reduction <add>, %get3A_15, %reduce_sum3A_16 [2, 3] : vector<1x16x224x224xf32> to vector<1x16xf32>
    %div3A_18 = arith.constant 5.017600e+04 : f32
    %div3A_19 = vector.broadcast %div3A_18 : f32 to vector<1x16xf32>
    %div3A_20 = arith.divf %reduce_sum3A_17, %div3A_19 : vector<1x16xf32>
    %reshape3A_21 = vector.shape_cast %div3A_20 : vector<1x16xf32> to vector<1x1x1x16xf32>
    %swap3A_22 = arith.constant 0 : index
    %swap3A_23 = arith.constant 0 : index
    %swap3A_24 = arith.constant 0 : index
    %swap3A_25 = arith.constant 0 : index
    %swap3A_26 = vector.load %arg5[%swap3A_22, %swap3A_23, %swap3A_24, %swap3A_25] : memref<1x1x1x16xf32, #tpu.memory_space<vmem>>, vector<1x1x1x16xf32>
    tpu.vector_store %arg5[%swap3A_22, %swap3A_23, %swap3A_24, %swap3A_25], %reshape3A_21 {strides = array<i32>} : memref<1x1x1x16xf32, #tpu.memory_space<vmem>>, vector<1x1x1x16xf32>,
    return
  }
  func.func @transform_0(%arg0: i32, %arg1: i32) -> (i32, i32, i32, i32) {
    %c0_i32 = arith.constant 0 : i32
    %c0_i32_0 = arith.constant 0 : i32
    %c0_i32_1 = arith.constant 0 : i32
    return %arg0, %arg1, %c0_i32, %c0_i32_0 : i32, i32, i32, i32
  }
  func.func @transform_1(%arg0: i32, %arg1: i32) -> (i32, i32, i32, i32) {
    %c0_i32 = arith.constant 0 : i32
    %c0_i32_0 = arith.constant 0 : i32
    %c0_i32_1 = arith.constant 0 : i32
    return %arg0, %arg1, %c0_i32, %c0_i32_0 : i32, i32, i32, i32
  }
  func.func @transform_2(%arg0: i32, %arg1: i32) -> (i32, i32, i32, i32) {
    %c0_i32 = arith.constant 0 : i32
    %c0_i32_0 = arith.constant 0 : i32
    %c0_i32_1 = arith.constant 0 : i32
    return %arg0, %arg1, %c0_i32, %c0_i32_0 : i32, i32, i32, i32
  }
  func.func @transform_3(%arg0: i32, %arg1: i32) -> (i32, i32, i32, i32) {
    %c0_i32 = arith.constant 0 : i32
    %c0_i32_0 = arith.constant 0 : i32
    %c0_i32_1 = arith.constant 0 : i32
    return %arg0, %arg1, %c0_i32, %c0_i32_0 : i32, i32, i32, i32
  }
}

module attributes {stable_mosaic.version = 14 : i64} {
  func.func @_gating_body(%arg0: memref<8x3x224x224xf32, #tpu.memory_space<vmem>>, %arg1: memref<8x96xf32, #tpu.memory_space<vmem>>, %arg2: memref<8x96xf32, #tpu.memory_space<vmem>>, %arg3: memref<3x96xf32, #tpu.memory_space<vmem>>, %arg4: memref<8x8xi32, #tpu.memory_space<vmem>>, %arg5: memref<8x3xf32, #tpu.memory_space<vmem>>, %arg6: memref<8x3xf32, #tpu.memory_space<vmem>>) attributes {dimension_semantics = [], scalar_prefetch = 0 : i64, scratch_operands = 0 : i64, tpu.core_type = #tpu.core_type<tc>} {
    %get3A = arith.constant 0 : index
    %get3A_0 = arith.constant 0 : index
    %get3A_1 = arith.constant 0 : index
    %get3A_2 = arith.constant 0 : index
    %get3A_3 = vector.load %arg0[%get3A, %get3A_0, %get3A_1, %get3A_2] : memref<8x3x224x224xf32, #tpu.memory_space<vmem>>, vector<8x3x224x224xf32>
    %convert_element_type3A = arith.truncf %get3A_3 : vector<8x3x224x224xf32> to vector<8x3x224x224xbf16>
    %convert_element_type3A_4 = arith.extf %convert_element_type3A : vector<8x3x224x224xbf16> to vector<8x3x224x224xf32>
    %get3A_5 = arith.constant 0 : index
    %get3A_6 = arith.constant 0 : index
    %get3A_7 = vector.load %arg3[%get3A_5, %get3A_6] : memref<3x96xf32, #tpu.memory_space<vmem>>, vector<3x96xf32>
    %convert_element_type3A_8 = arith.truncf %get3A_7 : vector<3x96xf32> to vector<3x96xbf16>
    %convert_element_type3A_9 = arith.extf %convert_element_type3A_8 : vector<3x96xbf16> to vector<3x96xf32>
    %reduce_sum3A = arith.constant dense<0.000000e+00> : vector<8x3xf32>
    %reduce_sum3A_10 = vector.multi_reduction <add>, %convert_element_type3A_4, %reduce_sum3A [2, 3] : vector<8x3x224x224xf32> to vector<8x3xf32>
    %div3A = arith.constant 5.017600e+04 : f32
    %div3A_11 = vector.broadcast %div3A : f32 to vector<8x3xf32>
    %div3A_12 = arith.divf %reduce_sum3A_10, %div3A_11 : vector<8x3xf32>
    %broadcast_in_dim3A = vector.shape_cast %div3A_12 : vector<8x3xf32> to vector<8x3x1xf32>
    %broadcast_in_dim3A_13 = vector.shape_cast %convert_element_type3A_9 : vector<3x96xf32> to vector<1x3x96xf32>
    %mul3A = vector.broadcast %broadcast_in_dim3A : vector<8x3x1xf32> to vector<8x3x96xf32>
    %mul3A_14 = vector.broadcast %broadcast_in_dim3A_13 : vector<1x3x96xf32> to vector<8x3x96xf32>
    %mul3A_15 = arith.mulf %mul3A, %mul3A_14 : vector<8x3x96xf32>
    %reduce_sum3A_16 = arith.constant dense<0.000000e+00> : vector<8x96xf32>
    %reduce_sum3A_17 = vector.multi_reduction <add>, %mul3A_15, %reduce_sum3A_16 [1] : vector<8x3x96xf32> to vector<8x96xf32>
    %iota3A = tpu.iota {dimensions = array<i32: 1>} : vector<8x96xi32>
    %get3A_18 = arith.constant 0 : index
    %get3A_19 = arith.constant 0 : index
    %get3A_20 = vector.load %arg1[%get3A_18, %get3A_19] : memref<8x96xf32, #tpu.memory_space<vmem>>, vector<8x96xf32>
    %sub3A = arith.subf %reduce_sum3A_17, %get3A_20 : vector<8x96xf32>
    %abs3A = math.absf %sub3A : vector<8x96xf32>
    %neg3A = arith.constant 0.000000e+00 : f32
    %neg3A_21 = vector.broadcast %neg3A : f32 to vector<8x96xf32>
    %neg3A_22 = arith.subf %neg3A_21, %abs3A : vector<8x96xf32>
    %reduce_max3A = arith.constant dense<0xFF800000> : vector<8xf32>
    %reduce_max3A_23 = vector.multi_reduction <maximumf>, %neg3A_22, %reduce_max3A [1] : vector<8x96xf32> to vector<8xf32>
    %broadcast_in_dim3A_24 = vector.shape_cast %reduce_max3A_23 : vector<8xf32> to vector<8x1xf32>
    %eq3A = vector.broadcast %broadcast_in_dim3A_24 : vector<8x1xf32> to vector<8x96xf32>
    %eq3A_25 = arith.cmpf oeq, %neg3A_22, %eq3A : vector<8x96xf32>
    %jit3A = arith.constant 96 : i32
    %broadcast_in_dim3A_26 = vector.broadcast %jit3A : i32 to vector<8x96xi32>
    %select_n3A = arith.select %eq3A_25, %iota3A, %broadcast_in_dim3A_26 : vector<8x96xi1>, vector<8x96xi32>
    %reduce_min3A = arith.constant dense<2147483647> : vector<8xi32>
    %reduce_min3A_27 = vector.multi_reduction <minsi>, %select_n3A, %reduce_min3A [1] : vector<8x96xi32> to vector<8xi32>
    %broadcast_in_dim3A_28 = vector.shape_cast %reduce_min3A_27 : vector<8xi32> to vector<8x1xi32>
    %eq3A_29 = vector.broadcast %broadcast_in_dim3A_28 : vector<8x1xi32> to vector<8x96xi32>
    %eq3A_30 = arith.cmpi eq, %iota3A, %eq3A_29 : vector<8x96xi32>
    %jit3A_31 = arith.constant 0xFF800000 : f32
    %broadcast_in_dim3A_32 = vector.broadcast %jit3A_31 : f32 to vector<8x96xf32>
    %select_n3A_33 = arith.select %eq3A_30, %broadcast_in_dim3A_32, %neg3A_22 : vector<8x96xi1>, vector<8x96xf32>
    %reduce_max3A_34 = arith.constant dense<0xFF800000> : vector<8xf32>
    %reduce_max3A_35 = vector.multi_reduction <maximumf>, %select_n3A_33, %reduce_max3A_34 [1] : vector<8x96xf32> to vector<8xf32>
    %broadcast_in_dim3A_36 = vector.shape_cast %reduce_max3A_35 : vector<8xf32> to vector<8x1xf32>
    %eq3A_37 = vector.broadcast %broadcast_in_dim3A_36 : vector<8x1xf32> to vector<8x96xf32>
    %eq3A_38 = arith.cmpf oeq, %select_n3A_33, %eq3A_37 : vector<8x96xf32>
    %jit3A_39 = arith.constant 96 : i32
    %broadcast_in_dim3A_40 = vector.broadcast %jit3A_39 : i32 to vector<8x96xi32>
    %select_n3A_41 = arith.select %eq3A_38, %iota3A, %broadcast_in_dim3A_40 : vector<8x96xi1>, vector<8x96xi32>
    %reduce_min3A_42 = arith.constant dense<2147483647> : vector<8xi32>
    %reduce_min3A_43 = vector.multi_reduction <minsi>, %select_n3A_41, %reduce_min3A_42 [1] : vector<8x96xi32> to vector<8xi32>
    %broadcast_in_dim3A_44 = vector.shape_cast %reduce_min3A_43 : vector<8xi32> to vector<8x1xi32>
    %eq3A_45 = vector.broadcast %broadcast_in_dim3A_44 : vector<8x1xi32> to vector<8x96xi32>
    %eq3A_46 = arith.cmpi eq, %iota3A, %eq3A_45 : vector<8x96xi32>
    %jit3A_47 = arith.constant 0xFF800000 : f32
    %broadcast_in_dim3A_48 = vector.broadcast %jit3A_47 : f32 to vector<8x96xf32>
    %select_n3A_49 = arith.select %eq3A_46, %broadcast_in_dim3A_48, %select_n3A_33 : vector<8x96xi1>, vector<8x96xf32>
    %reduce_max3A_50 = arith.constant dense<0xFF800000> : vector<8xf32>
    %reduce_max3A_51 = vector.multi_reduction <maximumf>, %select_n3A_49, %reduce_max3A_50 [1] : vector<8x96xf32> to vector<8xf32>
    %broadcast_in_dim3A_52 = vector.shape_cast %reduce_max3A_51 : vector<8xf32> to vector<8x1xf32>
    %eq3A_53 = vector.broadcast %broadcast_in_dim3A_52 : vector<8x1xf32> to vector<8x96xf32>
    %eq3A_54 = arith.cmpf oeq, %select_n3A_49, %eq3A_53 : vector<8x96xf32>
    %jit3A_55 = arith.constant 96 : i32
    %broadcast_in_dim3A_56 = vector.broadcast %jit3A_55 : i32 to vector<8x96xi32>
    %select_n3A_57 = arith.select %eq3A_54, %iota3A, %broadcast_in_dim3A_56 : vector<8x96xi1>, vector<8x96xi32>
    %reduce_min3A_58 = arith.constant dense<2147483647> : vector<8xi32>
    %reduce_min3A_59 = vector.multi_reduction <minsi>, %select_n3A_57, %reduce_min3A_58 [1] : vector<8x96xi32> to vector<8xi32>
    %broadcast_in_dim3A_60 = vector.shape_cast %reduce_min3A_59 : vector<8xi32> to vector<8x1xi32>
    %concatenate3A = tpu.concatenate %broadcast_in_dim3A_24, %broadcast_in_dim3A_36, %broadcast_in_dim3A_52 in 1 : vector<8x1xf32>, vector<8x1xf32>, vector<8x1xf32> -> vector<8x3xf32>
    %concatenate3A_61 = tpu.concatenate %broadcast_in_dim3A_28, %broadcast_in_dim3A_44, %broadcast_in_dim3A_60 in 1 : vector<8x1xi32>, vector<8x1xi32>, vector<8x1xi32> -> vector<8x3xi32>
    %slice3A = vector.extract_strided_slice %concatenate3A {offsets = [0, 0], sizes = [8, 1], strides = [1, 1]} : vector<8x3xf32> to vector<8x1xf32>
    %sub3A_62 = vector.broadcast %slice3A : vector<8x1xf32> to vector<8x3xf32>
    %sub3A_63 = arith.subf %concatenate3A, %sub3A_62 : vector<8x3xf32>
    %exp3A = math.exp %sub3A_63 : vector<8x3xf32>
    %reduce_sum3A_64 = arith.constant dense<0.000000e+00> : vector<8xf32>
    %reduce_sum3A_65 = vector.multi_reduction <add>, %exp3A, %reduce_sum3A_64 [1] : vector<8x3xf32> to vector<8xf32>
    %broadcast_in_dim3A_66 = vector.shape_cast %reduce_sum3A_65 : vector<8xf32> to vector<8x1xf32>
    %div3A_67 = vector.broadcast %broadcast_in_dim3A_66 : vector<8x1xf32> to vector<8x3xf32>
    %div3A_68 = arith.divf %exp3A, %div3A_67 : vector<8x3xf32>
    %swap3A = arith.constant 0 : index
    %swap3A_69 = arith.constant 0 : index
    %swap3A_70 = vector.load %arg5[%swap3A, %swap3A_69] : memref<8x3xf32, #tpu.memory_space<vmem>>, vector<8x3xf32>
    tpu.vector_store %arg5[%swap3A, %swap3A_69], %div3A_68 {strides = array<i32>} : memref<8x3xf32, #tpu.memory_space<vmem>>, vector<8x3xf32>,
    %get3A_71 = arith.constant 0 : index
    %get3A_72 = arith.constant 0 : index
    %get3A_73 = vector.load %arg2[%get3A_71, %get3A_72] : memref<8x96xf32, #tpu.memory_space<vmem>>, vector<8x96xf32>
    %sub3A_74 = arith.subf %reduce_sum3A_17, %get3A_73 : vector<8x96xf32>
    %abs3A_75 = math.absf %sub3A_74 : vector<8x96xf32>
    %neg3A_76 = arith.constant 0.000000e+00 : f32
    %neg3A_77 = vector.broadcast %neg3A_76 : f32 to vector<8x96xf32>
    %neg3A_78 = arith.subf %neg3A_77, %abs3A_75 : vector<8x96xf32>
    %reduce_max3A_79 = arith.constant dense<0xFF800000> : vector<8xf32>
    %reduce_max3A_80 = vector.multi_reduction <maximumf>, %neg3A_78, %reduce_max3A_79 [1] : vector<8x96xf32> to vector<8xf32>
    %broadcast_in_dim3A_81 = vector.shape_cast %reduce_max3A_80 : vector<8xf32> to vector<8x1xf32>
    %eq3A_82 = vector.broadcast %broadcast_in_dim3A_81 : vector<8x1xf32> to vector<8x96xf32>
    %eq3A_83 = arith.cmpf oeq, %neg3A_78, %eq3A_82 : vector<8x96xf32>
    %jit3A_84 = arith.constant 96 : i32
    %broadcast_in_dim3A_85 = vector.broadcast %jit3A_84 : i32 to vector<8x96xi32>
    %select_n3A_86 = arith.select %eq3A_83, %iota3A, %broadcast_in_dim3A_85 : vector<8x96xi1>, vector<8x96xi32>
    %reduce_min3A_87 = arith.constant dense<2147483647> : vector<8xi32>
    %reduce_min3A_88 = vector.multi_reduction <minsi>, %select_n3A_86, %reduce_min3A_87 [1] : vector<8x96xi32> to vector<8xi32>
    %broadcast_in_dim3A_89 = vector.shape_cast %reduce_min3A_88 : vector<8xi32> to vector<8x1xi32>
    %eq3A_90 = vector.broadcast %broadcast_in_dim3A_89 : vector<8x1xi32> to vector<8x96xi32>
    %eq3A_91 = arith.cmpi eq, %iota3A, %eq3A_90 : vector<8x96xi32>
    %jit3A_92 = arith.constant 0xFF800000 : f32
    %broadcast_in_dim3A_93 = vector.broadcast %jit3A_92 : f32 to vector<8x96xf32>
    %select_n3A_94 = arith.select %eq3A_91, %broadcast_in_dim3A_93, %neg3A_78 : vector<8x96xi1>, vector<8x96xf32>
    %reduce_max3A_95 = arith.constant dense<0xFF800000> : vector<8xf32>
    %reduce_max3A_96 = vector.multi_reduction <maximumf>, %select_n3A_94, %reduce_max3A_95 [1] : vector<8x96xf32> to vector<8xf32>
    %broadcast_in_dim3A_97 = vector.shape_cast %reduce_max3A_96 : vector<8xf32> to vector<8x1xf32>
    %eq3A_98 = vector.broadcast %broadcast_in_dim3A_97 : vector<8x1xf32> to vector<8x96xf32>
    %eq3A_99 = arith.cmpf oeq, %select_n3A_94, %eq3A_98 : vector<8x96xf32>
    %jit3A_100 = arith.constant 96 : i32
    %broadcast_in_dim3A_101 = vector.broadcast %jit3A_100 : i32 to vector<8x96xi32>
    %select_n3A_102 = arith.select %eq3A_99, %iota3A, %broadcast_in_dim3A_101 : vector<8x96xi1>, vector<8x96xi32>
    %reduce_min3A_103 = arith.constant dense<2147483647> : vector<8xi32>
    %reduce_min3A_104 = vector.multi_reduction <minsi>, %select_n3A_102, %reduce_min3A_103 [1] : vector<8x96xi32> to vector<8xi32>
    %broadcast_in_dim3A_105 = vector.shape_cast %reduce_min3A_104 : vector<8xi32> to vector<8x1xi32>
    %eq3A_106 = vector.broadcast %broadcast_in_dim3A_105 : vector<8x1xi32> to vector<8x96xi32>
    %eq3A_107 = arith.cmpi eq, %iota3A, %eq3A_106 : vector<8x96xi32>
    %jit3A_108 = arith.constant 0xFF800000 : f32
    %broadcast_in_dim3A_109 = vector.broadcast %jit3A_108 : f32 to vector<8x96xf32>
    %select_n3A_110 = arith.select %eq3A_107, %broadcast_in_dim3A_109, %select_n3A_94 : vector<8x96xi1>, vector<8x96xf32>
    %reduce_max3A_111 = arith.constant dense<0xFF800000> : vector<8xf32>
    %reduce_max3A_112 = vector.multi_reduction <maximumf>, %select_n3A_110, %reduce_max3A_111 [1] : vector<8x96xf32> to vector<8xf32>
    %broadcast_in_dim3A_113 = vector.shape_cast %reduce_max3A_112 : vector<8xf32> to vector<8x1xf32>
    %eq3A_114 = vector.broadcast %broadcast_in_dim3A_113 : vector<8x1xf32> to vector<8x96xf32>
    %eq3A_115 = arith.cmpf oeq, %select_n3A_110, %eq3A_114 : vector<8x96xf32>
    %jit3A_116 = arith.constant 96 : i32
    %broadcast_in_dim3A_117 = vector.broadcast %jit3A_116 : i32 to vector<8x96xi32>
    %select_n3A_118 = arith.select %eq3A_115, %iota3A, %broadcast_in_dim3A_117 : vector<8x96xi1>, vector<8x96xi32>
    %reduce_min3A_119 = arith.constant dense<2147483647> : vector<8xi32>
    %reduce_min3A_120 = vector.multi_reduction <minsi>, %select_n3A_118, %reduce_min3A_119 [1] : vector<8x96xi32> to vector<8xi32>
    %broadcast_in_dim3A_121 = vector.shape_cast %reduce_min3A_120 : vector<8xi32> to vector<8x1xi32>
    %concatenate3A_122 = tpu.concatenate %broadcast_in_dim3A_81, %broadcast_in_dim3A_97, %broadcast_in_dim3A_113 in 1 : vector<8x1xf32>, vector<8x1xf32>, vector<8x1xf32> -> vector<8x3xf32>
    %concatenate3A_123 = tpu.concatenate %broadcast_in_dim3A_89, %broadcast_in_dim3A_105, %broadcast_in_dim3A_121 in 1 : vector<8x1xi32>, vector<8x1xi32>, vector<8x1xi32> -> vector<8x3xi32>
    %slice3A_124 = vector.extract_strided_slice %concatenate3A_122 {offsets = [0, 0], sizes = [8, 1], strides = [1, 1]} : vector<8x3xf32> to vector<8x1xf32>
    %sub3A_125 = vector.broadcast %slice3A_124 : vector<8x1xf32> to vector<8x3xf32>
    %sub3A_126 = arith.subf %concatenate3A_122, %sub3A_125 : vector<8x3xf32>
    %exp3A_127 = math.exp %sub3A_126 : vector<8x3xf32>
    %reduce_sum3A_128 = arith.constant dense<0.000000e+00> : vector<8xf32>
    %reduce_sum3A_129 = vector.multi_reduction <add>, %exp3A_127, %reduce_sum3A_128 [1] : vector<8x3xf32> to vector<8xf32>
    %broadcast_in_dim3A_130 = vector.shape_cast %reduce_sum3A_129 : vector<8xf32> to vector<8x1xf32>
    %div3A_131 = vector.broadcast %broadcast_in_dim3A_130 : vector<8x1xf32> to vector<8x3xf32>
    %div3A_132 = arith.divf %exp3A_127, %div3A_131 : vector<8x3xf32>
    %swap3A_133 = arith.constant 0 : index
    %swap3A_134 = arith.constant 0 : index
    %swap3A_135 = vector.load %arg6[%swap3A_133, %swap3A_134] : memref<8x3xf32, #tpu.memory_space<vmem>>, vector<8x3xf32>
    tpu.vector_store %arg6[%swap3A_133, %swap3A_134], %div3A_132 {strides = array<i32>} : memref<8x3xf32, #tpu.memory_space<vmem>>, vector<8x3xf32>,
    %iota3A_136 = tpu.iota {dimensions = array<i32: 0>} : vector<8x3xi32>
    %mul3A_137 = arith.constant 96 : i32
    %mul3A_138 = vector.broadcast %mul3A_137 : i32 to vector<8x3xi32>
    %mul3A_139 = arith.muli %iota3A_136, %mul3A_138 : vector<8x3xi32>
    %broadcast_in_dim3A_140 = arith.constant 0 : i32
    %broadcast_in_dim3A_141 = vector.broadcast %broadcast_in_dim3A_140 : i32 to vector<8x2xi32>
    %add3A = arith.addi %mul3A_139, %concatenate3A_61 : vector<8x3xi32>
    %add3A_142 = arith.addi %mul3A_139, %concatenate3A_123 : vector<8x3xi32>
    %concatenate3A_143 = tpu.concatenate %add3A, %add3A_142, %broadcast_in_dim3A_141 in 1 : vector<8x3xi32>, vector<8x3xi32>, vector<8x2xi32> -> vector<8x8xi32>
    %swap3A_144 = arith.constant 0 : index
    %swap3A_145 = arith.constant 0 : index
    %swap3A_146 = vector.load %arg4[%swap3A_144, %swap3A_145] : memref<8x8xi32, #tpu.memory_space<vmem>>, vector<8x8xi32>
    tpu.vector_store %arg4[%swap3A_144, %swap3A_145], %concatenate3A_143 {strides = array<i32>} : memref<8x8xi32, #tpu.memory_space<vmem>>, vector<8x8xi32>,
    return
  }
}

module attributes {stable_mosaic.version = 14 : i64} {
  func.func @_fuse_body(%arg0: i32, %arg1: memref<1x6x224x224xf32, #tpu.memory_space<vmem>>, %arg2: memref<8x3xf32, #tpu.memory_space<smem>>, %arg3: memref<8x3xf32, #tpu.memory_space<smem>>, %arg4: memref<162xf32, #tpu.memory_space<smem>>, %arg5: memref<3xf32, #tpu.memory_space<smem>>, %arg6: memref<216xf32, #tpu.memory_space<smem>>, %arg7: memref<24xf32, #tpu.memory_space<smem>>, %arg8: memref<1x3x224x224xf32, #tpu.memory_space<vmem>>, %arg9: memref<6x3x226x224xf32, #tpu.memory_space<vmem>>, %arg10: memref<3x3x226x224xf32, #tpu.memory_space<vmem>>, %arg11: memref<8x224x224xf32, #tpu.memory_space<vmem>>) attributes {dimension_semantics = [#tpu.dimension_semantics<arbitrary>], iteration_bounds = array<i64: 8>, scalar_prefetch = 0 : i64, scratch_operands = 3 : i64, tpu.core_type = #tpu.core_type<tc>, window_params = [{transform_indices = @transform_0, window_bounds = array<i64: 1, 6, 224, 224>}, {transform_indices = @transform_1, window_bounds = array<i64: 8, 3>}, {transform_indices = @transform_2, window_bounds = array<i64: 8, 3>}, {transform_indices = @transform_3, window_bounds = array<i64: 162>}, {transform_indices = @transform_4, window_bounds = array<i64: 3>}, {transform_indices = @transform_5, window_bounds = array<i64: 216>}, {transform_indices = @transform_6, window_bounds = array<i64: 24>}, {transform_indices = @transform_7, window_bounds = array<i64: 1, 3, 224, 224>}]} {
    %broadcast_in_dim3A = arith.constant 0.000000e+00 : f32
    %broadcast_in_dim3A_0 = vector.broadcast %broadcast_in_dim3A : f32 to vector<6x3x1x224xf32>
    %swap3A = arith.constant 0 : index
    %swap3A_1 = arith.constant 0 : index
    %swap3A_2 = arith.constant 0 : index
    %swap3A_3 = arith.constant 0 : index
    %swap3A_4 = vector.load %arg9[%swap3A, %swap3A_1, %swap3A_2, %swap3A_3] : memref<6x3x226x224xf32, #tpu.memory_space<vmem>>, vector<6x3x1x224xf32>
    tpu.vector_store %arg9[%swap3A, %swap3A_1, %swap3A_2, %swap3A_3], %broadcast_in_dim3A_0 {strides = array<i32>} : memref<6x3x226x224xf32, #tpu.memory_space<vmem>>, vector<6x3x1x224xf32>,
    %broadcast_in_dim3A_5 = arith.constant 0.000000e+00 : f32
    %broadcast_in_dim3A_6 = vector.broadcast %broadcast_in_dim3A_5 : f32 to vector<6x3x1x224xf32>
    %swap3A_7 = arith.constant 0 : index
    %swap3A_8 = arith.constant 0 : index
    %swap3A_9 = arith.constant 225 : index
    %swap3A_10 = arith.constant 0 : index
    %swap3A_11 = vector.load %arg9[%swap3A_7, %swap3A_8, %swap3A_9, %swap3A_10] : memref<6x3x226x224xf32, #tpu.memory_space<vmem>>, vector<6x3x1x224xf32>
    tpu.vector_store %arg9[%swap3A_7, %swap3A_8, %swap3A_9, %swap3A_10], %broadcast_in_dim3A_6 {strides = array<i32>} : memref<6x3x226x224xf32, #tpu.memory_space<vmem>>, vector<6x3x1x224xf32>,
    %broadcast_in_dim3A_12 = arith.constant 0.000000e+00 : f32
    %broadcast_in_dim3A_13 = vector.broadcast %broadcast_in_dim3A_12 : f32 to vector<3x3x1x224xf32>
    %swap3A_14 = arith.constant 0 : index
    %swap3A_15 = arith.constant 0 : index
    %swap3A_16 = arith.constant 0 : index
    %swap3A_17 = arith.constant 0 : index
    %swap3A_18 = vector.load %arg10[%swap3A_14, %swap3A_15, %swap3A_16, %swap3A_17] : memref<3x3x226x224xf32, #tpu.memory_space<vmem>>, vector<3x3x1x224xf32>
    tpu.vector_store %arg10[%swap3A_14, %swap3A_15, %swap3A_16, %swap3A_17], %broadcast_in_dim3A_13 {strides = array<i32>} : memref<3x3x226x224xf32, #tpu.memory_space<vmem>>, vector<3x3x1x224xf32>,
    %broadcast_in_dim3A_19 = arith.constant 0.000000e+00 : f32
    %broadcast_in_dim3A_20 = vector.broadcast %broadcast_in_dim3A_19 : f32 to vector<3x3x1x224xf32>
    %swap3A_21 = arith.constant 0 : index
    %swap3A_22 = arith.constant 0 : index
    %swap3A_23 = arith.constant 225 : index
    %swap3A_24 = arith.constant 0 : index
    %swap3A_25 = vector.load %arg10[%swap3A_21, %swap3A_22, %swap3A_23, %swap3A_24] : memref<3x3x226x224xf32, #tpu.memory_space<vmem>>, vector<3x3x1x224xf32>
    tpu.vector_store %arg10[%swap3A_21, %swap3A_22, %swap3A_23, %swap3A_24], %broadcast_in_dim3A_20 {strides = array<i32>} : memref<3x3x226x224xf32, #tpu.memory_space<vmem>>, vector<3x3x1x224xf32>,
    %get3A = arith.constant 0 : index
    %get3A_26 = arith.constant 0 : index
    %get3A_27 = arith.constant 0 : index
    %get3A_28 = arith.constant 0 : index
    %get3A_29 = vector.load %arg1[%get3A, %get3A_26, %get3A_27, %get3A_28] : memref<1x6x224x224xf32, #tpu.memory_space<vmem>>, vector<1x1x224x224xf32>
    %get3A_30 = vector.shape_cast %get3A_29 : vector<1x1x224x224xf32> to vector<224x224xf32>
    %broadcast_in_dim3A_31 = arith.constant 0.000000e+00 : f32
    %broadcast_in_dim3A_32 = vector.broadcast %broadcast_in_dim3A_31 : f32 to vector<224x1xf32>
    %slice3A = vector.extract_strided_slice %get3A_30 {offsets = [0, 0], sizes = [224, 223], strides = [1, 1]} : vector<224x224xf32> to vector<224x223xf32>
    %concatenate3A = tpu.concatenate %broadcast_in_dim3A_32, %slice3A in 1 : vector<224x1xf32>, vector<224x223xf32> -> vector<224x224xf32>
    %slice3A_33 = vector.extract_strided_slice %get3A_30 {offsets = [0, 1], sizes = [224, 223], strides = [1, 1]} : vector<224x224xf32> to vector<224x223xf32>
    %concatenate3A_34 = tpu.concatenate %slice3A_33, %broadcast_in_dim3A_32 in 1 : vector<224x223xf32>, vector<224x1xf32> -> vector<224x224xf32>
    %swap3A_35 = arith.constant 0 : index
    %swap3A_36 = arith.constant 0 : index
    %swap3A_37 = arith.constant 1 : index
    %swap3A_38 = arith.constant 0 : index
    %swap3A_39 = vector.load %arg9[%swap3A_35, %swap3A_36, %swap3A_37, %swap3A_38] : memref<6x3x226x224xf32, #tpu.memory_space<vmem>>, vector<1x1x224x224xf32>
    %swap3A_40 = vector.shape_cast %swap3A_39 : vector<1x1x224x224xf32> to vector<224x224xf32>
    %swap3A_41 = vector.shape_cast %concatenate3A : vector<224x224xf32> to vector<1x1x224x224xf32>
    tpu.vector_store %arg9[%swap3A_35, %swap3A_36, %swap3A_37, %swap3A_38], %swap3A_41 {strides = array<i32>} : memref<6x3x226x224xf32, #tpu.memory_space<vmem>>, vector<1x1x224x224xf32>,
    %swap3A_42 = arith.constant 0 : index
    %swap3A_43 = arith.constant 1 : index
    %swap3A_44 = arith.constant 1 : index
    %swap3A_45 = arith.constant 0 : index
    %swap3A_46 = vector.load %arg9[%swap3A_42, %swap3A_43, %swap3A_44, %swap3A_45] : memref<6x3x226x224xf32, #tpu.memory_space<vmem>>, vector<1x1x224x224xf32>
    %swap3A_47 = vector.shape_cast %swap3A_46 : vector<1x1x224x224xf32> to vector<224x224xf32>
    %swap3A_48 = vector.shape_cast %get3A_30 : vector<224x224xf32> to vector<1x1x224x224xf32>
    tpu.vector_store %arg9[%swap3A_42, %swap3A_43, %swap3A_44, %swap3A_45], %swap3A_48 {strides = array<i32>} : memref<6x3x226x224xf32, #tpu.memory_space<vmem>>, vector<1x1x224x224xf32>,
    %swap3A_49 = arith.constant 0 : index
    %swap3A_50 = arith.constant 2 : index
    %swap3A_51 = arith.constant 1 : index
    %swap3A_52 = arith.constant 0 : index
    %swap3A_53 = vector.load %arg9[%swap3A_49, %swap3A_50, %swap3A_51, %swap3A_52] : memref<6x3x226x224xf32, #tpu.memory_space<vmem>>, vector<1x1x224x224xf32>
    %swap3A_54 = vector.shape_cast %swap3A_53 : vector<1x1x224x224xf32> to vector<224x224xf32>
    %swap3A_55 = vector.shape_cast %concatenate3A_34 : vector<224x224xf32> to vector<1x1x224x224xf32>
    tpu.vector_store %arg9[%swap3A_49, %swap3A_50, %swap3A_51, %swap3A_52], %swap3A_55 {strides = array<i32>} : memref<6x3x226x224xf32, #tpu.memory_space<vmem>>, vector<1x1x224x224xf32>,
    %get3A_56 = arith.constant 0 : index
    %get3A_57 = arith.constant 1 : index
    %get3A_58 = arith.constant 0 : index
    %get3A_59 = arith.constant 0 : index
    %get3A_60 = vector.load %arg1[%get3A_56, %get3A_57, %get3A_58, %get3A_59] : memref<1x6x224x224xf32, #tpu.memory_space<vmem>>, vector<1x1x224x224xf32>
    %get3A_61 = vector.shape_cast %get3A_60 : vector<1x1x224x224xf32> to vector<224x224xf32>
    %broadcast_in_dim3A_62 = arith.constant 0.000000e+00 : f32
    %broadcast_in_dim3A_63 = vector.broadcast %broadcast_in_dim3A_62 : f32 to vector<224x1xf32>
    %slice3A_64 = vector.extract_strided_slice %get3A_61 {offsets = [0, 0], sizes = [224, 223], strides = [1, 1]} : vector<224x224xf32> to vector<224x223xf32>
    %concatenate3A_65 = tpu.concatenate %broadcast_in_dim3A_63, %slice3A_64 in 1 : vector<224x1xf32>, vector<224x223xf32> -> vector<224x224xf32>
    %slice3A_66 = vector.extract_strided_slice %get3A_61 {offsets = [0, 1], sizes = [224, 223], strides = [1, 1]} : vector<224x224xf32> to vector<224x223xf32>
    %concatenate3A_67 = tpu.concatenate %slice3A_66, %broadcast_in_dim3A_63 in 1 : vector<224x223xf32>, vector<224x1xf32> -> vector<224x224xf32>
    %swap3A_68 = arith.constant 1 : index
    %swap3A_69 = arith.constant 0 : index
    %swap3A_70 = arith.constant 1 : index
    %swap3A_71 = arith.constant 0 : index
    %swap3A_72 = vector.load %arg9[%swap3A_68, %swap3A_69, %swap3A_70, %swap3A_71] : memref<6x3x226x224xf32, #tpu.memory_space<vmem>>, vector<1x1x224x224xf32>
    %swap3A_73 = vector.shape_cast %swap3A_72 : vector<1x1x224x224xf32> to vector<224x224xf32>
    %swap3A_74 = vector.shape_cast %concatenate3A_65 : vector<224x224xf32> to vector<1x1x224x224xf32>
    tpu.vector_store %arg9[%swap3A_68, %swap3A_69, %swap3A_70, %swap3A_71], %swap3A_74 {strides = array<i32>} : memref<6x3x226x224xf32, #tpu.memory_space<vmem>>, vector<1x1x224x224xf32>,
    %swap3A_75 = arith.constant 1 : index
    %swap3A_76 = arith.constant 1 : index
    %swap3A_77 = arith.constant 1 : index
    %swap3A_78 = arith.constant 0 : index
    %swap3A_79 = vector.load %arg9[%swap3A_75, %swap3A_76, %swap3A_77, %swap3A_78] : memref<6x3x226x224xf32, #tpu.memory_space<vmem>>, vector<1x1x224x224xf32>
    %swap3A_80 = vector.shape_cast %swap3A_79 : vector<1x1x224x224xf32> to vector<224x224xf32>
    %swap3A_81 = vector.shape_cast %get3A_61 : vector<224x224xf32> to vector<1x1x224x224xf32>
    tpu.vector_store %arg9[%swap3A_75, %swap3A_76, %swap3A_77, %swap3A_78], %swap3A_81 {strides = array<i32>} : memref<6x3x226x224xf32, #tpu.memory_space<vmem>>, vector<1x1x224x224xf32>,
    %swap3A_82 = arith.constant 1 : index
    %swap3A_83 = arith.constant 2 : index
    %swap3A_84 = arith.constant 1 : index
    %swap3A_85 = arith.constant 0 : index
    %swap3A_86 = vector.load %arg9[%swap3A_82, %swap3A_83, %swap3A_84, %swap3A_85] : memref<6x3x226x224xf32, #tpu.memory_space<vmem>>, vector<1x1x224x224xf32>
    %swap3A_87 = vector.shape_cast %swap3A_86 : vector<1x1x224x224xf32> to vector<224x224xf32>
    %swap3A_88 = vector.shape_cast %concatenate3A_67 : vector<224x224xf32> to vector<1x1x224x224xf32>
    tpu.vector_store %arg9[%swap3A_82, %swap3A_83, %swap3A_84, %swap3A_85], %swap3A_88 {strides = array<i32>} : memref<6x3x226x224xf32, #tpu.memory_space<vmem>>, vector<1x1x224x224xf32>,
    %get3A_89 = arith.constant 0 : index
    %get3A_90 = arith.constant 2 : index
    %get3A_91 = arith.constant 0 : index
    %get3A_92 = arith.constant 0 : index
    %get3A_93 = vector.load %arg1[%get3A_89, %get3A_90, %get3A_91, %get3A_92] : memref<1x6x224x224xf32, #tpu.memory_space<vmem>>, vector<1x1x224x224xf32>
    %get3A_94 = vector.shape_cast %get3A_93 : vector<1x1x224x224xf32> to vector<224x224xf32>
    %broadcast_in_dim3A_95 = arith.constant 0.000000e+00 : f32
    %broadcast_in_dim3A_96 = vector.broadcast %broadcast_in_dim3A_95 : f32 to vector<224x1xf32>
    %slice3A_97 = vector.extract_strided_slice %get3A_94 {offsets = [0, 0], sizes = [224, 223], strides = [1, 1]} : vector<224x224xf32> to vector<224x223xf32>
    %concatenate3A_98 = tpu.concatenate %broadcast_in_dim3A_96, %slice3A_97 in 1 : vector<224x1xf32>, vector<224x223xf32> -> vector<224x224xf32>
    %slice3A_99 = vector.extract_strided_slice %get3A_94 {offsets = [0, 1], sizes = [224, 223], strides = [1, 1]} : vector<224x224xf32> to vector<224x223xf32>
    %concatenate3A_100 = tpu.concatenate %slice3A_99, %broadcast_in_dim3A_96 in 1 : vector<224x223xf32>, vector<224x1xf32> -> vector<224x224xf32>
    %swap3A_101 = arith.constant 2 : index
    %swap3A_102 = arith.constant 0 : index
    %swap3A_103 = arith.constant 1 : index
    %swap3A_104 = arith.constant 0 : index
    %swap3A_105 = vector.load %arg9[%swap3A_101, %swap3A_102, %swap3A_103, %swap3A_104] : memref<6x3x226x224xf32, #tpu.memory_space<vmem>>, vector<1x1x224x224xf32>
    %swap3A_106 = vector.shape_cast %swap3A_105 : vector<1x1x224x224xf32> to vector<224x224xf32>
    %swap3A_107 = vector.shape_cast %concatenate3A_98 : vector<224x224xf32> to vector<1x1x224x224xf32>
    tpu.vector_store %arg9[%swap3A_101, %swap3A_102, %swap3A_103, %swap3A_104], %swap3A_107 {strides = array<i32>} : memref<6x3x226x224xf32, #tpu.memory_space<vmem>>, vector<1x1x224x224xf32>,
    %swap3A_108 = arith.constant 2 : index
    %swap3A_109 = arith.constant 1 : index
    %swap3A_110 = arith.constant 1 : index
    %swap3A_111 = arith.constant 0 : index
    %swap3A_112 = vector.load %arg9[%swap3A_108, %swap3A_109, %swap3A_110, %swap3A_111] : memref<6x3x226x224xf32, #tpu.memory_space<vmem>>, vector<1x1x224x224xf32>
    %swap3A_113 = vector.shape_cast %swap3A_112 : vector<1x1x224x224xf32> to vector<224x224xf32>
    %swap3A_114 = vector.shape_cast %get3A_94 : vector<224x224xf32> to vector<1x1x224x224xf32>
    tpu.vector_store %arg9[%swap3A_108, %swap3A_109, %swap3A_110, %swap3A_111], %swap3A_114 {strides = array<i32>} : memref<6x3x226x224xf32, #tpu.memory_space<vmem>>, vector<1x1x224x224xf32>,
    %swap3A_115 = arith.constant 2 : index
    %swap3A_116 = arith.constant 2 : index
    %swap3A_117 = arith.constant 1 : index
    %swap3A_118 = arith.constant 0 : index
    %swap3A_119 = vector.load %arg9[%swap3A_115, %swap3A_116, %swap3A_117, %swap3A_118] : memref<6x3x226x224xf32, #tpu.memory_space<vmem>>, vector<1x1x224x224xf32>
    %swap3A_120 = vector.shape_cast %swap3A_119 : vector<1x1x224x224xf32> to vector<224x224xf32>
    %swap3A_121 = vector.shape_cast %concatenate3A_100 : vector<224x224xf32> to vector<1x1x224x224xf32>
    tpu.vector_store %arg9[%swap3A_115, %swap3A_116, %swap3A_117, %swap3A_118], %swap3A_121 {strides = array<i32>} : memref<6x3x226x224xf32, #tpu.memory_space<vmem>>, vector<1x1x224x224xf32>,
    %get3A_122 = arith.constant 0 : index
    %get3A_123 = arith.constant 3 : index
    %get3A_124 = arith.constant 0 : index
    %get3A_125 = arith.constant 0 : index
    %get3A_126 = vector.load %arg1[%get3A_122, %get3A_123, %get3A_124, %get3A_125] : memref<1x6x224x224xf32, #tpu.memory_space<vmem>>, vector<1x1x224x224xf32>
    %get3A_127 = vector.shape_cast %get3A_126 : vector<1x1x224x224xf32> to vector<224x224xf32>
    %broadcast_in_dim3A_128 = arith.constant 0.000000e+00 : f32
    %broadcast_in_dim3A_129 = vector.broadcast %broadcast_in_dim3A_128 : f32 to vector<224x1xf32>
    %slice3A_130 = vector.extract_strided_slice %get3A_127 {offsets = [0, 0], sizes = [224, 223], strides = [1, 1]} : vector<224x224xf32> to vector<224x223xf32>
    %concatenate3A_131 = tpu.concatenate %broadcast_in_dim3A_129, %slice3A_130 in 1 : vector<224x1xf32>, vector<224x223xf32> -> vector<224x224xf32>
    %slice3A_132 = vector.extract_strided_slice %get3A_127 {offsets = [0, 1], sizes = [224, 223], strides = [1, 1]} : vector<224x224xf32> to vector<224x223xf32>
    %concatenate3A_133 = tpu.concatenate %slice3A_132, %broadcast_in_dim3A_129 in 1 : vector<224x223xf32>, vector<224x1xf32> -> vector<224x224xf32>
    %swap3A_134 = arith.constant 3 : index
    %swap3A_135 = arith.constant 0 : index
    %swap3A_136 = arith.constant 1 : index
    %swap3A_137 = arith.constant 0 : index
    %swap3A_138 = vector.load %arg9[%swap3A_134, %swap3A_135, %swap3A_136, %swap3A_137] : memref<6x3x226x224xf32, #tpu.memory_space<vmem>>, vector<1x1x224x224xf32>
    %swap3A_139 = vector.shape_cast %swap3A_138 : vector<1x1x224x224xf32> to vector<224x224xf32>
    %swap3A_140 = vector.shape_cast %concatenate3A_131 : vector<224x224xf32> to vector<1x1x224x224xf32>
    tpu.vector_store %arg9[%swap3A_134, %swap3A_135, %swap3A_136, %swap3A_137], %swap3A_140 {strides = array<i32>} : memref<6x3x226x224xf32, #tpu.memory_space<vmem>>, vector<1x1x224x224xf32>,
    %swap3A_141 = arith.constant 3 : index
    %swap3A_142 = arith.constant 1 : index
    %swap3A_143 = arith.constant 1 : index
    %swap3A_144 = arith.constant 0 : index
    %swap3A_145 = vector.load %arg9[%swap3A_141, %swap3A_142, %swap3A_143, %swap3A_144] : memref<6x3x226x224xf32, #tpu.memory_space<vmem>>, vector<1x1x224x224xf32>
    %swap3A_146 = vector.shape_cast %swap3A_145 : vector<1x1x224x224xf32> to vector<224x224xf32>
    %swap3A_147 = vector.shape_cast %get3A_127 : vector<224x224xf32> to vector<1x1x224x224xf32>
    tpu.vector_store %arg9[%swap3A_141, %swap3A_142, %swap3A_143, %swap3A_144], %swap3A_147 {strides = array<i32>} : memref<6x3x226x224xf32, #tpu.memory_space<vmem>>, vector<1x1x224x224xf32>,
    %swap3A_148 = arith.constant 3 : index
    %swap3A_149 = arith.constant 2 : index
    %swap3A_150 = arith.constant 1 : index
    %swap3A_151 = arith.constant 0 : index
    %swap3A_152 = vector.load %arg9[%swap3A_148, %swap3A_149, %swap3A_150, %swap3A_151] : memref<6x3x226x224xf32, #tpu.memory_space<vmem>>, vector<1x1x224x224xf32>
    %swap3A_153 = vector.shape_cast %swap3A_152 : vector<1x1x224x224xf32> to vector<224x224xf32>
    %swap3A_154 = vector.shape_cast %concatenate3A_133 : vector<224x224xf32> to vector<1x1x224x224xf32>
    tpu.vector_store %arg9[%swap3A_148, %swap3A_149, %swap3A_150, %swap3A_151], %swap3A_154 {strides = array<i32>} : memref<6x3x226x224xf32, #tpu.memory_space<vmem>>, vector<1x1x224x224xf32>,
    %get3A_155 = arith.constant 0 : index
    %get3A_156 = arith.constant 4 : index
    %get3A_157 = arith.constant 0 : index
    %get3A_158 = arith.constant 0 : index
    %get3A_159 = vector.load %arg1[%get3A_155, %get3A_156, %get3A_157, %get3A_158] : memref<1x6x224x224xf32, #tpu.memory_space<vmem>>, vector<1x1x224x224xf32>
    %get3A_160 = vector.shape_cast %get3A_159 : vector<1x1x224x224xf32> to vector<224x224xf32>
    %broadcast_in_dim3A_161 = arith.constant 0.000000e+00 : f32
    %broadcast_in_dim3A_162 = vector.broadcast %broadcast_in_dim3A_161 : f32 to vector<224x1xf32>
    %slice3A_163 = vector.extract_strided_slice %get3A_160 {offsets = [0, 0], sizes = [224, 223], strides = [1, 1]} : vector<224x224xf32> to vector<224x223xf32>
    %concatenate3A_164 = tpu.concatenate %broadcast_in_dim3A_162, %slice3A_163 in 1 : vector<224x1xf32>, vector<224x223xf32> -> vector<224x224xf32>
    %slice3A_165 = vector.extract_strided_slice %get3A_160 {offsets = [0, 1], sizes = [224, 223], strides = [1, 1]} : vector<224x224xf32> to vector<224x223xf32>
    %concatenate3A_166 = tpu.concatenate %slice3A_165, %broadcast_in_dim3A_162 in 1 : vector<224x223xf32>, vector<224x1xf32> -> vector<224x224xf32>
    %swap3A_167 = arith.constant 4 : index
    %swap3A_168 = arith.constant 0 : index
    %swap3A_169 = arith.constant 1 : index
    %swap3A_170 = arith.constant 0 : index
    %swap3A_171 = vector.load %arg9[%swap3A_167, %swap3A_168, %swap3A_169, %swap3A_170] : memref<6x3x226x224xf32, #tpu.memory_space<vmem>>, vector<1x1x224x224xf32>
    %swap3A_172 = vector.shape_cast %swap3A_171 : vector<1x1x224x224xf32> to vector<224x224xf32>
    %swap3A_173 = vector.shape_cast %concatenate3A_164 : vector<224x224xf32> to vector<1x1x224x224xf32>
    tpu.vector_store %arg9[%swap3A_167, %swap3A_168, %swap3A_169, %swap3A_170], %swap3A_173 {strides = array<i32>} : memref<6x3x226x224xf32, #tpu.memory_space<vmem>>, vector<1x1x224x224xf32>,
    %swap3A_174 = arith.constant 4 : index
    %swap3A_175 = arith.constant 1 : index
    %swap3A_176 = arith.constant 1 : index
    %swap3A_177 = arith.constant 0 : index
    %swap3A_178 = vector.load %arg9[%swap3A_174, %swap3A_175, %swap3A_176, %swap3A_177] : memref<6x3x226x224xf32, #tpu.memory_space<vmem>>, vector<1x1x224x224xf32>
    %swap3A_179 = vector.shape_cast %swap3A_178 : vector<1x1x224x224xf32> to vector<224x224xf32>
    %swap3A_180 = vector.shape_cast %get3A_160 : vector<224x224xf32> to vector<1x1x224x224xf32>
    tpu.vector_store %arg9[%swap3A_174, %swap3A_175, %swap3A_176, %swap3A_177], %swap3A_180 {strides = array<i32>} : memref<6x3x226x224xf32, #tpu.memory_space<vmem>>, vector<1x1x224x224xf32>,
    %swap3A_181 = arith.constant 4 : index
    %swap3A_182 = arith.constant 2 : index
    %swap3A_183 = arith.constant 1 : index
    %swap3A_184 = arith.constant 0 : index
    %swap3A_185 = vector.load %arg9[%swap3A_181, %swap3A_182, %swap3A_183, %swap3A_184] : memref<6x3x226x224xf32, #tpu.memory_space<vmem>>, vector<1x1x224x224xf32>
    %swap3A_186 = vector.shape_cast %swap3A_185 : vector<1x1x224x224xf32> to vector<224x224xf32>
    %swap3A_187 = vector.shape_cast %concatenate3A_166 : vector<224x224xf32> to vector<1x1x224x224xf32>
    tpu.vector_store %arg9[%swap3A_181, %swap3A_182, %swap3A_183, %swap3A_184], %swap3A_187 {strides = array<i32>} : memref<6x3x226x224xf32, #tpu.memory_space<vmem>>, vector<1x1x224x224xf32>,
    %get3A_188 = arith.constant 0 : index
    %get3A_189 = arith.constant 5 : index
    %get3A_190 = arith.constant 0 : index
    %get3A_191 = arith.constant 0 : index
    %get3A_192 = vector.load %arg1[%get3A_188, %get3A_189, %get3A_190, %get3A_191] : memref<1x6x224x224xf32, #tpu.memory_space<vmem>>, vector<1x1x224x224xf32>
    %get3A_193 = vector.shape_cast %get3A_192 : vector<1x1x224x224xf32> to vector<224x224xf32>
    %broadcast_in_dim3A_194 = arith.constant 0.000000e+00 : f32
    %broadcast_in_dim3A_195 = vector.broadcast %broadcast_in_dim3A_194 : f32 to vector<224x1xf32>
    %slice3A_196 = vector.extract_strided_slice %get3A_193 {offsets = [0, 0], sizes = [224, 223], strides = [1, 1]} : vector<224x224xf32> to vector<224x223xf32>
    %concatenate3A_197 = tpu.concatenate %broadcast_in_dim3A_195, %slice3A_196 in 1 : vector<224x1xf32>, vector<224x223xf32> -> vector<224x224xf32>
    %slice3A_198 = vector.extract_strided_slice %get3A_193 {offsets = [0, 1], sizes = [224, 223], strides = [1, 1]} : vector<224x224xf32> to vector<224x223xf32>
    %concatenate3A_199 = tpu.concatenate %slice3A_198, %broadcast_in_dim3A_195 in 1 : vector<224x223xf32>, vector<224x1xf32> -> vector<224x224xf32>
    %swap3A_200 = arith.constant 5 : index
    %swap3A_201 = arith.constant 0 : index
    %swap3A_202 = arith.constant 1 : index
    %swap3A_203 = arith.constant 0 : index
    %swap3A_204 = vector.load %arg9[%swap3A_200, %swap3A_201, %swap3A_202, %swap3A_203] : memref<6x3x226x224xf32, #tpu.memory_space<vmem>>, vector<1x1x224x224xf32>
    %swap3A_205 = vector.shape_cast %swap3A_204 : vector<1x1x224x224xf32> to vector<224x224xf32>
    %swap3A_206 = vector.shape_cast %concatenate3A_197 : vector<224x224xf32> to vector<1x1x224x224xf32>
    tpu.vector_store %arg9[%swap3A_200, %swap3A_201, %swap3A_202, %swap3A_203], %swap3A_206 {strides = array<i32>} : memref<6x3x226x224xf32, #tpu.memory_space<vmem>>, vector<1x1x224x224xf32>,
    %swap3A_207 = arith.constant 5 : index
    %swap3A_208 = arith.constant 1 : index
    %swap3A_209 = arith.constant 1 : index
    %swap3A_210 = arith.constant 0 : index
    %swap3A_211 = vector.load %arg9[%swap3A_207, %swap3A_208, %swap3A_209, %swap3A_210] : memref<6x3x226x224xf32, #tpu.memory_space<vmem>>, vector<1x1x224x224xf32>
    %swap3A_212 = vector.shape_cast %swap3A_211 : vector<1x1x224x224xf32> to vector<224x224xf32>
    %swap3A_213 = vector.shape_cast %get3A_193 : vector<224x224xf32> to vector<1x1x224x224xf32>
    tpu.vector_store %arg9[%swap3A_207, %swap3A_208, %swap3A_209, %swap3A_210], %swap3A_213 {strides = array<i32>} : memref<6x3x226x224xf32, #tpu.memory_space<vmem>>, vector<1x1x224x224xf32>,
    %swap3A_214 = arith.constant 5 : index
    %swap3A_215 = arith.constant 2 : index
    %swap3A_216 = arith.constant 1 : index
    %swap3A_217 = arith.constant 0 : index
    %swap3A_218 = vector.load %arg9[%swap3A_214, %swap3A_215, %swap3A_216, %swap3A_217] : memref<6x3x226x224xf32, #tpu.memory_space<vmem>>, vector<1x1x224x224xf32>
    %swap3A_219 = vector.shape_cast %swap3A_218 : vector<1x1x224x224xf32> to vector<224x224xf32>
    %swap3A_220 = vector.shape_cast %concatenate3A_199 : vector<224x224xf32> to vector<1x1x224x224xf32>
    tpu.vector_store %arg9[%swap3A_214, %swap3A_215, %swap3A_216, %swap3A_217], %swap3A_220 {strides = array<i32>} : memref<6x3x226x224xf32, #tpu.memory_space<vmem>>, vector<1x1x224x224xf32>,
    %get3A_221 = arith.constant 0 : index
    %get3A_222 = memref.load %arg5[%get3A_221] : memref<3xf32, #tpu.memory_space<smem>>
    %broadcast_in_dim3A_223 = vector.broadcast %get3A_222 : f32 to vector<224x224xf32>
    %get3A_224 = arith.constant 1 : index
    %get3A_225 = memref.load %arg5[%get3A_224] : memref<3xf32, #tpu.memory_space<smem>>
    %broadcast_in_dim3A_226 = vector.broadcast %get3A_225 : f32 to vector<224x224xf32>
    %get3A_227 = arith.constant 2 : index
    %get3A_228 = memref.load %arg5[%get3A_227] : memref<3xf32, #tpu.memory_space<smem>>
    %broadcast_in_dim3A_229 = vector.broadcast %get3A_228 : f32 to vector<224x224xf32>
    %get3A_230 = arith.index_cast %arg0 : i32 to index
    %get3A_231 = arith.constant 0 : index
    %get3A_232 = memref.load %arg2[%get3A_230, %get3A_231] : memref<8x3xf32, #tpu.memory_space<smem>>
    %get3A_233 = arith.constant 0 : index
    %get3A_234 = arith.constant 0 : index
    %get3A_235 = arith.constant 0 : index
    %get3A_236 = arith.constant 0 : index
    %get3A_237 = vector.load %arg9[%get3A_233, %get3A_234, %get3A_235, %get3A_236] : memref<6x3x226x224xf32, #tpu.memory_space<vmem>>, vector<1x1x224x224xf32>
    %get3A_238 = vector.shape_cast %get3A_237 : vector<1x1x224x224xf32> to vector<224x224xf32>
    %get3A_239 = arith.constant 0 : index
    %get3A_240 = memref.load %arg4[%get3A_239] : memref<162xf32, #tpu.memory_space<smem>>
    %mul3A = arith.mulf %get3A_240, %get3A_232 : f32
    %mul3A_241 = vector.broadcast %mul3A : f32 to vector<224x224xf32>
    %mul3A_242 = arith.mulf %get3A_238, %mul3A_241 : vector<224x224xf32>
    %add3A = arith.addf %broadcast_in_dim3A_223, %mul3A_242 : vector<224x224xf32>
    %get3A_243 = arith.constant 54 : index
    %get3A_244 = memref.load %arg4[%get3A_243] : memref<162xf32, #tpu.memory_space<smem>>
    %mul3A_245 = arith.mulf %get3A_244, %get3A_232 : f32
    %mul3A_246 = vector.broadcast %mul3A_245 : f32 to vector<224x224xf32>
    %mul3A_247 = arith.mulf %get3A_238, %mul3A_246 : vector<224x224xf32>
    %add3A_248 = arith.addf %broadcast_in_dim3A_226, %mul3A_247 : vector<224x224xf32>
    %get3A_249 = arith.constant 108 : index
    %get3A_250 = memref.load %arg4[%get3A_249] : memref<162xf32, #tpu.memory_space<smem>>
    %mul3A_251 = arith.mulf %get3A_250, %get3A_232 : f32
    %mul3A_252 = vector.broadcast %mul3A_251 : f32 to vector<224x224xf32>
    %mul3A_253 = arith.mulf %get3A_238, %mul3A_252 : vector<224x224xf32>
    %add3A_254 = arith.addf %broadcast_in_dim3A_229, %mul3A_253 : vector<224x224xf32>
    %get3A_255 = arith.constant 0 : index
    %get3A_256 = arith.constant 1 : index
    %get3A_257 = arith.constant 0 : index
    %get3A_258 = arith.constant 0 : index
    %get3A_259 = vector.load %arg9[%get3A_255, %get3A_256, %get3A_257, %get3A_258] : memref<6x3x226x224xf32, #tpu.memory_space<vmem>>, vector<1x1x224x224xf32>
    %get3A_260 = vector.shape_cast %get3A_259 : vector<1x1x224x224xf32> to vector<224x224xf32>
    %get3A_261 = arith.constant 1 : index
    %get3A_262 = memref.load %arg4[%get3A_261] : memref<162xf32, #tpu.memory_space<smem>>
    %mul3A_263 = arith.mulf %get3A_262, %get3A_232 : f32
    %mul3A_264 = vector.broadcast %mul3A_263 : f32 to vector<224x224xf32>
    %mul3A_265 = arith.mulf %get3A_260, %mul3A_264 : vector<224x224xf32>
    %add3A_266 = arith.addf %add3A, %mul3A_265 : vector<224x224xf32>
    %get3A_267 = arith.constant 55 : index
    %get3A_268 = memref.load %arg4[%get3A_267] : memref<162xf32, #tpu.memory_space<smem>>
    %mul3A_269 = arith.mulf %get3A_268, %get3A_232 : f32
    %mul3A_270 = vector.broadcast %mul3A_269 : f32 to vector<224x224xf32>
    %mul3A_271 = arith.mulf %get3A_260, %mul3A_270 : vector<224x224xf32>
    %add3A_272 = arith.addf %add3A_248, %mul3A_271 : vector<224x224xf32>
    %get3A_273 = arith.constant 109 : index
    %get3A_274 = memref.load %arg4[%get3A_273] : memref<162xf32, #tpu.memory_space<smem>>
    %mul3A_275 = arith.mulf %get3A_274, %get3A_232 : f32
    %mul3A_276 = vector.broadcast %mul3A_275 : f32 to vector<224x224xf32>
    %mul3A_277 = arith.mulf %get3A_260, %mul3A_276 : vector<224x224xf32>
    %add3A_278 = arith.addf %add3A_254, %mul3A_277 : vector<224x224xf32>
    %get3A_279 = arith.constant 0 : index
    %get3A_280 = arith.constant 2 : index
    %get3A_281 = arith.constant 0 : index
    %get3A_282 = arith.constant 0 : index
    %get3A_283 = vector.load %arg9[%get3A_279, %get3A_280, %get3A_281, %get3A_282] : memref<6x3x226x224xf32, #tpu.memory_space<vmem>>, vector<1x1x224x224xf32>
    %get3A_284 = vector.shape_cast %get3A_283 : vector<1x1x224x224xf32> to vector<224x224xf32>
    %get3A_285 = arith.constant 2 : index
    %get3A_286 = memref.load %arg4[%get3A_285] : memref<162xf32, #tpu.memory_space<smem>>
    %mul3A_287 = arith.mulf %get3A_286, %get3A_232 : f32
    %mul3A_288 = vector.broadcast %mul3A_287 : f32 to vector<224x224xf32>
    %mul3A_289 = arith.mulf %get3A_284, %mul3A_288 : vector<224x224xf32>
    %add3A_290 = arith.addf %add3A_266, %mul3A_289 : vector<224x224xf32>
    %get3A_291 = arith.constant 56 : index
    %get3A_292 = memref.load %arg4[%get3A_291] : memref<162xf32, #tpu.memory_space<smem>>
    %mul3A_293 = arith.mulf %get3A_292, %get3A_232 : f32
    %mul3A_294 = vector.broadcast %mul3A_293 : f32 to vector<224x224xf32>
    %mul3A_295 = arith.mulf %get3A_284, %mul3A_294 : vector<224x224xf32>
    %add3A_296 = arith.addf %add3A_272, %mul3A_295 : vector<224x224xf32>
    %get3A_297 = arith.constant 110 : index
    %get3A_298 = memref.load %arg4[%get3A_297] : memref<162xf32, #tpu.memory_space<smem>>
    %mul3A_299 = arith.mulf %get3A_298, %get3A_232 : f32
    %mul3A_300 = vector.broadcast %mul3A_299 : f32 to vector<224x224xf32>
    %mul3A_301 = arith.mulf %get3A_284, %mul3A_300 : vector<224x224xf32>
    %add3A_302 = arith.addf %add3A_278, %mul3A_301 : vector<224x224xf32>
    %get3A_303 = arith.constant 0 : index
    %get3A_304 = arith.constant 0 : index
    %get3A_305 = arith.constant 1 : index
    %get3A_306 = arith.constant 0 : index
    %get3A_307 = vector.load %arg9[%get3A_303, %get3A_304, %get3A_305, %get3A_306] : memref<6x3x226x224xf32, #tpu.memory_space<vmem>>, vector<1x1x224x224xf32>
    %get3A_308 = vector.shape_cast %get3A_307 : vector<1x1x224x224xf32> to vector<224x224xf32>
    %get3A_309 = arith.constant 3 : index
    %get3A_310 = memref.load %arg4[%get3A_309] : memref<162xf32, #tpu.memory_space<smem>>
    %mul3A_311 = arith.mulf %get3A_310, %get3A_232 : f32
    %mul3A_312 = vector.broadcast %mul3A_311 : f32 to vector<224x224xf32>
    %mul3A_313 = arith.mulf %get3A_308, %mul3A_312 : vector<224x224xf32>
    %add3A_314 = arith.addf %add3A_290, %mul3A_313 : vector<224x224xf32>
    %get3A_315 = arith.constant 57 : index
    %get3A_316 = memref.load %arg4[%get3A_315] : memref<162xf32, #tpu.memory_space<smem>>
    %mul3A_317 = arith.mulf %get3A_316, %get3A_232 : f32
    %mul3A_318 = vector.broadcast %mul3A_317 : f32 to vector<224x224xf32>
    %mul3A_319 = arith.mulf %get3A_308, %mul3A_318 : vector<224x224xf32>
    %add3A_320 = arith.addf %add3A_296, %mul3A_319 : vector<224x224xf32>
    %get3A_321 = arith.constant 111 : index
    %get3A_322 = memref.load %arg4[%get3A_321] : memref<162xf32, #tpu.memory_space<smem>>
    %mul3A_323 = arith.mulf %get3A_322, %get3A_232 : f32
    %mul3A_324 = vector.broadcast %mul3A_323 : f32 to vector<224x224xf32>
    %mul3A_325 = arith.mulf %get3A_308, %mul3A_324 : vector<224x224xf32>
    %add3A_326 = arith.addf %add3A_302, %mul3A_325 : vector<224x224xf32>
    %get3A_327 = arith.constant 0 : index
    %get3A_328 = arith.constant 1 : index
    %get3A_329 = arith.constant 1 : index
    %get3A_330 = arith.constant 0 : index
    %get3A_331 = vector.load %arg9[%get3A_327, %get3A_328, %get3A_329, %get3A_330] : memref<6x3x226x224xf32, #tpu.memory_space<vmem>>, vector<1x1x224x224xf32>
    %get3A_332 = vector.shape_cast %get3A_331 : vector<1x1x224x224xf32> to vector<224x224xf32>
    %get3A_333 = arith.constant 4 : index
    %get3A_334 = memref.load %arg4[%get3A_333] : memref<162xf32, #tpu.memory_space<smem>>
    %mul3A_335 = arith.mulf %get3A_334, %get3A_232 : f32
    %mul3A_336 = vector.broadcast %mul3A_335 : f32 to vector<224x224xf32>
    %mul3A_337 = arith.mulf %get3A_332, %mul3A_336 : vector<224x224xf32>
    %add3A_338 = arith.addf %add3A_314, %mul3A_337 : vector<224x224xf32>
    %get3A_339 = arith.constant 58 : index
    %get3A_340 = memref.load %arg4[%get3A_339] : memref<162xf32, #tpu.memory_space<smem>>
    %mul3A_341 = arith.mulf %get3A_340, %get3A_232 : f32
    %mul3A_342 = vector.broadcast %mul3A_341 : f32 to vector<224x224xf32>
    %mul3A_343 = arith.mulf %get3A_332, %mul3A_342 : vector<224x224xf32>
    %add3A_344 = arith.addf %add3A_320, %mul3A_343 : vector<224x224xf32>
    %get3A_345 = arith.constant 112 : index
    %get3A_346 = memref.load %arg4[%get3A_345] : memref<162xf32, #tpu.memory_space<smem>>
    %mul3A_347 = arith.mulf %get3A_346, %get3A_232 : f32
    %mul3A_348 = vector.broadcast %mul3A_347 : f32 to vector<224x224xf32>
    %mul3A_349 = arith.mulf %get3A_332, %mul3A_348 : vector<224x224xf32>
    %add3A_350 = arith.addf %add3A_326, %mul3A_349 : vector<224x224xf32>
    %get3A_351 = arith.constant 0 : index
    %get3A_352 = arith.constant 2 : index
    %get3A_353 = arith.constant 1 : index
    %get3A_354 = arith.constant 0 : index
    %get3A_355 = vector.load %arg9[%get3A_351, %get3A_352, %get3A_353, %get3A_354] : memref<6x3x226x224xf32, #tpu.memory_space<vmem>>, vector<1x1x224x224xf32>
    %get3A_356 = vector.shape_cast %get3A_355 : vector<1x1x224x224xf32> to vector<224x224xf32>
    %get3A_357 = arith.constant 5 : index
    %get3A_358 = memref.load %arg4[%get3A_357] : memref<162xf32, #tpu.memory_space<smem>>
    %mul3A_359 = arith.mulf %get3A_358, %get3A_232 : f32
    %mul3A_360 = vector.broadcast %mul3A_359 : f32 to vector<224x224xf32>
    %mul3A_361 = arith.mulf %get3A_356, %mul3A_360 : vector<224x224xf32>
    %add3A_362 = arith.addf %add3A_338, %mul3A_361 : vector<224x224xf32>
    %get3A_363 = arith.constant 59 : index
    %get3A_364 = memref.load %arg4[%get3A_363] : memref<162xf32, #tpu.memory_space<smem>>
    %mul3A_365 = arith.mulf %get3A_364, %get3A_232 : f32
    %mul3A_366 = vector.broadcast %mul3A_365 : f32 to vector<224x224xf32>
    %mul3A_367 = arith.mulf %get3A_356, %mul3A_366 : vector<224x224xf32>
    %add3A_368 = arith.addf %add3A_344, %mul3A_367 : vector<224x224xf32>
    %get3A_369 = arith.constant 113 : index
    %get3A_370 = memref.load %arg4[%get3A_369] : memref<162xf32, #tpu.memory_space<smem>>
    %mul3A_371 = arith.mulf %get3A_370, %get3A_232 : f32
    %mul3A_372 = vector.broadcast %mul3A_371 : f32 to vector<224x224xf32>
    %mul3A_373 = arith.mulf %get3A_356, %mul3A_372 : vector<224x224xf32>
    %add3A_374 = arith.addf %add3A_350, %mul3A_373 : vector<224x224xf32>
    %get3A_375 = arith.constant 0 : index
    %get3A_376 = arith.constant 0 : index
    %get3A_377 = arith.constant 2 : index
    %get3A_378 = arith.constant 0 : index
    %get3A_379 = vector.load %arg9[%get3A_375, %get3A_376, %get3A_377, %get3A_378] : memref<6x3x226x224xf32, #tpu.memory_space<vmem>>, vector<1x1x224x224xf32>
    %get3A_380 = vector.shape_cast %get3A_379 : vector<1x1x224x224xf32> to vector<224x224xf32>
    %get3A_381 = arith.constant 6 : index
    %get3A_382 = memref.load %arg4[%get3A_381] : memref<162xf32, #tpu.memory_space<smem>>
    %mul3A_383 = arith.mulf %get3A_382, %get3A_232 : f32
    %mul3A_384 = vector.broadcast %mul3A_383 : f32 to vector<224x224xf32>
    %mul3A_385 = arith.mulf %get3A_380, %mul3A_384 : vector<224x224xf32>
    %add3A_386 = arith.addf %add3A_362, %mul3A_385 : vector<224x224xf32>
    %get3A_387 = arith.constant 60 : index
    %get3A_388 = memref.load %arg4[%get3A_387] : memref<162xf32, #tpu.memory_space<smem>>
    %mul3A_389 = arith.mulf %get3A_388, %get3A_232 : f32
    %mul3A_390 = vector.broadcast %mul3A_389 : f32 to vector<224x224xf32>
    %mul3A_391 = arith.mulf %get3A_380, %mul3A_390 : vector<224x224xf32>
    %add3A_392 = arith.addf %add3A_368, %mul3A_391 : vector<224x224xf32>
    %get3A_393 = arith.constant 114 : index
    %get3A_394 = memref.load %arg4[%get3A_393] : memref<162xf32, #tpu.memory_space<smem>>
    %mul3A_395 = arith.mulf %get3A_394, %get3A_232 : f32
    %mul3A_396 = vector.broadcast %mul3A_395 : f32 to vector<224x224xf32>
    %mul3A_397 = arith.mulf %get3A_380, %mul3A_396 : vector<224x224xf32>
    %add3A_398 = arith.addf %add3A_374, %mul3A_397 : vector<224x224xf32>
    %get3A_399 = arith.constant 0 : index
    %get3A_400 = arith.constant 1 : index
    %get3A_401 = arith.constant 2 : index
    %get3A_402 = arith.constant 0 : index
    %get3A_403 = vector.load %arg9[%get3A_399, %get3A_400, %get3A_401, %get3A_402] : memref<6x3x226x224xf32, #tpu.memory_space<vmem>>, vector<1x1x224x224xf32>
    %get3A_404 = vector.shape_cast %get3A_403 : vector<1x1x224x224xf32> to vector<224x224xf32>
    %get3A_405 = arith.constant 7 : index
    %get3A_406 = memref.load %arg4[%get3A_405] : memref<162xf32, #tpu.memory_space<smem>>
    %mul3A_407 = arith.mulf %get3A_406, %get3A_232 : f32
    %mul3A_408 = vector.broadcast %mul3A_407 : f32 to vector<224x224xf32>
    %mul3A_409 = arith.mulf %get3A_404, %mul3A_408 : vector<224x224xf32>
    %add3A_410 = arith.addf %add3A_386, %mul3A_409 : vector<224x224xf32>
    %get3A_411 = arith.constant 61 : index
    %get3A_412 = memref.load %arg4[%get3A_411] : memref<162xf32, #tpu.memory_space<smem>>
    %mul3A_413 = arith.mulf %get3A_412, %get3A_232 : f32
    %mul3A_414 = vector.broadcast %mul3A_413 : f32 to vector<224x224xf32>
    %mul3A_415 = arith.mulf %get3A_404, %mul3A_414 : vector<224x224xf32>
    %add3A_416 = arith.addf %add3A_392, %mul3A_415 : vector<224x224xf32>
    %get3A_417 = arith.constant 115 : index
    %get3A_418 = memref.load %arg4[%get3A_417] : memref<162xf32, #tpu.memory_space<smem>>
    %mul3A_419 = arith.mulf %get3A_418, %get3A_232 : f32
    %mul3A_420 = vector.broadcast %mul3A_419 : f32 to vector<224x224xf32>
    %mul3A_421 = arith.mulf %get3A_404, %mul3A_420 : vector<224x224xf32>
    %add3A_422 = arith.addf %add3A_398, %mul3A_421 : vector<224x224xf32>
    %get3A_423 = arith.constant 0 : index
    %get3A_424 = arith.constant 2 : index
    %get3A_425 = arith.constant 2 : index
    %get3A_426 = arith.constant 0 : index
    %get3A_427 = vector.load %arg9[%get3A_423, %get3A_424, %get3A_425, %get3A_426] : memref<6x3x226x224xf32, #tpu.memory_space<vmem>>, vector<1x1x224x224xf32>
    %get3A_428 = vector.shape_cast %get3A_427 : vector<1x1x224x224xf32> to vector<224x224xf32>
    %get3A_429 = arith.constant 8 : index
    %get3A_430 = memref.load %arg4[%get3A_429] : memref<162xf32, #tpu.memory_space<smem>>
    %mul3A_431 = arith.mulf %get3A_430, %get3A_232 : f32
    %mul3A_432 = vector.broadcast %mul3A_431 : f32 to vector<224x224xf32>
    %mul3A_433 = arith.mulf %get3A_428, %mul3A_432 : vector<224x224xf32>
    %add3A_434 = arith.addf %add3A_410, %mul3A_433 : vector<224x224xf32>
    %get3A_435 = arith.constant 62 : index
    %get3A_436 = memref.load %arg4[%get3A_435] : memref<162xf32, #tpu.memory_space<smem>>
    %mul3A_437 = arith.mulf %get3A_436, %get3A_232 : f32
    %mul3A_438 = vector.broadcast %mul3A_437 : f32 to vector<224x224xf32>
    %mul3A_439 = arith.mulf %get3A_428, %mul3A_438 : vector<224x224xf32>
    %add3A_440 = arith.addf %add3A_416, %mul3A_439 : vector<224x224xf32>
    %get3A_441 = arith.constant 116 : index
    %get3A_442 = memref.load %arg4[%get3A_441] : memref<162xf32, #tpu.memory_space<smem>>
    %mul3A_443 = arith.mulf %get3A_442, %get3A_232 : f32
    %mul3A_444 = vector.broadcast %mul3A_443 : f32 to vector<224x224xf32>
    %mul3A_445 = arith.mulf %get3A_428, %mul3A_444 : vector<224x224xf32>
    %add3A_446 = arith.addf %add3A_422, %mul3A_445 : vector<224x224xf32>
    %get3A_447 = arith.index_cast %arg0 : i32 to index
    %get3A_448 = arith.constant 1 : index
    %get3A_449 = memref.load %arg2[%get3A_447, %get3A_448] : memref<8x3xf32, #tpu.memory_space<smem>>
    %get3A_450 = arith.constant 1 : index
    %get3A_451 = arith.constant 0 : index
    %get3A_452 = arith.constant 0 : index
    %get3A_453 = arith.constant 0 : index
    %get3A_454 = vector.load %arg9[%get3A_450, %get3A_451, %get3A_452, %get3A_453] : memref<6x3x226x224xf32, #tpu.memory_space<vmem>>, vector<1x1x224x224xf32>
    %get3A_455 = vector.shape_cast %get3A_454 : vector<1x1x224x224xf32> to vector<224x224xf32>
    %get3A_456 = arith.constant 9 : index
    %get3A_457 = memref.load %arg4[%get3A_456] : memref<162xf32, #tpu.memory_space<smem>>
    %mul3A_458 = arith.mulf %get3A_457, %get3A_449 : f32
    %mul3A_459 = vector.broadcast %mul3A_458 : f32 to vector<224x224xf32>
    %mul3A_460 = arith.mulf %get3A_455, %mul3A_459 : vector<224x224xf32>
    %add3A_461 = arith.addf %add3A_434, %mul3A_460 : vector<224x224xf32>
    %get3A_462 = arith.constant 63 : index
    %get3A_463 = memref.load %arg4[%get3A_462] : memref<162xf32, #tpu.memory_space<smem>>
    %mul3A_464 = arith.mulf %get3A_463, %get3A_449 : f32
    %mul3A_465 = vector.broadcast %mul3A_464 : f32 to vector<224x224xf32>
    %mul3A_466 = arith.mulf %get3A_455, %mul3A_465 : vector<224x224xf32>
    %add3A_467 = arith.addf %add3A_440, %mul3A_466 : vector<224x224xf32>
    %get3A_468 = arith.constant 117 : index
    %get3A_469 = memref.load %arg4[%get3A_468] : memref<162xf32, #tpu.memory_space<smem>>
    %mul3A_470 = arith.mulf %get3A_469, %get3A_449 : f32
    %mul3A_471 = vector.broadcast %mul3A_470 : f32 to vector<224x224xf32>
    %mul3A_472 = arith.mulf %get3A_455, %mul3A_471 : vector<224x224xf32>
    %add3A_473 = arith.addf %add3A_446, %mul3A_472 : vector<224x224xf32>
    %get3A_474 = arith.constant 1 : index
    %get3A_475 = arith.constant 1 : index
    %get3A_476 = arith.constant 0 : index
    %get3A_477 = arith.constant 0 : index
    %get3A_478 = vector.load %arg9[%get3A_474, %get3A_475, %get3A_476, %get3A_477] : memref<6x3x226x224xf32, #tpu.memory_space<vmem>>, vector<1x1x224x224xf32>
    %get3A_479 = vector.shape_cast %get3A_478 : vector<1x1x224x224xf32> to vector<224x224xf32>
    %get3A_480 = arith.constant 10 : index
    %get3A_481 = memref.load %arg4[%get3A_480] : memref<162xf32, #tpu.memory_space<smem>>
    %mul3A_482 = arith.mulf %get3A_481, %get3A_449 : f32
    %mul3A_483 = vector.broadcast %mul3A_482 : f32 to vector<224x224xf32>
    %mul3A_484 = arith.mulf %get3A_479, %mul3A_483 : vector<224x224xf32>
    %add3A_485 = arith.addf %add3A_461, %mul3A_484 : vector<224x224xf32>
    %get3A_486 = arith.constant 64 : index
    %get3A_487 = memref.load %arg4[%get3A_486] : memref<162xf32, #tpu.memory_space<smem>>
    %mul3A_488 = arith.mulf %get3A_487, %get3A_449 : f32
    %mul3A_489 = vector.broadcast %mul3A_488 : f32 to vector<224x224xf32>
    %mul3A_490 = arith.mulf %get3A_479, %mul3A_489 : vector<224x224xf32>
    %add3A_491 = arith.addf %add3A_467, %mul3A_490 : vector<224x224xf32>
    %get3A_492 = arith.constant 118 : index
    %get3A_493 = memref.load %arg4[%get3A_492] : memref<162xf32, #tpu.memory_space<smem>>
    %mul3A_494 = arith.mulf %get3A_493, %get3A_449 : f32
    %mul3A_495 = vector.broadcast %mul3A_494 : f32 to vector<224x224xf32>
    %mul3A_496 = arith.mulf %get3A_479, %mul3A_495 : vector<224x224xf32>
    %add3A_497 = arith.addf %add3A_473, %mul3A_496 : vector<224x224xf32>
    %get3A_498 = arith.constant 1 : index
    %get3A_499 = arith.constant 2 : index
    %get3A_500 = arith.constant 0 : index
    %get3A_501 = arith.constant 0 : index
    %get3A_502 = vector.load %arg9[%get3A_498, %get3A_499, %get3A_500, %get3A_501] : memref<6x3x226x224xf32, #tpu.memory_space<vmem>>, vector<1x1x224x224xf32>
    %get3A_503 = vector.shape_cast %get3A_502 : vector<1x1x224x224xf32> to vector<224x224xf32>
    %get3A_504 = arith.constant 11 : index
    %get3A_505 = memref.load %arg4[%get3A_504] : memref<162xf32, #tpu.memory_space<smem>>
    %mul3A_506 = arith.mulf %get3A_505, %get3A_449 : f32
    %mul3A_507 = vector.broadcast %mul3A_506 : f32 to vector<224x224xf32>
    %mul3A_508 = arith.mulf %get3A_503, %mul3A_507 : vector<224x224xf32>
    %add3A_509 = arith.addf %add3A_485, %mul3A_508 : vector<224x224xf32>
    %get3A_510 = arith.constant 65 : index
    %get3A_511 = memref.load %arg4[%get3A_510] : memref<162xf32, #tpu.memory_space<smem>>
    %mul3A_512 = arith.mulf %get3A_511, %get3A_449 : f32
    %mul3A_513 = vector.broadcast %mul3A_512 : f32 to vector<224x224xf32>
    %mul3A_514 = arith.mulf %get3A_503, %mul3A_513 : vector<224x224xf32>
    %add3A_515 = arith.addf %add3A_491, %mul3A_514 : vector<224x224xf32>
    %get3A_516 = arith.constant 119 : index
    %get3A_517 = memref.load %arg4[%get3A_516] : memref<162xf32, #tpu.memory_space<smem>>
    %mul3A_518 = arith.mulf %get3A_517, %get3A_449 : f32
    %mul3A_519 = vector.broadcast %mul3A_518 : f32 to vector<224x224xf32>
    %mul3A_520 = arith.mulf %get3A_503, %mul3A_519 : vector<224x224xf32>
    %add3A_521 = arith.addf %add3A_497, %mul3A_520 : vector<224x224xf32>
    %get3A_522 = arith.constant 1 : index
    %get3A_523 = arith.constant 0 : index
    %get3A_524 = arith.constant 1 : index
    %get3A_525 = arith.constant 0 : index
    %get3A_526 = vector.load %arg9[%get3A_522, %get3A_523, %get3A_524, %get3A_525] : memref<6x3x226x224xf32, #tpu.memory_space<vmem>>, vector<1x1x224x224xf32>
    %get3A_527 = vector.shape_cast %get3A_526 : vector<1x1x224x224xf32> to vector<224x224xf32>
    %get3A_528 = arith.constant 12 : index
    %get3A_529 = memref.load %arg4[%get3A_528] : memref<162xf32, #tpu.memory_space<smem>>
    %mul3A_530 = arith.mulf %get3A_529, %get3A_449 : f32
    %mul3A_531 = vector.broadcast %mul3A_530 : f32 to vector<224x224xf32>
    %mul3A_532 = arith.mulf %get3A_527, %mul3A_531 : vector<224x224xf32>
    %add3A_533 = arith.addf %add3A_509, %mul3A_532 : vector<224x224xf32>
    %get3A_534 = arith.constant 66 : index
    %get3A_535 = memref.load %arg4[%get3A_534] : memref<162xf32, #tpu.memory_space<smem>>
    %mul3A_536 = arith.mulf %get3A_535, %get3A_449 : f32
    %mul3A_537 = vector.broadcast %mul3A_536 : f32 to vector<224x224xf32>
    %mul3A_538 = arith.mulf %get3A_527, %mul3A_537 : vector<224x224xf32>
    %add3A_539 = arith.addf %add3A_515, %mul3A_538 : vector<224x224xf32>
    %get3A_540 = arith.constant 120 : index
    %get3A_541 = memref.load %arg4[%get3A_540] : memref<162xf32, #tpu.memory_space<smem>>
    %mul3A_542 = arith.mulf %get3A_541, %get3A_449 : f32
    %mul3A_543 = vector.broadcast %mul3A_542 : f32 to vector<224x224xf32>
    %mul3A_544 = arith.mulf %get3A_527, %mul3A_543 : vector<224x224xf32>
    %add3A_545 = arith.addf %add3A_521, %mul3A_544 : vector<224x224xf32>
    %get3A_546 = arith.constant 1 : index
    %get3A_547 = arith.constant 1 : index
    %get3A_548 = arith.constant 1 : index
    %get3A_549 = arith.constant 0 : index
    %get3A_550 = vector.load %arg9[%get3A_546, %get3A_547, %get3A_548, %get3A_549] : memref<6x3x226x224xf32, #tpu.memory_space<vmem>>, vector<1x1x224x224xf32>
    %get3A_551 = vector.shape_cast %get3A_550 : vector<1x1x224x224xf32> to vector<224x224xf32>
    %get3A_552 = arith.constant 13 : index
    %get3A_553 = memref.load %arg4[%get3A_552] : memref<162xf32, #tpu.memory_space<smem>>
    %mul3A_554 = arith.mulf %get3A_553, %get3A_449 : f32
    %mul3A_555 = vector.broadcast %mul3A_554 : f32 to vector<224x224xf32>
    %mul3A_556 = arith.mulf %get3A_551, %mul3A_555 : vector<224x224xf32>
    %add3A_557 = arith.addf %add3A_533, %mul3A_556 : vector<224x224xf32>
    %get3A_558 = arith.constant 67 : index
    %get3A_559 = memref.load %arg4[%get3A_558] : memref<162xf32, #tpu.memory_space<smem>>
    %mul3A_560 = arith.mulf %get3A_559, %get3A_449 : f32
    %mul3A_561 = vector.broadcast %mul3A_560 : f32 to vector<224x224xf32>
    %mul3A_562 = arith.mulf %get3A_551, %mul3A_561 : vector<224x224xf32>
    %add3A_563 = arith.addf %add3A_539, %mul3A_562 : vector<224x224xf32>
    %get3A_564 = arith.constant 121 : index
    %get3A_565 = memref.load %arg4[%get3A_564] : memref<162xf32, #tpu.memory_space<smem>>
    %mul3A_566 = arith.mulf %get3A_565, %get3A_449 : f32
    %mul3A_567 = vector.broadcast %mul3A_566 : f32 to vector<224x224xf32>
    %mul3A_568 = arith.mulf %get3A_551, %mul3A_567 : vector<224x224xf32>
    %add3A_569 = arith.addf %add3A_545, %mul3A_568 : vector<224x224xf32>
    %get3A_570 = arith.constant 1 : index
    %get3A_571 = arith.constant 2 : index
    %get3A_572 = arith.constant 1 : index
    %get3A_573 = arith.constant 0 : index
    %get3A_574 = vector.load %arg9[%get3A_570, %get3A_571, %get3A_572, %get3A_573] : memref<6x3x226x224xf32, #tpu.memory_space<vmem>>, vector<1x1x224x224xf32>
    %get3A_575 = vector.shape_cast %get3A_574 : vector<1x1x224x224xf32> to vector<224x224xf32>
    %get3A_576 = arith.constant 14 : index
    %get3A_577 = memref.load %arg4[%get3A_576] : memref<162xf32, #tpu.memory_space<smem>>
    %mul3A_578 = arith.mulf %get3A_577, %get3A_449 : f32
    %mul3A_579 = vector.broadcast %mul3A_578 : f32 to vector<224x224xf32>
    %mul3A_580 = arith.mulf %get3A_575, %mul3A_579 : vector<224x224xf32>
    %add3A_581 = arith.addf %add3A_557, %mul3A_580 : vector<224x224xf32>
    %get3A_582 = arith.constant 68 : index
    %get3A_583 = memref.load %arg4[%get3A_582] : memref<162xf32, #tpu.memory_space<smem>>
    %mul3A_584 = arith.mulf %get3A_583, %get3A_449 : f32
    %mul3A_585 = vector.broadcast %mul3A_584 : f32 to vector<224x224xf32>
    %mul3A_586 = arith.mulf %get3A_575, %mul3A_585 : vector<224x224xf32>
    %add3A_587 = arith.addf %add3A_563, %mul3A_586 : vector<224x224xf32>
    %get3A_588 = arith.constant 122 : index
    %get3A_589 = memref.load %arg4[%get3A_588] : memref<162xf32, #tpu.memory_space<smem>>
    %mul3A_590 = arith.mulf %get3A_589, %get3A_449 : f32
    %mul3A_591 = vector.broadcast %mul3A_590 : f32 to vector<224x224xf32>
    %mul3A_592 = arith.mulf %get3A_575, %mul3A_591 : vector<224x224xf32>
    %add3A_593 = arith.addf %add3A_569, %mul3A_592 : vector<224x224xf32>
    %get3A_594 = arith.constant 1 : index
    %get3A_595 = arith.constant 0 : index
    %get3A_596 = arith.constant 2 : index
    %get3A_597 = arith.constant 0 : index
    %get3A_598 = vector.load %arg9[%get3A_594, %get3A_595, %get3A_596, %get3A_597] : memref<6x3x226x224xf32, #tpu.memory_space<vmem>>, vector<1x1x224x224xf32>
    %get3A_599 = vector.shape_cast %get3A_598 : vector<1x1x224x224xf32> to vector<224x224xf32>
    %get3A_600 = arith.constant 15 : index
    %get3A_601 = memref.load %arg4[%get3A_600] : memref<162xf32, #tpu.memory_space<smem>>
    %mul3A_602 = arith.mulf %get3A_601, %get3A_449 : f32
    %mul3A_603 = vector.broadcast %mul3A_602 : f32 to vector<224x224xf32>
    %mul3A_604 = arith.mulf %get3A_599, %mul3A_603 : vector<224x224xf32>
    %add3A_605 = arith.addf %add3A_581, %mul3A_604 : vector<224x224xf32>
    %get3A_606 = arith.constant 69 : index
    %get3A_607 = memref.load %arg4[%get3A_606] : memref<162xf32, #tpu.memory_space<smem>>
    %mul3A_608 = arith.mulf %get3A_607, %get3A_449 : f32
    %mul3A_609 = vector.broadcast %mul3A_608 : f32 to vector<224x224xf32>
    %mul3A_610 = arith.mulf %get3A_599, %mul3A_609 : vector<224x224xf32>
    %add3A_611 = arith.addf %add3A_587, %mul3A_610 : vector<224x224xf32>
    %get3A_612 = arith.constant 123 : index
    %get3A_613 = memref.load %arg4[%get3A_612] : memref<162xf32, #tpu.memory_space<smem>>
    %mul3A_614 = arith.mulf %get3A_613, %get3A_449 : f32
    %mul3A_615 = vector.broadcast %mul3A_614 : f32 to vector<224x224xf32>
    %mul3A_616 = arith.mulf %get3A_599, %mul3A_615 : vector<224x224xf32>
    %add3A_617 = arith.addf %add3A_593, %mul3A_616 : vector<224x224xf32>
    %get3A_618 = arith.constant 1 : index
    %get3A_619 = arith.constant 1 : index
    %get3A_620 = arith.constant 2 : index
    %get3A_621 = arith.constant 0 : index
    %get3A_622 = vector.load %arg9[%get3A_618, %get3A_619, %get3A_620, %get3A_621] : memref<6x3x226x224xf32, #tpu.memory_space<vmem>>, vector<1x1x224x224xf32>
    %get3A_623 = vector.shape_cast %get3A_622 : vector<1x1x224x224xf32> to vector<224x224xf32>
    %get3A_624 = arith.constant 16 : index
    %get3A_625 = memref.load %arg4[%get3A_624] : memref<162xf32, #tpu.memory_space<smem>>
    %mul3A_626 = arith.mulf %get3A_625, %get3A_449 : f32
    %mul3A_627 = vector.broadcast %mul3A_626 : f32 to vector<224x224xf32>
    %mul3A_628 = arith.mulf %get3A_623, %mul3A_627 : vector<224x224xf32>
    %add3A_629 = arith.addf %add3A_605, %mul3A_628 : vector<224x224xf32>
    %get3A_630 = arith.constant 70 : index
    %get3A_631 = memref.load %arg4[%get3A_630] : memref<162xf32, #tpu.memory_space<smem>>
    %mul3A_632 = arith.mulf %get3A_631, %get3A_449 : f32
    %mul3A_633 = vector.broadcast %mul3A_632 : f32 to vector<224x224xf32>
    %mul3A_634 = arith.mulf %get3A_623, %mul3A_633 : vector<224x224xf32>
    %add3A_635 = arith.addf %add3A_611, %mul3A_634 : vector<224x224xf32>
    %get3A_636 = arith.constant 124 : index
    %get3A_637 = memref.load %arg4[%get3A_636] : memref<162xf32, #tpu.memory_space<smem>>
    %mul3A_638 = arith.mulf %get3A_637, %get3A_449 : f32
    %mul3A_639 = vector.broadcast %mul3A_638 : f32 to vector<224x224xf32>
    %mul3A_640 = arith.mulf %get3A_623, %mul3A_639 : vector<224x224xf32>
    %add3A_641 = arith.addf %add3A_617, %mul3A_640 : vector<224x224xf32>
    %get3A_642 = arith.constant 1 : index
    %get3A_643 = arith.constant 2 : index
    %get3A_644 = arith.constant 2 : index
    %get3A_645 = arith.constant 0 : index
    %get3A_646 = vector.load %arg9[%get3A_642, %get3A_643, %get3A_644, %get3A_645] : memref<6x3x226x224xf32, #tpu.memory_space<vmem>>, vector<1x1x224x224xf32>
    %get3A_647 = vector.shape_cast %get3A_646 : vector<1x1x224x224xf32> to vector<224x224xf32>
    %get3A_648 = arith.constant 17 : index
    %get3A_649 = memref.load %arg4[%get3A_648] : memref<162xf32, #tpu.memory_space<smem>>
    %mul3A_650 = arith.mulf %get3A_649, %get3A_449 : f32
    %mul3A_651 = vector.broadcast %mul3A_650 : f32 to vector<224x224xf32>
    %mul3A_652 = arith.mulf %get3A_647, %mul3A_651 : vector<224x224xf32>
    %add3A_653 = arith.addf %add3A_629, %mul3A_652 : vector<224x224xf32>
    %get3A_654 = arith.constant 71 : index
    %get3A_655 = memref.load %arg4[%get3A_654] : memref<162xf32, #tpu.memory_space<smem>>
    %mul3A_656 = arith.mulf %get3A_655, %get3A_449 : f32
    %mul3A_657 = vector.broadcast %mul3A_656 : f32 to vector<224x224xf32>
    %mul3A_658 = arith.mulf %get3A_647, %mul3A_657 : vector<224x224xf32>
    %add3A_659 = arith.addf %add3A_635, %mul3A_658 : vector<224x224xf32>
    %get3A_660 = arith.constant 125 : index
    %get3A_661 = memref.load %arg4[%get3A_660] : memref<162xf32, #tpu.memory_space<smem>>
    %mul3A_662 = arith.mulf %get3A_661, %get3A_449 : f32
    %mul3A_663 = vector.broadcast %mul3A_662 : f32 to vector<224x224xf32>
    %mul3A_664 = arith.mulf %get3A_647, %mul3A_663 : vector<224x224xf32>
    %add3A_665 = arith.addf %add3A_641, %mul3A_664 : vector<224x224xf32>
    %get3A_666 = arith.index_cast %arg0 : i32 to index
    %get3A_667 = arith.constant 2 : index
    %get3A_668 = memref.load %arg2[%get3A_666, %get3A_667] : memref<8x3xf32, #tpu.memory_space<smem>>
    %get3A_669 = arith.constant 2 : index
    %get3A_670 = arith.constant 0 : index
    %get3A_671 = arith.constant 0 : index
    %get3A_672 = arith.constant 0 : index
    %get3A_673 = vector.load %arg9[%get3A_669, %get3A_670, %get3A_671, %get3A_672] : memref<6x3x226x224xf32, #tpu.memory_space<vmem>>, vector<1x1x224x224xf32>
    %get3A_674 = vector.shape_cast %get3A_673 : vector<1x1x224x224xf32> to vector<224x224xf32>
    %get3A_675 = arith.constant 18 : index
    %get3A_676 = memref.load %arg4[%get3A_675] : memref<162xf32, #tpu.memory_space<smem>>
    %mul3A_677 = arith.mulf %get3A_676, %get3A_668 : f32
    %mul3A_678 = vector.broadcast %mul3A_677 : f32 to vector<224x224xf32>
    %mul3A_679 = arith.mulf %get3A_674, %mul3A_678 : vector<224x224xf32>
    %add3A_680 = arith.addf %add3A_653, %mul3A_679 : vector<224x224xf32>
    %get3A_681 = arith.constant 72 : index
    %get3A_682 = memref.load %arg4[%get3A_681] : memref<162xf32, #tpu.memory_space<smem>>
    %mul3A_683 = arith.mulf %get3A_682, %get3A_668 : f32
    %mul3A_684 = vector.broadcast %mul3A_683 : f32 to vector<224x224xf32>
    %mul3A_685 = arith.mulf %get3A_674, %mul3A_684 : vector<224x224xf32>
    %add3A_686 = arith.addf %add3A_659, %mul3A_685 : vector<224x224xf32>
    %get3A_687 = arith.constant 126 : index
    %get3A_688 = memref.load %arg4[%get3A_687] : memref<162xf32, #tpu.memory_space<smem>>
    %mul3A_689 = arith.mulf %get3A_688, %get3A_668 : f32
    %mul3A_690 = vector.broadcast %mul3A_689 : f32 to vector<224x224xf32>
    %mul3A_691 = arith.mulf %get3A_674, %mul3A_690 : vector<224x224xf32>
    %add3A_692 = arith.addf %add3A_665, %mul3A_691 : vector<224x224xf32>
    %get3A_693 = arith.constant 2 : index
    %get3A_694 = arith.constant 1 : index
    %get3A_695 = arith.constant 0 : index
    %get3A_696 = arith.constant 0 : index
    %get3A_697 = vector.load %arg9[%get3A_693, %get3A_694, %get3A_695, %get3A_696] : memref<6x3x226x224xf32, #tpu.memory_space<vmem>>, vector<1x1x224x224xf32>
    %get3A_698 = vector.shape_cast %get3A_697 : vector<1x1x224x224xf32> to vector<224x224xf32>
    %get3A_699 = arith.constant 19 : index
    %get3A_700 = memref.load %arg4[%get3A_699] : memref<162xf32, #tpu.memory_space<smem>>
    %mul3A_701 = arith.mulf %get3A_700, %get3A_668 : f32
    %mul3A_702 = vector.broadcast %mul3A_701 : f32 to vector<224x224xf32>
    %mul3A_703 = arith.mulf %get3A_698, %mul3A_702 : vector<224x224xf32>
    %add3A_704 = arith.addf %add3A_680, %mul3A_703 : vector<224x224xf32>
    %get3A_705 = arith.constant 73 : index
    %get3A_706 = memref.load %arg4[%get3A_705] : memref<162xf32, #tpu.memory_space<smem>>
    %mul3A_707 = arith.mulf %get3A_706, %get3A_668 : f32
    %mul3A_708 = vector.broadcast %mul3A_707 : f32 to vector<224x224xf32>
    %mul3A_709 = arith.mulf %get3A_698, %mul3A_708 : vector<224x224xf32>
    %add3A_710 = arith.addf %add3A_686, %mul3A_709 : vector<224x224xf32>
    %get3A_711 = arith.constant 127 : index
    %get3A_712 = memref.load %arg4[%get3A_711] : memref<162xf32, #tpu.memory_space<smem>>
    %mul3A_713 = arith.mulf %get3A_712, %get3A_668 : f32
    %mul3A_714 = vector.broadcast %mul3A_713 : f32 to vector<224x224xf32>
    %mul3A_715 = arith.mulf %get3A_698, %mul3A_714 : vector<224x224xf32>
    %add3A_716 = arith.addf %add3A_692, %mul3A_715 : vector<224x224xf32>
    %get3A_717 = arith.constant 2 : index
    %get3A_718 = arith.constant 2 : index
    %get3A_719 = arith.constant 0 : index
    %get3A_720 = arith.constant 0 : index
    %get3A_721 = vector.load %arg9[%get3A_717, %get3A_718, %get3A_719, %get3A_720] : memref<6x3x226x224xf32, #tpu.memory_space<vmem>>, vector<1x1x224x224xf32>
    %get3A_722 = vector.shape_cast %get3A_721 : vector<1x1x224x224xf32> to vector<224x224xf32>
    %get3A_723 = arith.constant 20 : index
    %get3A_724 = memref.load %arg4[%get3A_723] : memref<162xf32, #tpu.memory_space<smem>>
    %mul3A_725 = arith.mulf %get3A_724, %get3A_668 : f32
    %mul3A_726 = vector.broadcast %mul3A_725 : f32 to vector<224x224xf32>
    %mul3A_727 = arith.mulf %get3A_722, %mul3A_726 : vector<224x224xf32>
    %add3A_728 = arith.addf %add3A_704, %mul3A_727 : vector<224x224xf32>
    %get3A_729 = arith.constant 74 : index
    %get3A_730 = memref.load %arg4[%get3A_729] : memref<162xf32, #tpu.memory_space<smem>>
    %mul3A_731 = arith.mulf %get3A_730, %get3A_668 : f32
    %mul3A_732 = vector.broadcast %mul3A_731 : f32 to vector<224x224xf32>
    %mul3A_733 = arith.mulf %get3A_722, %mul3A_732 : vector<224x224xf32>
    %add3A_734 = arith.addf %add3A_710, %mul3A_733 : vector<224x224xf32>
    %get3A_735 = arith.constant 128 : index
    %get3A_736 = memref.load %arg4[%get3A_735] : memref<162xf32, #tpu.memory_space<smem>>
    %mul3A_737 = arith.mulf %get3A_736, %get3A_668 : f32
    %mul3A_738 = vector.broadcast %mul3A_737 : f32 to vector<224x224xf32>
    %mul3A_739 = arith.mulf %get3A_722, %mul3A_738 : vector<224x224xf32>
    %add3A_740 = arith.addf %add3A_716, %mul3A_739 : vector<224x224xf32>
    %get3A_741 = arith.constant 2 : index
    %get3A_742 = arith.constant 0 : index
    %get3A_743 = arith.constant 1 : index
    %get3A_744 = arith.constant 0 : index
    %get3A_745 = vector.load %arg9[%get3A_741, %get3A_742, %get3A_743, %get3A_744] : memref<6x3x226x224xf32, #tpu.memory_space<vmem>>, vector<1x1x224x224xf32>
    %get3A_746 = vector.shape_cast %get3A_745 : vector<1x1x224x224xf32> to vector<224x224xf32>
    %get3A_747 = arith.constant 21 : index
    %get3A_748 = memref.load %arg4[%get3A_747] : memref<162xf32, #tpu.memory_space<smem>>
    %mul3A_749 = arith.mulf %get3A_748, %get3A_668 : f32
    %mul3A_750 = vector.broadcast %mul3A_749 : f32 to vector<224x224xf32>
    %mul3A_751 = arith.mulf %get3A_746, %mul3A_750 : vector<224x224xf32>
    %add3A_752 = arith.addf %add3A_728, %mul3A_751 : vector<224x224xf32>
    %get3A_753 = arith.constant 75 : index
    %get3A_754 = memref.load %arg4[%get3A_753] : memref<162xf32, #tpu.memory_space<smem>>
    %mul3A_755 = arith.mulf %get3A_754, %get3A_668 : f32
    %mul3A_756 = vector.broadcast %mul3A_755 : f32 to vector<224x224xf32>
    %mul3A_757 = arith.mulf %get3A_746, %mul3A_756 : vector<224x224xf32>
    %add3A_758 = arith.addf %add3A_734, %mul3A_757 : vector<224x224xf32>
    %get3A_759 = arith.constant 129 : index
    %get3A_760 = memref.load %arg4[%get3A_759] : memref<162xf32, #tpu.memory_space<smem>>
    %mul3A_761 = arith.mulf %get3A_760, %get3A_668 : f32
    %mul3A_762 = vector.broadcast %mul3A_761 : f32 to vector<224x224xf32>
    %mul3A_763 = arith.mulf %get3A_746, %mul3A_762 : vector<224x224xf32>
    %add3A_764 = arith.addf %add3A_740, %mul3A_763 : vector<224x224xf32>
    %get3A_765 = arith.constant 2 : index
    %get3A_766 = arith.constant 1 : index
    %get3A_767 = arith.constant 1 : index
    %get3A_768 = arith.constant 0 : index
    %get3A_769 = vector.load %arg9[%get3A_765, %get3A_766, %get3A_767, %get3A_768] : memref<6x3x226x224xf32, #tpu.memory_space<vmem>>, vector<1x1x224x224xf32>
    %get3A_770 = vector.shape_cast %get3A_769 : vector<1x1x224x224xf32> to vector<224x224xf32>
    %get3A_771 = arith.constant 22 : index
    %get3A_772 = memref.load %arg4[%get3A_771] : memref<162xf32, #tpu.memory_space<smem>>
    %mul3A_773 = arith.mulf %get3A_772, %get3A_668 : f32
    %mul3A_774 = vector.broadcast %mul3A_773 : f32 to vector<224x224xf32>
    %mul3A_775 = arith.mulf %get3A_770, %mul3A_774 : vector<224x224xf32>
    %add3A_776 = arith.addf %add3A_752, %mul3A_775 : vector<224x224xf32>
    %get3A_777 = arith.constant 76 : index
    %get3A_778 = memref.load %arg4[%get3A_777] : memref<162xf32, #tpu.memory_space<smem>>
    %mul3A_779 = arith.mulf %get3A_778, %get3A_668 : f32
    %mul3A_780 = vector.broadcast %mul3A_779 : f32 to vector<224x224xf32>
    %mul3A_781 = arith.mulf %get3A_770, %mul3A_780 : vector<224x224xf32>
    %add3A_782 = arith.addf %add3A_758, %mul3A_781 : vector<224x224xf32>
    %get3A_783 = arith.constant 130 : index
    %get3A_784 = memref.load %arg4[%get3A_783] : memref<162xf32, #tpu.memory_space<smem>>
    %mul3A_785 = arith.mulf %get3A_784, %get3A_668 : f32
    %mul3A_786 = vector.broadcast %mul3A_785 : f32 to vector<224x224xf32>
    %mul3A_787 = arith.mulf %get3A_770, %mul3A_786 : vector<224x224xf32>
    %add3A_788 = arith.addf %add3A_764, %mul3A_787 : vector<224x224xf32>
    %get3A_789 = arith.constant 2 : index
    %get3A_790 = arith.constant 2 : index
    %get3A_791 = arith.constant 1 : index
    %get3A_792 = arith.constant 0 : index
    %get3A_793 = vector.load %arg9[%get3A_789, %get3A_790, %get3A_791, %get3A_792] : memref<6x3x226x224xf32, #tpu.memory_space<vmem>>, vector<1x1x224x224xf32>
    %get3A_794 = vector.shape_cast %get3A_793 : vector<1x1x224x224xf32> to vector<224x224xf32>
    %get3A_795 = arith.constant 23 : index
    %get3A_796 = memref.load %arg4[%get3A_795] : memref<162xf32, #tpu.memory_space<smem>>
    %mul3A_797 = arith.mulf %get3A_796, %get3A_668 : f32
    %mul3A_798 = vector.broadcast %mul3A_797 : f32 to vector<224x224xf32>
    %mul3A_799 = arith.mulf %get3A_794, %mul3A_798 : vector<224x224xf32>
    %add3A_800 = arith.addf %add3A_776, %mul3A_799 : vector<224x224xf32>
    %get3A_801 = arith.constant 77 : index
    %get3A_802 = memref.load %arg4[%get3A_801] : memref<162xf32, #tpu.memory_space<smem>>
    %mul3A_803 = arith.mulf %get3A_802, %get3A_668 : f32
    %mul3A_804 = vector.broadcast %mul3A_803 : f32 to vector<224x224xf32>
    %mul3A_805 = arith.mulf %get3A_794, %mul3A_804 : vector<224x224xf32>
    %add3A_806 = arith.addf %add3A_782, %mul3A_805 : vector<224x224xf32>
    %get3A_807 = arith.constant 131 : index
    %get3A_808 = memref.load %arg4[%get3A_807] : memref<162xf32, #tpu.memory_space<smem>>
    %mul3A_809 = arith.mulf %get3A_808, %get3A_668 : f32
    %mul3A_810 = vector.broadcast %mul3A_809 : f32 to vector<224x224xf32>
    %mul3A_811 = arith.mulf %get3A_794, %mul3A_810 : vector<224x224xf32>
    %add3A_812 = arith.addf %add3A_788, %mul3A_811 : vector<224x224xf32>
    %get3A_813 = arith.constant 2 : index
    %get3A_814 = arith.constant 0 : index
    %get3A_815 = arith.constant 2 : index
    %get3A_816 = arith.constant 0 : index
    %get3A_817 = vector.load %arg9[%get3A_813, %get3A_814, %get3A_815, %get3A_816] : memref<6x3x226x224xf32, #tpu.memory_space<vmem>>, vector<1x1x224x224xf32>
    %get3A_818 = vector.shape_cast %get3A_817 : vector<1x1x224x224xf32> to vector<224x224xf32>
    %get3A_819 = arith.constant 24 : index
    %get3A_820 = memref.load %arg4[%get3A_819] : memref<162xf32, #tpu.memory_space<smem>>
    %mul3A_821 = arith.mulf %get3A_820, %get3A_668 : f32
    %mul3A_822 = vector.broadcast %mul3A_821 : f32 to vector<224x224xf32>
    %mul3A_823 = arith.mulf %get3A_818, %mul3A_822 : vector<224x224xf32>
    %add3A_824 = arith.addf %add3A_800, %mul3A_823 : vector<224x224xf32>
    %get3A_825 = arith.constant 78 : index
    %get3A_826 = memref.load %arg4[%get3A_825] : memref<162xf32, #tpu.memory_space<smem>>
    %mul3A_827 = arith.mulf %get3A_826, %get3A_668 : f32
    %mul3A_828 = vector.broadcast %mul3A_827 : f32 to vector<224x224xf32>
    %mul3A_829 = arith.mulf %get3A_818, %mul3A_828 : vector<224x224xf32>
    %add3A_830 = arith.addf %add3A_806, %mul3A_829 : vector<224x224xf32>
    %get3A_831 = arith.constant 132 : index
    %get3A_832 = memref.load %arg4[%get3A_831] : memref<162xf32, #tpu.memory_space<smem>>
    %mul3A_833 = arith.mulf %get3A_832, %get3A_668 : f32
    %mul3A_834 = vector.broadcast %mul3A_833 : f32 to vector<224x224xf32>
    %mul3A_835 = arith.mulf %get3A_818, %mul3A_834 : vector<224x224xf32>
    %add3A_836 = arith.addf %add3A_812, %mul3A_835 : vector<224x224xf32>
    %get3A_837 = arith.constant 2 : index
    %get3A_838 = arith.constant 1 : index
    %get3A_839 = arith.constant 2 : index
    %get3A_840 = arith.constant 0 : index
    %get3A_841 = vector.load %arg9[%get3A_837, %get3A_838, %get3A_839, %get3A_840] : memref<6x3x226x224xf32, #tpu.memory_space<vmem>>, vector<1x1x224x224xf32>
    %get3A_842 = vector.shape_cast %get3A_841 : vector<1x1x224x224xf32> to vector<224x224xf32>
    %get3A_843 = arith.constant 25 : index
    %get3A_844 = memref.load %arg4[%get3A_843] : memref<162xf32, #tpu.memory_space<smem>>
    %mul3A_845 = arith.mulf %get3A_844, %get3A_668 : f32
    %mul3A_846 = vector.broadcast %mul3A_845 : f32 to vector<224x224xf32>
    %mul3A_847 = arith.mulf %get3A_842, %mul3A_846 : vector<224x224xf32>
    %add3A_848 = arith.addf %add3A_824, %mul3A_847 : vector<224x224xf32>
    %get3A_849 = arith.constant 79 : index
    %get3A_850 = memref.load %arg4[%get3A_849] : memref<162xf32, #tpu.memory_space<smem>>
    %mul3A_851 = arith.mulf %get3A_850, %get3A_668 : f32
    %mul3A_852 = vector.broadcast %mul3A_851 : f32 to vector<224x224xf32>
    %mul3A_853 = arith.mulf %get3A_842, %mul3A_852 : vector<224x224xf32>
    %add3A_854 = arith.addf %add3A_830, %mul3A_853 : vector<224x224xf32>
    %get3A_855 = arith.constant 133 : index
    %get3A_856 = memref.load %arg4[%get3A_855] : memref<162xf32, #tpu.memory_space<smem>>
    %mul3A_857 = arith.mulf %get3A_856, %get3A_668 : f32
    %mul3A_858 = vector.broadcast %mul3A_857 : f32 to vector<224x224xf32>
    %mul3A_859 = arith.mulf %get3A_842, %mul3A_858 : vector<224x224xf32>
    %add3A_860 = arith.addf %add3A_836, %mul3A_859 : vector<224x224xf32>
    %get3A_861 = arith.constant 2 : index
    %get3A_862 = arith.constant 2 : index
    %get3A_863 = arith.constant 2 : index
    %get3A_864 = arith.constant 0 : index
    %get3A_865 = vector.load %arg9[%get3A_861, %get3A_862, %get3A_863, %get3A_864] : memref<6x3x226x224xf32, #tpu.memory_space<vmem>>, vector<1x1x224x224xf32>
    %get3A_866 = vector.shape_cast %get3A_865 : vector<1x1x224x224xf32> to vector<224x224xf32>
    %get3A_867 = arith.constant 26 : index
    %get3A_868 = memref.load %arg4[%get3A_867] : memref<162xf32, #tpu.memory_space<smem>>
    %mul3A_869 = arith.mulf %get3A_868, %get3A_668 : f32
    %mul3A_870 = vector.broadcast %mul3A_869 : f32 to vector<224x224xf32>
    %mul3A_871 = arith.mulf %get3A_866, %mul3A_870 : vector<224x224xf32>
    %add3A_872 = arith.addf %add3A_848, %mul3A_871 : vector<224x224xf32>
    %get3A_873 = arith.constant 80 : index
    %get3A_874 = memref.load %arg4[%get3A_873] : memref<162xf32, #tpu.memory_space<smem>>
    %mul3A_875 = arith.mulf %get3A_874, %get3A_668 : f32
    %mul3A_876 = vector.broadcast %mul3A_875 : f32 to vector<224x224xf32>
    %mul3A_877 = arith.mulf %get3A_866, %mul3A_876 : vector<224x224xf32>
    %add3A_878 = arith.addf %add3A_854, %mul3A_877 : vector<224x224xf32>
    %get3A_879 = arith.constant 134 : index
    %get3A_880 = memref.load %arg4[%get3A_879] : memref<162xf32, #tpu.memory_space<smem>>
    %mul3A_881 = arith.mulf %get3A_880, %get3A_668 : f32
    %mul3A_882 = vector.broadcast %mul3A_881 : f32 to vector<224x224xf32>
    %mul3A_883 = arith.mulf %get3A_866, %mul3A_882 : vector<224x224xf32>
    %add3A_884 = arith.addf %add3A_860, %mul3A_883 : vector<224x224xf32>
    %get3A_885 = arith.index_cast %arg0 : i32 to index
    %get3A_886 = arith.constant 0 : index
    %get3A_887 = memref.load %arg3[%get3A_885, %get3A_886] : memref<8x3xf32, #tpu.memory_space<smem>>
    %get3A_888 = arith.constant 3 : index
    %get3A_889 = arith.constant 0 : index
    %get3A_890 = arith.constant 0 : index
    %get3A_891 = arith.constant 0 : index
    %get3A_892 = vector.load %arg9[%get3A_888, %get3A_889, %get3A_890, %get3A_891] : memref<6x3x226x224xf32, #tpu.memory_space<vmem>>, vector<1x1x224x224xf32>
    %get3A_893 = vector.shape_cast %get3A_892 : vector<1x1x224x224xf32> to vector<224x224xf32>
    %get3A_894 = arith.constant 27 : index
    %get3A_895 = memref.load %arg4[%get3A_894] : memref<162xf32, #tpu.memory_space<smem>>
    %mul3A_896 = arith.mulf %get3A_895, %get3A_887 : f32
    %mul3A_897 = vector.broadcast %mul3A_896 : f32 to vector<224x224xf32>
    %mul3A_898 = arith.mulf %get3A_893, %mul3A_897 : vector<224x224xf32>
    %add3A_899 = arith.addf %add3A_872, %mul3A_898 : vector<224x224xf32>
    %get3A_900 = arith.constant 81 : index
    %get3A_901 = memref.load %arg4[%get3A_900] : memref<162xf32, #tpu.memory_space<smem>>
    %mul3A_902 = arith.mulf %get3A_901, %get3A_887 : f32
    %mul3A_903 = vector.broadcast %mul3A_902 : f32 to vector<224x224xf32>
    %mul3A_904 = arith.mulf %get3A_893, %mul3A_903 : vector<224x224xf32>
    %add3A_905 = arith.addf %add3A_878, %mul3A_904 : vector<224x224xf32>
    %get3A_906 = arith.constant 135 : index
    %get3A_907 = memref.load %arg4[%get3A_906] : memref<162xf32, #tpu.memory_space<smem>>
    %mul3A_908 = arith.mulf %get3A_907, %get3A_887 : f32
    %mul3A_909 = vector.broadcast %mul3A_908 : f32 to vector<224x224xf32>
    %mul3A_910 = arith.mulf %get3A_893, %mul3A_909 : vector<224x224xf32>
    %add3A_911 = arith.addf %add3A_884, %mul3A_910 : vector<224x224xf32>
    %get3A_912 = arith.constant 3 : index
    %get3A_913 = arith.constant 1 : index
    %get3A_914 = arith.constant 0 : index
    %get3A_915 = arith.constant 0 : index
    %get3A_916 = vector.load %arg9[%get3A_912, %get3A_913, %get3A_914, %get3A_915] : memref<6x3x226x224xf32, #tpu.memory_space<vmem>>, vector<1x1x224x224xf32>
    %get3A_917 = vector.shape_cast %get3A_916 : vector<1x1x224x224xf32> to vector<224x224xf32>
    %get3A_918 = arith.constant 28 : index
    %get3A_919 = memref.load %arg4[%get3A_918] : memref<162xf32, #tpu.memory_space<smem>>
    %mul3A_920 = arith.mulf %get3A_919, %get3A_887 : f32
    %mul3A_921 = vector.broadcast %mul3A_920 : f32 to vector<224x224xf32>
    %mul3A_922 = arith.mulf %get3A_917, %mul3A_921 : vector<224x224xf32>
    %add3A_923 = arith.addf %add3A_899, %mul3A_922 : vector<224x224xf32>
    %get3A_924 = arith.constant 82 : index
    %get3A_925 = memref.load %arg4[%get3A_924] : memref<162xf32, #tpu.memory_space<smem>>
    %mul3A_926 = arith.mulf %get3A_925, %get3A_887 : f32
    %mul3A_927 = vector.broadcast %mul3A_926 : f32 to vector<224x224xf32>
    %mul3A_928 = arith.mulf %get3A_917, %mul3A_927 : vector<224x224xf32>
    %add3A_929 = arith.addf %add3A_905, %mul3A_928 : vector<224x224xf32>
    %get3A_930 = arith.constant 136 : index
    %get3A_931 = memref.load %arg4[%get3A_930] : memref<162xf32, #tpu.memory_space<smem>>
    %mul3A_932 = arith.mulf %get3A_931, %get3A_887 : f32
    %mul3A_933 = vector.broadcast %mul3A_932 : f32 to vector<224x224xf32>
    %mul3A_934 = arith.mulf %get3A_917, %mul3A_933 : vector<224x224xf32>
    %add3A_935 = arith.addf %add3A_911, %mul3A_934 : vector<224x224xf32>
    %get3A_936 = arith.constant 3 : index
    %get3A_937 = arith.constant 2 : index
    %get3A_938 = arith.constant 0 : index
    %get3A_939 = arith.constant 0 : index
    %get3A_940 = vector.load %arg9[%get3A_936, %get3A_937, %get3A_938, %get3A_939] : memref<6x3x226x224xf32, #tpu.memory_space<vmem>>, vector<1x1x224x224xf32>
    %get3A_941 = vector.shape_cast %get3A_940 : vector<1x1x224x224xf32> to vector<224x224xf32>
    %get3A_942 = arith.constant 29 : index
    %get3A_943 = memref.load %arg4[%get3A_942] : memref<162xf32, #tpu.memory_space<smem>>
    %mul3A_944 = arith.mulf %get3A_943, %get3A_887 : f32
    %mul3A_945 = vector.broadcast %mul3A_944 : f32 to vector<224x224xf32>
    %mul3A_946 = arith.mulf %get3A_941, %mul3A_945 : vector<224x224xf32>
    %add3A_947 = arith.addf %add3A_923, %mul3A_946 : vector<224x224xf32>
    %get3A_948 = arith.constant 83 : index
    %get3A_949 = memref.load %arg4[%get3A_948] : memref<162xf32, #tpu.memory_space<smem>>
    %mul3A_950 = arith.mulf %get3A_949, %get3A_887 : f32
    %mul3A_951 = vector.broadcast %mul3A_950 : f32 to vector<224x224xf32>
    %mul3A_952 = arith.mulf %get3A_941, %mul3A_951 : vector<224x224xf32>
    %add3A_953 = arith.addf %add3A_929, %mul3A_952 : vector<224x224xf32>
    %get3A_954 = arith.constant 137 : index
    %get3A_955 = memref.load %arg4[%get3A_954] : memref<162xf32, #tpu.memory_space<smem>>
    %mul3A_956 = arith.mulf %get3A_955, %get3A_887 : f32
    %mul3A_957 = vector.broadcast %mul3A_956 : f32 to vector<224x224xf32>
    %mul3A_958 = arith.mulf %get3A_941, %mul3A_957 : vector<224x224xf32>
    %add3A_959 = arith.addf %add3A_935, %mul3A_958 : vector<224x224xf32>
    %get3A_960 = arith.constant 3 : index
    %get3A_961 = arith.constant 0 : index
    %get3A_962 = arith.constant 1 : index
    %get3A_963 = arith.constant 0 : index
    %get3A_964 = vector.load %arg9[%get3A_960, %get3A_961, %get3A_962, %get3A_963] : memref<6x3x226x224xf32, #tpu.memory_space<vmem>>, vector<1x1x224x224xf32>
    %get3A_965 = vector.shape_cast %get3A_964 : vector<1x1x224x224xf32> to vector<224x224xf32>
    %get3A_966 = arith.constant 30 : index
    %get3A_967 = memref.load %arg4[%get3A_966] : memref<162xf32, #tpu.memory_space<smem>>
    %mul3A_968 = arith.mulf %get3A_967, %get3A_887 : f32
    %mul3A_969 = vector.broadcast %mul3A_968 : f32 to vector<224x224xf32>
    %mul3A_970 = arith.mulf %get3A_965, %mul3A_969 : vector<224x224xf32>
    %add3A_971 = arith.addf %add3A_947, %mul3A_970 : vector<224x224xf32>
    %get3A_972 = arith.constant 84 : index
    %get3A_973 = memref.load %arg4[%get3A_972] : memref<162xf32, #tpu.memory_space<smem>>
    %mul3A_974 = arith.mulf %get3A_973, %get3A_887 : f32
    %mul3A_975 = vector.broadcast %mul3A_974 : f32 to vector<224x224xf32>
    %mul3A_976 = arith.mulf %get3A_965, %mul3A_975 : vector<224x224xf32>
    %add3A_977 = arith.addf %add3A_953, %mul3A_976 : vector<224x224xf32>
    %get3A_978 = arith.constant 138 : index
    %get3A_979 = memref.load %arg4[%get3A_978] : memref<162xf32, #tpu.memory_space<smem>>
    %mul3A_980 = arith.mulf %get3A_979, %get3A_887 : f32
    %mul3A_981 = vector.broadcast %mul3A_980 : f32 to vector<224x224xf32>
    %mul3A_982 = arith.mulf %get3A_965, %mul3A_981 : vector<224x224xf32>
    %add3A_983 = arith.addf %add3A_959, %mul3A_982 : vector<224x224xf32>
    %get3A_984 = arith.constant 3 : index
    %get3A_985 = arith.constant 1 : index
    %get3A_986 = arith.constant 1 : index
    %get3A_987 = arith.constant 0 : index
    %get3A_988 = vector.load %arg9[%get3A_984, %get3A_985, %get3A_986, %get3A_987] : memref<6x3x226x224xf32, #tpu.memory_space<vmem>>, vector<1x1x224x224xf32>
    %get3A_989 = vector.shape_cast %get3A_988 : vector<1x1x224x224xf32> to vector<224x224xf32>
    %get3A_990 = arith.constant 31 : index
    %get3A_991 = memref.load %arg4[%get3A_990] : memref<162xf32, #tpu.memory_space<smem>>
    %mul3A_992 = arith.mulf %get3A_991, %get3A_887 : f32
    %mul3A_993 = vector.broadcast %mul3A_992 : f32 to vector<224x224xf32>
    %mul3A_994 = arith.mulf %get3A_989, %mul3A_993 : vector<224x224xf32>
    %add3A_995 = arith.addf %add3A_971, %mul3A_994 : vector<224x224xf32>
    %get3A_996 = arith.constant 85 : index
    %get3A_997 = memref.load %arg4[%get3A_996] : memref<162xf32, #tpu.memory_space<smem>>
    %mul3A_998 = arith.mulf %get3A_997, %get3A_887 : f32
    %mul3A_999 = vector.broadcast %mul3A_998 : f32 to vector<224x224xf32>
    %mul3A_1000 = arith.mulf %get3A_989, %mul3A_999 : vector<224x224xf32>
    %add3A_1001 = arith.addf %add3A_977, %mul3A_1000 : vector<224x224xf32>
    %get3A_1002 = arith.constant 139 : index
    %get3A_1003 = memref.load %arg4[%get3A_1002] : memref<162xf32, #tpu.memory_space<smem>>
    %mul3A_1004 = arith.mulf %get3A_1003, %get3A_887 : f32
    %mul3A_1005 = vector.broadcast %mul3A_1004 : f32 to vector<224x224xf32>
    %mul3A_1006 = arith.mulf %get3A_989, %mul3A_1005 : vector<224x224xf32>
    %add3A_1007 = arith.addf %add3A_983, %mul3A_1006 : vector<224x224xf32>
    %get3A_1008 = arith.constant 3 : index
    %get3A_1009 = arith.constant 2 : index
    %get3A_1010 = arith.constant 1 : index
    %get3A_1011 = arith.constant 0 : index
    %get3A_1012 = vector.load %arg9[%get3A_1008, %get3A_1009, %get3A_1010, %get3A_1011] : memref<6x3x226x224xf32, #tpu.memory_space<vmem>>, vector<1x1x224x224xf32>
    %get3A_1013 = vector.shape_cast %get3A_1012 : vector<1x1x224x224xf32> to vector<224x224xf32>
    %get3A_1014 = arith.constant 32 : index
    %get3A_1015 = memref.load %arg4[%get3A_1014] : memref<162xf32, #tpu.memory_space<smem>>
    %mul3A_1016 = arith.mulf %get3A_1015, %get3A_887 : f32
    %mul3A_1017 = vector.broadcast %mul3A_1016 : f32 to vector<224x224xf32>
    %mul3A_1018 = arith.mulf %get3A_1013, %mul3A_1017 : vector<224x224xf32>
    %add3A_1019 = arith.addf %add3A_995, %mul3A_1018 : vector<224x224xf32>
    %get3A_1020 = arith.constant 86 : index
    %get3A_1021 = memref.load %arg4[%get3A_1020] : memref<162xf32, #tpu.memory_space<smem>>
    %mul3A_1022 = arith.mulf %get3A_1021, %get3A_887 : f32
    %mul3A_1023 = vector.broadcast %mul3A_1022 : f32 to vector<224x224xf32>
    %mul3A_1024 = arith.mulf %get3A_1013, %mul3A_1023 : vector<224x224xf32>
    %add3A_1025 = arith.addf %add3A_1001, %mul3A_1024 : vector<224x224xf32>
    %get3A_1026 = arith.constant 140 : index
    %get3A_1027 = memref.load %arg4[%get3A_1026] : memref<162xf32, #tpu.memory_space<smem>>
    %mul3A_1028 = arith.mulf %get3A_1027, %get3A_887 : f32
    %mul3A_1029 = vector.broadcast %mul3A_1028 : f32 to vector<224x224xf32>
    %mul3A_1030 = arith.mulf %get3A_1013, %mul3A_1029 : vector<224x224xf32>
    %add3A_1031 = arith.addf %add3A_1007, %mul3A_1030 : vector<224x224xf32>
    %get3A_1032 = arith.constant 3 : index
    %get3A_1033 = arith.constant 0 : index
    %get3A_1034 = arith.constant 2 : index
    %get3A_1035 = arith.constant 0 : index
    %get3A_1036 = vector.load %arg9[%get3A_1032, %get3A_1033, %get3A_1034, %get3A_1035] : memref<6x3x226x224xf32, #tpu.memory_space<vmem>>, vector<1x1x224x224xf32>
    %get3A_1037 = vector.shape_cast %get3A_1036 : vector<1x1x224x224xf32> to vector<224x224xf32>
    %get3A_1038 = arith.constant 33 : index
    %get3A_1039 = memref.load %arg4[%get3A_1038] : memref<162xf32, #tpu.memory_space<smem>>
    %mul3A_1040 = arith.mulf %get3A_1039, %get3A_887 : f32
    %mul3A_1041 = vector.broadcast %mul3A_1040 : f32 to vector<224x224xf32>
    %mul3A_1042 = arith.mulf %get3A_1037, %mul3A_1041 : vector<224x224xf32>
    %add3A_1043 = arith.addf %add3A_1019, %mul3A_1042 : vector<224x224xf32>
    %get3A_1044 = arith.constant 87 : index
    %get3A_1045 = memref.load %arg4[%get3A_1044] : memref<162xf32, #tpu.memory_space<smem>>
    %mul3A_1046 = arith.mulf %get3A_1045, %get3A_887 : f32
    %mul3A_1047 = vector.broadcast %mul3A_1046 : f32 to vector<224x224xf32>
    %mul3A_1048 = arith.mulf %get3A_1037, %mul3A_1047 : vector<224x224xf32>
    %add3A_1049 = arith.addf %add3A_1025, %mul3A_1048 : vector<224x224xf32>
    %get3A_1050 = arith.constant 141 : index
    %get3A_1051 = memref.load %arg4[%get3A_1050] : memref<162xf32, #tpu.memory_space<smem>>
    %mul3A_1052 = arith.mulf %get3A_1051, %get3A_887 : f32
    %mul3A_1053 = vector.broadcast %mul3A_1052 : f32 to vector<224x224xf32>
    %mul3A_1054 = arith.mulf %get3A_1037, %mul3A_1053 : vector<224x224xf32>
    %add3A_1055 = arith.addf %add3A_1031, %mul3A_1054 : vector<224x224xf32>
    %get3A_1056 = arith.constant 3 : index
    %get3A_1057 = arith.constant 1 : index
    %get3A_1058 = arith.constant 2 : index
    %get3A_1059 = arith.constant 0 : index
    %get3A_1060 = vector.load %arg9[%get3A_1056, %get3A_1057, %get3A_1058, %get3A_1059] : memref<6x3x226x224xf32, #tpu.memory_space<vmem>>, vector<1x1x224x224xf32>
    %get3A_1061 = vector.shape_cast %get3A_1060 : vector<1x1x224x224xf32> to vector<224x224xf32>
    %get3A_1062 = arith.constant 34 : index
    %get3A_1063 = memref.load %arg4[%get3A_1062] : memref<162xf32, #tpu.memory_space<smem>>
    %mul3A_1064 = arith.mulf %get3A_1063, %get3A_887 : f32
    %mul3A_1065 = vector.broadcast %mul3A_1064 : f32 to vector<224x224xf32>
    %mul3A_1066 = arith.mulf %get3A_1061, %mul3A_1065 : vector<224x224xf32>
    %add3A_1067 = arith.addf %add3A_1043, %mul3A_1066 : vector<224x224xf32>
    %get3A_1068 = arith.constant 88 : index
    %get3A_1069 = memref.load %arg4[%get3A_1068] : memref<162xf32, #tpu.memory_space<smem>>
    %mul3A_1070 = arith.mulf %get3A_1069, %get3A_887 : f32
    %mul3A_1071 = vector.broadcast %mul3A_1070 : f32 to vector<224x224xf32>
    %mul3A_1072 = arith.mulf %get3A_1061, %mul3A_1071 : vector<224x224xf32>
    %add3A_1073 = arith.addf %add3A_1049, %mul3A_1072 : vector<224x224xf32>
    %get3A_1074 = arith.constant 142 : index
    %get3A_1075 = memref.load %arg4[%get3A_1074] : memref<162xf32, #tpu.memory_space<smem>>
    %mul3A_1076 = arith.mulf %get3A_1075, %get3A_887 : f32
    %mul3A_1077 = vector.broadcast %mul3A_1076 : f32 to vector<224x224xf32>
    %mul3A_1078 = arith.mulf %get3A_1061, %mul3A_1077 : vector<224x224xf32>
    %add3A_1079 = arith.addf %add3A_1055, %mul3A_1078 : vector<224x224xf32>
    %get3A_1080 = arith.constant 3 : index
    %get3A_1081 = arith.constant 2 : index
    %get3A_1082 = arith.constant 2 : index
    %get3A_1083 = arith.constant 0 : index
    %get3A_1084 = vector.load %arg9[%get3A_1080, %get3A_1081, %get3A_1082, %get3A_1083] : memref<6x3x226x224xf32, #tpu.memory_space<vmem>>, vector<1x1x224x224xf32>
    %get3A_1085 = vector.shape_cast %get3A_1084 : vector<1x1x224x224xf32> to vector<224x224xf32>
    %get3A_1086 = arith.constant 35 : index
    %get3A_1087 = memref.load %arg4[%get3A_1086] : memref<162xf32, #tpu.memory_space<smem>>
    %mul3A_1088 = arith.mulf %get3A_1087, %get3A_887 : f32
    %mul3A_1089 = vector.broadcast %mul3A_1088 : f32 to vector<224x224xf32>
    %mul3A_1090 = arith.mulf %get3A_1085, %mul3A_1089 : vector<224x224xf32>
    %add3A_1091 = arith.addf %add3A_1067, %mul3A_1090 : vector<224x224xf32>
    %get3A_1092 = arith.constant 89 : index
    %get3A_1093 = memref.load %arg4[%get3A_1092] : memref<162xf32, #tpu.memory_space<smem>>
    %mul3A_1094 = arith.mulf %get3A_1093, %get3A_887 : f32
    %mul3A_1095 = vector.broadcast %mul3A_1094 : f32 to vector<224x224xf32>
    %mul3A_1096 = arith.mulf %get3A_1085, %mul3A_1095 : vector<224x224xf32>
    %add3A_1097 = arith.addf %add3A_1073, %mul3A_1096 : vector<224x224xf32>
    %get3A_1098 = arith.constant 143 : index
    %get3A_1099 = memref.load %arg4[%get3A_1098] : memref<162xf32, #tpu.memory_space<smem>>
    %mul3A_1100 = arith.mulf %get3A_1099, %get3A_887 : f32
    %mul3A_1101 = vector.broadcast %mul3A_1100 : f32 to vector<224x224xf32>
    %mul3A_1102 = arith.mulf %get3A_1085, %mul3A_1101 : vector<224x224xf32>
    %add3A_1103 = arith.addf %add3A_1079, %mul3A_1102 : vector<224x224xf32>
    %get3A_1104 = arith.index_cast %arg0 : i32 to index
    %get3A_1105 = arith.constant 1 : index
    %get3A_1106 = memref.load %arg3[%get3A_1104, %get3A_1105] : memref<8x3xf32, #tpu.memory_space<smem>>
    %get3A_1107 = arith.constant 4 : index
    %get3A_1108 = arith.constant 0 : index
    %get3A_1109 = arith.constant 0 : index
    %get3A_1110 = arith.constant 0 : index
    %get3A_1111 = vector.load %arg9[%get3A_1107, %get3A_1108, %get3A_1109, %get3A_1110] : memref<6x3x226x224xf32, #tpu.memory_space<vmem>>, vector<1x1x224x224xf32>
    %get3A_1112 = vector.shape_cast %get3A_1111 : vector<1x1x224x224xf32> to vector<224x224xf32>
    %get3A_1113 = arith.constant 36 : index
    %get3A_1114 = memref.load %arg4[%get3A_1113] : memref<162xf32, #tpu.memory_space<smem>>
    %mul3A_1115 = arith.mulf %get3A_1114, %get3A_1106 : f32
    %mul3A_1116 = vector.broadcast %mul3A_1115 : f32 to vector<224x224xf32>
    %mul3A_1117 = arith.mulf %get3A_1112, %mul3A_1116 : vector<224x224xf32>
    %add3A_1118 = arith.addf %add3A_1091, %mul3A_1117 : vector<224x224xf32>
    %get3A_1119 = arith.constant 90 : index
    %get3A_1120 = memref.load %arg4[%get3A_1119] : memref<162xf32, #tpu.memory_space<smem>>
    %mul3A_1121 = arith.mulf %get3A_1120, %get3A_1106 : f32
    %mul3A_1122 = vector.broadcast %mul3A_1121 : f32 to vector<224x224xf32>
    %mul3A_1123 = arith.mulf %get3A_1112, %mul3A_1122 : vector<224x224xf32>
    %add3A_1124 = arith.addf %add3A_1097, %mul3A_1123 : vector<224x224xf32>
    %get3A_1125 = arith.constant 144 : index
    %get3A_1126 = memref.load %arg4[%get3A_1125] : memref<162xf32, #tpu.memory_space<smem>>
    %mul3A_1127 = arith.mulf %get3A_1126, %get3A_1106 : f32
    %mul3A_1128 = vector.broadcast %mul3A_1127 : f32 to vector<224x224xf32>
    %mul3A_1129 = arith.mulf %get3A_1112, %mul3A_1128 : vector<224x224xf32>
    %add3A_1130 = arith.addf %add3A_1103, %mul3A_1129 : vector<224x224xf32>
    %get3A_1131 = arith.constant 4 : index
    %get3A_1132 = arith.constant 1 : index
    %get3A_1133 = arith.constant 0 : index
    %get3A_1134 = arith.constant 0 : index
    %get3A_1135 = vector.load %arg9[%get3A_1131, %get3A_1132, %get3A_1133, %get3A_1134] : memref<6x3x226x224xf32, #tpu.memory_space<vmem>>, vector<1x1x224x224xf32>
    %get3A_1136 = vector.shape_cast %get3A_1135 : vector<1x1x224x224xf32> to vector<224x224xf32>
    %get3A_1137 = arith.constant 37 : index
    %get3A_1138 = memref.load %arg4[%get3A_1137] : memref<162xf32, #tpu.memory_space<smem>>
    %mul3A_1139 = arith.mulf %get3A_1138, %get3A_1106 : f32
    %mul3A_1140 = vector.broadcast %mul3A_1139 : f32 to vector<224x224xf32>
    %mul3A_1141 = arith.mulf %get3A_1136, %mul3A_1140 : vector<224x224xf32>
    %add3A_1142 = arith.addf %add3A_1118, %mul3A_1141 : vector<224x224xf32>
    %get3A_1143 = arith.constant 91 : index
    %get3A_1144 = memref.load %arg4[%get3A_1143] : memref<162xf32, #tpu.memory_space<smem>>
    %mul3A_1145 = arith.mulf %get3A_1144, %get3A_1106 : f32
    %mul3A_1146 = vector.broadcast %mul3A_1145 : f32 to vector<224x224xf32>
    %mul3A_1147 = arith.mulf %get3A_1136, %mul3A_1146 : vector<224x224xf32>
    %add3A_1148 = arith.addf %add3A_1124, %mul3A_1147 : vector<224x224xf32>
    %get3A_1149 = arith.constant 145 : index
    %get3A_1150 = memref.load %arg4[%get3A_1149] : memref<162xf32, #tpu.memory_space<smem>>
    %mul3A_1151 = arith.mulf %get3A_1150, %get3A_1106 : f32
    %mul3A_1152 = vector.broadcast %mul3A_1151 : f32 to vector<224x224xf32>
    %mul3A_1153 = arith.mulf %get3A_1136, %mul3A_1152 : vector<224x224xf32>
    %add3A_1154 = arith.addf %add3A_1130, %mul3A_1153 : vector<224x224xf32>
    %get3A_1155 = arith.constant 4 : index
    %get3A_1156 = arith.constant 2 : index
    %get3A_1157 = arith.constant 0 : index
    %get3A_1158 = arith.constant 0 : index
    %get3A_1159 = vector.load %arg9[%get3A_1155, %get3A_1156, %get3A_1157, %get3A_1158] : memref<6x3x226x224xf32, #tpu.memory_space<vmem>>, vector<1x1x224x224xf32>
    %get3A_1160 = vector.shape_cast %get3A_1159 : vector<1x1x224x224xf32> to vector<224x224xf32>
    %get3A_1161 = arith.constant 38 : index
    %get3A_1162 = memref.load %arg4[%get3A_1161] : memref<162xf32, #tpu.memory_space<smem>>
    %mul3A_1163 = arith.mulf %get3A_1162, %get3A_1106 : f32
    %mul3A_1164 = vector.broadcast %mul3A_1163 : f32 to vector<224x224xf32>
    %mul3A_1165 = arith.mulf %get3A_1160, %mul3A_1164 : vector<224x224xf32>
    %add3A_1166 = arith.addf %add3A_1142, %mul3A_1165 : vector<224x224xf32>
    %get3A_1167 = arith.constant 92 : index
    %get3A_1168 = memref.load %arg4[%get3A_1167] : memref<162xf32, #tpu.memory_space<smem>>
    %mul3A_1169 = arith.mulf %get3A_1168, %get3A_1106 : f32
    %mul3A_1170 = vector.broadcast %mul3A_1169 : f32 to vector<224x224xf32>
    %mul3A_1171 = arith.mulf %get3A_1160, %mul3A_1170 : vector<224x224xf32>
    %add3A_1172 = arith.addf %add3A_1148, %mul3A_1171 : vector<224x224xf32>
    %get3A_1173 = arith.constant 146 : index
    %get3A_1174 = memref.load %arg4[%get3A_1173] : memref<162xf32, #tpu.memory_space<smem>>
    %mul3A_1175 = arith.mulf %get3A_1174, %get3A_1106 : f32
    %mul3A_1176 = vector.broadcast %mul3A_1175 : f32 to vector<224x224xf32>
    %mul3A_1177 = arith.mulf %get3A_1160, %mul3A_1176 : vector<224x224xf32>
    %add3A_1178 = arith.addf %add3A_1154, %mul3A_1177 : vector<224x224xf32>
    %get3A_1179 = arith.constant 4 : index
    %get3A_1180 = arith.constant 0 : index
    %get3A_1181 = arith.constant 1 : index
    %get3A_1182 = arith.constant 0 : index
    %get3A_1183 = vector.load %arg9[%get3A_1179, %get3A_1180, %get3A_1181, %get3A_1182] : memref<6x3x226x224xf32, #tpu.memory_space<vmem>>, vector<1x1x224x224xf32>
    %get3A_1184 = vector.shape_cast %get3A_1183 : vector<1x1x224x224xf32> to vector<224x224xf32>
    %get3A_1185 = arith.constant 39 : index
    %get3A_1186 = memref.load %arg4[%get3A_1185] : memref<162xf32, #tpu.memory_space<smem>>
    %mul3A_1187 = arith.mulf %get3A_1186, %get3A_1106 : f32
    %mul3A_1188 = vector.broadcast %mul3A_1187 : f32 to vector<224x224xf32>
    %mul3A_1189 = arith.mulf %get3A_1184, %mul3A_1188 : vector<224x224xf32>
    %add3A_1190 = arith.addf %add3A_1166, %mul3A_1189 : vector<224x224xf32>
    %get3A_1191 = arith.constant 93 : index
    %get3A_1192 = memref.load %arg4[%get3A_1191] : memref<162xf32, #tpu.memory_space<smem>>
    %mul3A_1193 = arith.mulf %get3A_1192, %get3A_1106 : f32
    %mul3A_1194 = vector.broadcast %mul3A_1193 : f32 to vector<224x224xf32>
    %mul3A_1195 = arith.mulf %get3A_1184, %mul3A_1194 : vector<224x224xf32>
    %add3A_1196 = arith.addf %add3A_1172, %mul3A_1195 : vector<224x224xf32>
    %get3A_1197 = arith.constant 147 : index
    %get3A_1198 = memref.load %arg4[%get3A_1197] : memref<162xf32, #tpu.memory_space<smem>>
    %mul3A_1199 = arith.mulf %get3A_1198, %get3A_1106 : f32
    %mul3A_1200 = vector.broadcast %mul3A_1199 : f32 to vector<224x224xf32>
    %mul3A_1201 = arith.mulf %get3A_1184, %mul3A_1200 : vector<224x224xf32>
    %add3A_1202 = arith.addf %add3A_1178, %mul3A_1201 : vector<224x224xf32>
    %get3A_1203 = arith.constant 4 : index
    %get3A_1204 = arith.constant 1 : index
    %get3A_1205 = arith.constant 1 : index
    %get3A_1206 = arith.constant 0 : index
    %get3A_1207 = vector.load %arg9[%get3A_1203, %get3A_1204, %get3A_1205, %get3A_1206] : memref<6x3x226x224xf32, #tpu.memory_space<vmem>>, vector<1x1x224x224xf32>
    %get3A_1208 = vector.shape_cast %get3A_1207 : vector<1x1x224x224xf32> to vector<224x224xf32>
    %get3A_1209 = arith.constant 40 : index
    %get3A_1210 = memref.load %arg4[%get3A_1209] : memref<162xf32, #tpu.memory_space<smem>>
    %mul3A_1211 = arith.mulf %get3A_1210, %get3A_1106 : f32
    %mul3A_1212 = vector.broadcast %mul3A_1211 : f32 to vector<224x224xf32>
    %mul3A_1213 = arith.mulf %get3A_1208, %mul3A_1212 : vector<224x224xf32>
    %add3A_1214 = arith.addf %add3A_1190, %mul3A_1213 : vector<224x224xf32>
    %get3A_1215 = arith.constant 94 : index
    %get3A_1216 = memref.load %arg4[%get3A_1215] : memref<162xf32, #tpu.memory_space<smem>>
    %mul3A_1217 = arith.mulf %get3A_1216, %get3A_1106 : f32
    %mul3A_1218 = vector.broadcast %mul3A_1217 : f32 to vector<224x224xf32>
    %mul3A_1219 = arith.mulf %get3A_1208, %mul3A_1218 : vector<224x224xf32>
    %add3A_1220 = arith.addf %add3A_1196, %mul3A_1219 : vector<224x224xf32>
    %get3A_1221 = arith.constant 148 : index
    %get3A_1222 = memref.load %arg4[%get3A_1221] : memref<162xf32, #tpu.memory_space<smem>>
    %mul3A_1223 = arith.mulf %get3A_1222, %get3A_1106 : f32
    %mul3A_1224 = vector.broadcast %mul3A_1223 : f32 to vector<224x224xf32>
    %mul3A_1225 = arith.mulf %get3A_1208, %mul3A_1224 : vector<224x224xf32>
    %add3A_1226 = arith.addf %add3A_1202, %mul3A_1225 : vector<224x224xf32>
    %get3A_1227 = arith.constant 4 : index
    %get3A_1228 = arith.constant 2 : index
    %get3A_1229 = arith.constant 1 : index
    %get3A_1230 = arith.constant 0 : index
    %get3A_1231 = vector.load %arg9[%get3A_1227, %get3A_1228, %get3A_1229, %get3A_1230] : memref<6x3x226x224xf32, #tpu.memory_space<vmem>>, vector<1x1x224x224xf32>
    %get3A_1232 = vector.shape_cast %get3A_1231 : vector<1x1x224x224xf32> to vector<224x224xf32>
    %get3A_1233 = arith.constant 41 : index
    %get3A_1234 = memref.load %arg4[%get3A_1233] : memref<162xf32, #tpu.memory_space<smem>>
    %mul3A_1235 = arith.mulf %get3A_1234, %get3A_1106 : f32
    %mul3A_1236 = vector.broadcast %mul3A_1235 : f32 to vector<224x224xf32>
    %mul3A_1237 = arith.mulf %get3A_1232, %mul3A_1236 : vector<224x224xf32>
    %add3A_1238 = arith.addf %add3A_1214, %mul3A_1237 : vector<224x224xf32>
    %get3A_1239 = arith.constant 95 : index
    %get3A_1240 = memref.load %arg4[%get3A_1239] : memref<162xf32, #tpu.memory_space<smem>>
    %mul3A_1241 = arith.mulf %get3A_1240, %get3A_1106 : f32
    %mul3A_1242 = vector.broadcast %mul3A_1241 : f32 to vector<224x224xf32>
    %mul3A_1243 = arith.mulf %get3A_1232, %mul3A_1242 : vector<224x224xf32>
    %add3A_1244 = arith.addf %add3A_1220, %mul3A_1243 : vector<224x224xf32>
    %get3A_1245 = arith.constant 149 : index
    %get3A_1246 = memref.load %arg4[%get3A_1245] : memref<162xf32, #tpu.memory_space<smem>>
    %mul3A_1247 = arith.mulf %get3A_1246, %get3A_1106 : f32
    %mul3A_1248 = vector.broadcast %mul3A_1247 : f32 to vector<224x224xf32>
    %mul3A_1249 = arith.mulf %get3A_1232, %mul3A_1248 : vector<224x224xf32>
    %add3A_1250 = arith.addf %add3A_1226, %mul3A_1249 : vector<224x224xf32>
    %get3A_1251 = arith.constant 4 : index
    %get3A_1252 = arith.constant 0 : index
    %get3A_1253 = arith.constant 2 : index
    %get3A_1254 = arith.constant 0 : index
    %get3A_1255 = vector.load %arg9[%get3A_1251, %get3A_1252, %get3A_1253, %get3A_1254] : memref<6x3x226x224xf32, #tpu.memory_space<vmem>>, vector<1x1x224x224xf32>
    %get3A_1256 = vector.shape_cast %get3A_1255 : vector<1x1x224x224xf32> to vector<224x224xf32>
    %get3A_1257 = arith.constant 42 : index
    %get3A_1258 = memref.load %arg4[%get3A_1257] : memref<162xf32, #tpu.memory_space<smem>>
    %mul3A_1259 = arith.mulf %get3A_1258, %get3A_1106 : f32
    %mul3A_1260 = vector.broadcast %mul3A_1259 : f32 to vector<224x224xf32>
    %mul3A_1261 = arith.mulf %get3A_1256, %mul3A_1260 : vector<224x224xf32>
    %add3A_1262 = arith.addf %add3A_1238, %mul3A_1261 : vector<224x224xf32>
    %get3A_1263 = arith.constant 96 : index
    %get3A_1264 = memref.load %arg4[%get3A_1263] : memref<162xf32, #tpu.memory_space<smem>>
    %mul3A_1265 = arith.mulf %get3A_1264, %get3A_1106 : f32
    %mul3A_1266 = vector.broadcast %mul3A_1265 : f32 to vector<224x224xf32>
    %mul3A_1267 = arith.mulf %get3A_1256, %mul3A_1266 : vector<224x224xf32>
    %add3A_1268 = arith.addf %add3A_1244, %mul3A_1267 : vector<224x224xf32>
    %get3A_1269 = arith.constant 150 : index
    %get3A_1270 = memref.load %arg4[%get3A_1269] : memref<162xf32, #tpu.memory_space<smem>>
    %mul3A_1271 = arith.mulf %get3A_1270, %get3A_1106 : f32
    %mul3A_1272 = vector.broadcast %mul3A_1271 : f32 to vector<224x224xf32>
    %mul3A_1273 = arith.mulf %get3A_1256, %mul3A_1272 : vector<224x224xf32>
    %add3A_1274 = arith.addf %add3A_1250, %mul3A_1273 : vector<224x224xf32>
    %get3A_1275 = arith.constant 4 : index
    %get3A_1276 = arith.constant 1 : index
    %get3A_1277 = arith.constant 2 : index
    %get3A_1278 = arith.constant 0 : index
    %get3A_1279 = vector.load %arg9[%get3A_1275, %get3A_1276, %get3A_1277, %get3A_1278] : memref<6x3x226x224xf32, #tpu.memory_space<vmem>>, vector<1x1x224x224xf32>
    %get3A_1280 = vector.shape_cast %get3A_1279 : vector<1x1x224x224xf32> to vector<224x224xf32>
    %get3A_1281 = arith.constant 43 : index
    %get3A_1282 = memref.load %arg4[%get3A_1281] : memref<162xf32, #tpu.memory_space<smem>>
    %mul3A_1283 = arith.mulf %get3A_1282, %get3A_1106 : f32
    %mul3A_1284 = vector.broadcast %mul3A_1283 : f32 to vector<224x224xf32>
    %mul3A_1285 = arith.mulf %get3A_1280, %mul3A_1284 : vector<224x224xf32>
    %add3A_1286 = arith.addf %add3A_1262, %mul3A_1285 : vector<224x224xf32>
    %get3A_1287 = arith.constant 97 : index
    %get3A_1288 = memref.load %arg4[%get3A_1287] : memref<162xf32, #tpu.memory_space<smem>>
    %mul3A_1289 = arith.mulf %get3A_1288, %get3A_1106 : f32
    %mul3A_1290 = vector.broadcast %mul3A_1289 : f32 to vector<224x224xf32>
    %mul3A_1291 = arith.mulf %get3A_1280, %mul3A_1290 : vector<224x224xf32>
    %add3A_1292 = arith.addf %add3A_1268, %mul3A_1291 : vector<224x224xf32>
    %get3A_1293 = arith.constant 151 : index
    %get3A_1294 = memref.load %arg4[%get3A_1293] : memref<162xf32, #tpu.memory_space<smem>>
    %mul3A_1295 = arith.mulf %get3A_1294, %get3A_1106 : f32
    %mul3A_1296 = vector.broadcast %mul3A_1295 : f32 to vector<224x224xf32>
    %mul3A_1297 = arith.mulf %get3A_1280, %mul3A_1296 : vector<224x224xf32>
    %add3A_1298 = arith.addf %add3A_1274, %mul3A_1297 : vector<224x224xf32>
    %get3A_1299 = arith.constant 4 : index
    %get3A_1300 = arith.constant 2 : index
    %get3A_1301 = arith.constant 2 : index
    %get3A_1302 = arith.constant 0 : index
    %get3A_1303 = vector.load %arg9[%get3A_1299, %get3A_1300, %get3A_1301, %get3A_1302] : memref<6x3x226x224xf32, #tpu.memory_space<vmem>>, vector<1x1x224x224xf32>
    %get3A_1304 = vector.shape_cast %get3A_1303 : vector<1x1x224x224xf32> to vector<224x224xf32>
    %get3A_1305 = arith.constant 44 : index
    %get3A_1306 = memref.load %arg4[%get3A_1305] : memref<162xf32, #tpu.memory_space<smem>>
    %mul3A_1307 = arith.mulf %get3A_1306, %get3A_1106 : f32
    %mul3A_1308 = vector.broadcast %mul3A_1307 : f32 to vector<224x224xf32>
    %mul3A_1309 = arith.mulf %get3A_1304, %mul3A_1308 : vector<224x224xf32>
    %add3A_1310 = arith.addf %add3A_1286, %mul3A_1309 : vector<224x224xf32>
    %get3A_1311 = arith.constant 98 : index
    %get3A_1312 = memref.load %arg4[%get3A_1311] : memref<162xf32, #tpu.memory_space<smem>>
    %mul3A_1313 = arith.mulf %get3A_1312, %get3A_1106 : f32
    %mul3A_1314 = vector.broadcast %mul3A_1313 : f32 to vector<224x224xf32>
    %mul3A_1315 = arith.mulf %get3A_1304, %mul3A_1314 : vector<224x224xf32>
    %add3A_1316 = arith.addf %add3A_1292, %mul3A_1315 : vector<224x224xf32>
    %get3A_1317 = arith.constant 152 : index
    %get3A_1318 = memref.load %arg4[%get3A_1317] : memref<162xf32, #tpu.memory_space<smem>>
    %mul3A_1319 = arith.mulf %get3A_1318, %get3A_1106 : f32
    %mul3A_1320 = vector.broadcast %mul3A_1319 : f32 to vector<224x224xf32>
    %mul3A_1321 = arith.mulf %get3A_1304, %mul3A_1320 : vector<224x224xf32>
    %add3A_1322 = arith.addf %add3A_1298, %mul3A_1321 : vector<224x224xf32>
    %get3A_1323 = arith.index_cast %arg0 : i32 to index
    %get3A_1324 = arith.constant 2 : index
    %get3A_1325 = memref.load %arg3[%get3A_1323, %get3A_1324] : memref<8x3xf32, #tpu.memory_space<smem>>
    %get3A_1326 = arith.constant 5 : index
    %get3A_1327 = arith.constant 0 : index
    %get3A_1328 = arith.constant 0 : index
    %get3A_1329 = arith.constant 0 : index
    %get3A_1330 = vector.load %arg9[%get3A_1326, %get3A_1327, %get3A_1328, %get3A_1329] : memref<6x3x226x224xf32, #tpu.memory_space<vmem>>, vector<1x1x224x224xf32>
    %get3A_1331 = vector.shape_cast %get3A_1330 : vector<1x1x224x224xf32> to vector<224x224xf32>
    %get3A_1332 = arith.constant 45 : index
    %get3A_1333 = memref.load %arg4[%get3A_1332] : memref<162xf32, #tpu.memory_space<smem>>
    %mul3A_1334 = arith.mulf %get3A_1333, %get3A_1325 : f32
    %mul3A_1335 = vector.broadcast %mul3A_1334 : f32 to vector<224x224xf32>
    %mul3A_1336 = arith.mulf %get3A_1331, %mul3A_1335 : vector<224x224xf32>
    %add3A_1337 = arith.addf %add3A_1310, %mul3A_1336 : vector<224x224xf32>
    %get3A_1338 = arith.constant 99 : index
    %get3A_1339 = memref.load %arg4[%get3A_1338] : memref<162xf32, #tpu.memory_space<smem>>
    %mul3A_1340 = arith.mulf %get3A_1339, %get3A_1325 : f32
    %mul3A_1341 = vector.broadcast %mul3A_1340 : f32 to vector<224x224xf32>
    %mul3A_1342 = arith.mulf %get3A_1331, %mul3A_1341 : vector<224x224xf32>
    %add3A_1343 = arith.addf %add3A_1316, %mul3A_1342 : vector<224x224xf32>
    %get3A_1344 = arith.constant 153 : index
    %get3A_1345 = memref.load %arg4[%get3A_1344] : memref<162xf32, #tpu.memory_space<smem>>
    %mul3A_1346 = arith.mulf %get3A_1345, %get3A_1325 : f32
    %mul3A_1347 = vector.broadcast %mul3A_1346 : f32 to vector<224x224xf32>
    %mul3A_1348 = arith.mulf %get3A_1331, %mul3A_1347 : vector<224x224xf32>
    %add3A_1349 = arith.addf %add3A_1322, %mul3A_1348 : vector<224x224xf32>
    %get3A_1350 = arith.constant 5 : index
    %get3A_1351 = arith.constant 1 : index
    %get3A_1352 = arith.constant 0 : index
    %get3A_1353 = arith.constant 0 : index
    %get3A_1354 = vector.load %arg9[%get3A_1350, %get3A_1351, %get3A_1352, %get3A_1353] : memref<6x3x226x224xf32, #tpu.memory_space<vmem>>, vector<1x1x224x224xf32>
    %get3A_1355 = vector.shape_cast %get3A_1354 : vector<1x1x224x224xf32> to vector<224x224xf32>
    %get3A_1356 = arith.constant 46 : index
    %get3A_1357 = memref.load %arg4[%get3A_1356] : memref<162xf32, #tpu.memory_space<smem>>
    %mul3A_1358 = arith.mulf %get3A_1357, %get3A_1325 : f32
    %mul3A_1359 = vector.broadcast %mul3A_1358 : f32 to vector<224x224xf32>
    %mul3A_1360 = arith.mulf %get3A_1355, %mul3A_1359 : vector<224x224xf32>
    %add3A_1361 = arith.addf %add3A_1337, %mul3A_1360 : vector<224x224xf32>
    %get3A_1362 = arith.constant 100 : index
    %get3A_1363 = memref.load %arg4[%get3A_1362] : memref<162xf32, #tpu.memory_space<smem>>
    %mul3A_1364 = arith.mulf %get3A_1363, %get3A_1325 : f32
    %mul3A_1365 = vector.broadcast %mul3A_1364 : f32 to vector<224x224xf32>
    %mul3A_1366 = arith.mulf %get3A_1355, %mul3A_1365 : vector<224x224xf32>
    %add3A_1367 = arith.addf %add3A_1343, %mul3A_1366 : vector<224x224xf32>
    %get3A_1368 = arith.constant 154 : index
    %get3A_1369 = memref.load %arg4[%get3A_1368] : memref<162xf32, #tpu.memory_space<smem>>
    %mul3A_1370 = arith.mulf %get3A_1369, %get3A_1325 : f32
    %mul3A_1371 = vector.broadcast %mul3A_1370 : f32 to vector<224x224xf32>
    %mul3A_1372 = arith.mulf %get3A_1355, %mul3A_1371 : vector<224x224xf32>
    %add3A_1373 = arith.addf %add3A_1349, %mul3A_1372 : vector<224x224xf32>
    %get3A_1374 = arith.constant 5 : index
    %get3A_1375 = arith.constant 2 : index
    %get3A_1376 = arith.constant 0 : index
    %get3A_1377 = arith.constant 0 : index
    %get3A_1378 = vector.load %arg9[%get3A_1374, %get3A_1375, %get3A_1376, %get3A_1377] : memref<6x3x226x224xf32, #tpu.memory_space<vmem>>, vector<1x1x224x224xf32>
    %get3A_1379 = vector.shape_cast %get3A_1378 : vector<1x1x224x224xf32> to vector<224x224xf32>
    %get3A_1380 = arith.constant 47 : index
    %get3A_1381 = memref.load %arg4[%get3A_1380] : memref<162xf32, #tpu.memory_space<smem>>
    %mul3A_1382 = arith.mulf %get3A_1381, %get3A_1325 : f32
    %mul3A_1383 = vector.broadcast %mul3A_1382 : f32 to vector<224x224xf32>
    %mul3A_1384 = arith.mulf %get3A_1379, %mul3A_1383 : vector<224x224xf32>
    %add3A_1385 = arith.addf %add3A_1361, %mul3A_1384 : vector<224x224xf32>
    %get3A_1386 = arith.constant 101 : index
    %get3A_1387 = memref.load %arg4[%get3A_1386] : memref<162xf32, #tpu.memory_space<smem>>
    %mul3A_1388 = arith.mulf %get3A_1387, %get3A_1325 : f32
    %mul3A_1389 = vector.broadcast %mul3A_1388 : f32 to vector<224x224xf32>
    %mul3A_1390 = arith.mulf %get3A_1379, %mul3A_1389 : vector<224x224xf32>
    %add3A_1391 = arith.addf %add3A_1367, %mul3A_1390 : vector<224x224xf32>
    %get3A_1392 = arith.constant 155 : index
    %get3A_1393 = memref.load %arg4[%get3A_1392] : memref<162xf32, #tpu.memory_space<smem>>
    %mul3A_1394 = arith.mulf %get3A_1393, %get3A_1325 : f32
    %mul3A_1395 = vector.broadcast %mul3A_1394 : f32 to vector<224x224xf32>
    %mul3A_1396 = arith.mulf %get3A_1379, %mul3A_1395 : vector<224x224xf32>
    %add3A_1397 = arith.addf %add3A_1373, %mul3A_1396 : vector<224x224xf32>
    %get3A_1398 = arith.constant 5 : index
    %get3A_1399 = arith.constant 0 : index
    %get3A_1400 = arith.constant 1 : index
    %get3A_1401 = arith.constant 0 : index
    %get3A_1402 = vector.load %arg9[%get3A_1398, %get3A_1399, %get3A_1400, %get3A_1401] : memref<6x3x226x224xf32, #tpu.memory_space<vmem>>, vector<1x1x224x224xf32>
    %get3A_1403 = vector.shape_cast %get3A_1402 : vector<1x1x224x224xf32> to vector<224x224xf32>
    %get3A_1404 = arith.constant 48 : index
    %get3A_1405 = memref.load %arg4[%get3A_1404] : memref<162xf32, #tpu.memory_space<smem>>
    %mul3A_1406 = arith.mulf %get3A_1405, %get3A_1325 : f32
    %mul3A_1407 = vector.broadcast %mul3A_1406 : f32 to vector<224x224xf32>
    %mul3A_1408 = arith.mulf %get3A_1403, %mul3A_1407 : vector<224x224xf32>
    %add3A_1409 = arith.addf %add3A_1385, %mul3A_1408 : vector<224x224xf32>
    %get3A_1410 = arith.constant 102 : index
    %get3A_1411 = memref.load %arg4[%get3A_1410] : memref<162xf32, #tpu.memory_space<smem>>
    %mul3A_1412 = arith.mulf %get3A_1411, %get3A_1325 : f32
    %mul3A_1413 = vector.broadcast %mul3A_1412 : f32 to vector<224x224xf32>
    %mul3A_1414 = arith.mulf %get3A_1403, %mul3A_1413 : vector<224x224xf32>
    %add3A_1415 = arith.addf %add3A_1391, %mul3A_1414 : vector<224x224xf32>
    %get3A_1416 = arith.constant 156 : index
    %get3A_1417 = memref.load %arg4[%get3A_1416] : memref<162xf32, #tpu.memory_space<smem>>
    %mul3A_1418 = arith.mulf %get3A_1417, %get3A_1325 : f32
    %mul3A_1419 = vector.broadcast %mul3A_1418 : f32 to vector<224x224xf32>
    %mul3A_1420 = arith.mulf %get3A_1403, %mul3A_1419 : vector<224x224xf32>
    %add3A_1421 = arith.addf %add3A_1397, %mul3A_1420 : vector<224x224xf32>
    %get3A_1422 = arith.constant 5 : index
    %get3A_1423 = arith.constant 1 : index
    %get3A_1424 = arith.constant 1 : index
    %get3A_1425 = arith.constant 0 : index
    %get3A_1426 = vector.load %arg9[%get3A_1422, %get3A_1423, %get3A_1424, %get3A_1425] : memref<6x3x226x224xf32, #tpu.memory_space<vmem>>, vector<1x1x224x224xf32>
    %get3A_1427 = vector.shape_cast %get3A_1426 : vector<1x1x224x224xf32> to vector<224x224xf32>
    %get3A_1428 = arith.constant 49 : index
    %get3A_1429 = memref.load %arg4[%get3A_1428] : memref<162xf32, #tpu.memory_space<smem>>
    %mul3A_1430 = arith.mulf %get3A_1429, %get3A_1325 : f32
    %mul3A_1431 = vector.broadcast %mul3A_1430 : f32 to vector<224x224xf32>
    %mul3A_1432 = arith.mulf %get3A_1427, %mul3A_1431 : vector<224x224xf32>
    %add3A_1433 = arith.addf %add3A_1409, %mul3A_1432 : vector<224x224xf32>
    %get3A_1434 = arith.constant 103 : index
    %get3A_1435 = memref.load %arg4[%get3A_1434] : memref<162xf32, #tpu.memory_space<smem>>
    %mul3A_1436 = arith.mulf %get3A_1435, %get3A_1325 : f32
    %mul3A_1437 = vector.broadcast %mul3A_1436 : f32 to vector<224x224xf32>
    %mul3A_1438 = arith.mulf %get3A_1427, %mul3A_1437 : vector<224x224xf32>
    %add3A_1439 = arith.addf %add3A_1415, %mul3A_1438 : vector<224x224xf32>
    %get3A_1440 = arith.constant 157 : index
    %get3A_1441 = memref.load %arg4[%get3A_1440] : memref<162xf32, #tpu.memory_space<smem>>
    %mul3A_1442 = arith.mulf %get3A_1441, %get3A_1325 : f32
    %mul3A_1443 = vector.broadcast %mul3A_1442 : f32 to vector<224x224xf32>
    %mul3A_1444 = arith.mulf %get3A_1427, %mul3A_1443 : vector<224x224xf32>
    %add3A_1445 = arith.addf %add3A_1421, %mul3A_1444 : vector<224x224xf32>
    %get3A_1446 = arith.constant 5 : index
    %get3A_1447 = arith.constant 2 : index
    %get3A_1448 = arith.constant 1 : index
    %get3A_1449 = arith.constant 0 : index
    %get3A_1450 = vector.load %arg9[%get3A_1446, %get3A_1447, %get3A_1448, %get3A_1449] : memref<6x3x226x224xf32, #tpu.memory_space<vmem>>, vector<1x1x224x224xf32>
    %get3A_1451 = vector.shape_cast %get3A_1450 : vector<1x1x224x224xf32> to vector<224x224xf32>
    %get3A_1452 = arith.constant 50 : index
    %get3A_1453 = memref.load %arg4[%get3A_1452] : memref<162xf32, #tpu.memory_space<smem>>
    %mul3A_1454 = arith.mulf %get3A_1453, %get3A_1325 : f32
    %mul3A_1455 = vector.broadcast %mul3A_1454 : f32 to vector<224x224xf32>
    %mul3A_1456 = arith.mulf %get3A_1451, %mul3A_1455 : vector<224x224xf32>
    %add3A_1457 = arith.addf %add3A_1433, %mul3A_1456 : vector<224x224xf32>
    %get3A_1458 = arith.constant 104 : index
    %get3A_1459 = memref.load %arg4[%get3A_1458] : memref<162xf32, #tpu.memory_space<smem>>
    %mul3A_1460 = arith.mulf %get3A_1459, %get3A_1325 : f32
    %mul3A_1461 = vector.broadcast %mul3A_1460 : f32 to vector<224x224xf32>
    %mul3A_1462 = arith.mulf %get3A_1451, %mul3A_1461 : vector<224x224xf32>
    %add3A_1463 = arith.addf %add3A_1439, %mul3A_1462 : vector<224x224xf32>
    %get3A_1464 = arith.constant 158 : index
    %get3A_1465 = memref.load %arg4[%get3A_1464] : memref<162xf32, #tpu.memory_space<smem>>
    %mul3A_1466 = arith.mulf %get3A_1465, %get3A_1325 : f32
    %mul3A_1467 = vector.broadcast %mul3A_1466 : f32 to vector<224x224xf32>
    %mul3A_1468 = arith.mulf %get3A_1451, %mul3A_1467 : vector<224x224xf32>
    %add3A_1469 = arith.addf %add3A_1445, %mul3A_1468 : vector<224x224xf32>
    %get3A_1470 = arith.constant 5 : index
    %get3A_1471 = arith.constant 0 : index
    %get3A_1472 = arith.constant 2 : index
    %get3A_1473 = arith.constant 0 : index
    %get3A_1474 = vector.load %arg9[%get3A_1470, %get3A_1471, %get3A_1472, %get3A_1473] : memref<6x3x226x224xf32, #tpu.memory_space<vmem>>, vector<1x1x224x224xf32>
    %get3A_1475 = vector.shape_cast %get3A_1474 : vector<1x1x224x224xf32> to vector<224x224xf32>
    %get3A_1476 = arith.constant 51 : index
    %get3A_1477 = memref.load %arg4[%get3A_1476] : memref<162xf32, #tpu.memory_space<smem>>
    %mul3A_1478 = arith.mulf %get3A_1477, %get3A_1325 : f32
    %mul3A_1479 = vector.broadcast %mul3A_1478 : f32 to vector<224x224xf32>
    %mul3A_1480 = arith.mulf %get3A_1475, %mul3A_1479 : vector<224x224xf32>
    %add3A_1481 = arith.addf %add3A_1457, %mul3A_1480 : vector<224x224xf32>
    %get3A_1482 = arith.constant 105 : index
    %get3A_1483 = memref.load %arg4[%get3A_1482] : memref<162xf32, #tpu.memory_space<smem>>
    %mul3A_1484 = arith.mulf %get3A_1483, %get3A_1325 : f32
    %mul3A_1485 = vector.broadcast %mul3A_1484 : f32 to vector<224x224xf32>
    %mul3A_1486 = arith.mulf %get3A_1475, %mul3A_1485 : vector<224x224xf32>
    %add3A_1487 = arith.addf %add3A_1463, %mul3A_1486 : vector<224x224xf32>
    %get3A_1488 = arith.constant 159 : index
    %get3A_1489 = memref.load %arg4[%get3A_1488] : memref<162xf32, #tpu.memory_space<smem>>
    %mul3A_1490 = arith.mulf %get3A_1489, %get3A_1325 : f32
    %mul3A_1491 = vector.broadcast %mul3A_1490 : f32 to vector<224x224xf32>
    %mul3A_1492 = arith.mulf %get3A_1475, %mul3A_1491 : vector<224x224xf32>
    %add3A_1493 = arith.addf %add3A_1469, %mul3A_1492 : vector<224x224xf32>
    %get3A_1494 = arith.constant 5 : index
    %get3A_1495 = arith.constant 1 : index
    %get3A_1496 = arith.constant 2 : index
    %get3A_1497 = arith.constant 0 : index
    %get3A_1498 = vector.load %arg9[%get3A_1494, %get3A_1495, %get3A_1496, %get3A_1497] : memref<6x3x226x224xf32, #tpu.memory_space<vmem>>, vector<1x1x224x224xf32>
    %get3A_1499 = vector.shape_cast %get3A_1498 : vector<1x1x224x224xf32> to vector<224x224xf32>
    %get3A_1500 = arith.constant 52 : index
    %get3A_1501 = memref.load %arg4[%get3A_1500] : memref<162xf32, #tpu.memory_space<smem>>
    %mul3A_1502 = arith.mulf %get3A_1501, %get3A_1325 : f32
    %mul3A_1503 = vector.broadcast %mul3A_1502 : f32 to vector<224x224xf32>
    %mul3A_1504 = arith.mulf %get3A_1499, %mul3A_1503 : vector<224x224xf32>
    %add3A_1505 = arith.addf %add3A_1481, %mul3A_1504 : vector<224x224xf32>
    %get3A_1506 = arith.constant 106 : index
    %get3A_1507 = memref.load %arg4[%get3A_1506] : memref<162xf32, #tpu.memory_space<smem>>
    %mul3A_1508 = arith.mulf %get3A_1507, %get3A_1325 : f32
    %mul3A_1509 = vector.broadcast %mul3A_1508 : f32 to vector<224x224xf32>
    %mul3A_1510 = arith.mulf %get3A_1499, %mul3A_1509 : vector<224x224xf32>
    %add3A_1511 = arith.addf %add3A_1487, %mul3A_1510 : vector<224x224xf32>
    %get3A_1512 = arith.constant 160 : index
    %get3A_1513 = memref.load %arg4[%get3A_1512] : memref<162xf32, #tpu.memory_space<smem>>
    %mul3A_1514 = arith.mulf %get3A_1513, %get3A_1325 : f32
    %mul3A_1515 = vector.broadcast %mul3A_1514 : f32 to vector<224x224xf32>
    %mul3A_1516 = arith.mulf %get3A_1499, %mul3A_1515 : vector<224x224xf32>
    %add3A_1517 = arith.addf %add3A_1493, %mul3A_1516 : vector<224x224xf32>
    %get3A_1518 = arith.constant 5 : index
    %get3A_1519 = arith.constant 2 : index
    %get3A_1520 = arith.constant 2 : index
    %get3A_1521 = arith.constant 0 : index
    %get3A_1522 = vector.load %arg9[%get3A_1518, %get3A_1519, %get3A_1520, %get3A_1521] : memref<6x3x226x224xf32, #tpu.memory_space<vmem>>, vector<1x1x224x224xf32>
    %get3A_1523 = vector.shape_cast %get3A_1522 : vector<1x1x224x224xf32> to vector<224x224xf32>
    %get3A_1524 = arith.constant 53 : index
    %get3A_1525 = memref.load %arg4[%get3A_1524] : memref<162xf32, #tpu.memory_space<smem>>
    %mul3A_1526 = arith.mulf %get3A_1525, %get3A_1325 : f32
    %mul3A_1527 = vector.broadcast %mul3A_1526 : f32 to vector<224x224xf32>
    %mul3A_1528 = arith.mulf %get3A_1523, %mul3A_1527 : vector<224x224xf32>
    %add3A_1529 = arith.addf %add3A_1505, %mul3A_1528 : vector<224x224xf32>
    %get3A_1530 = arith.constant 107 : index
    %get3A_1531 = memref.load %arg4[%get3A_1530] : memref<162xf32, #tpu.memory_space<smem>>
    %mul3A_1532 = arith.mulf %get3A_1531, %get3A_1325 : f32
    %mul3A_1533 = vector.broadcast %mul3A_1532 : f32 to vector<224x224xf32>
    %mul3A_1534 = arith.mulf %get3A_1523, %mul3A_1533 : vector<224x224xf32>
    %add3A_1535 = arith.addf %add3A_1511, %mul3A_1534 : vector<224x224xf32>
    %get3A_1536 = arith.constant 161 : index
    %get3A_1537 = memref.load %arg4[%get3A_1536] : memref<162xf32, #tpu.memory_space<smem>>
    %mul3A_1538 = arith.mulf %get3A_1537, %get3A_1325 : f32
    %mul3A_1539 = vector.broadcast %mul3A_1538 : f32 to vector<224x224xf32>
    %mul3A_1540 = arith.mulf %get3A_1523, %mul3A_1539 : vector<224x224xf32>
    %add3A_1541 = arith.addf %add3A_1517, %mul3A_1540 : vector<224x224xf32>
    %broadcast_in_dim3A_1542 = arith.constant 0.000000e+00 : f32
    %broadcast_in_dim3A_1543 = vector.broadcast %broadcast_in_dim3A_1542 : f32 to vector<224x1xf32>
    %slice3A_1544 = vector.extract_strided_slice %add3A_1529 {offsets = [0, 0], sizes = [224, 223], strides = [1, 1]} : vector<224x224xf32> to vector<224x223xf32>
    %concatenate3A_1545 = tpu.concatenate %broadcast_in_dim3A_1543, %slice3A_1544 in 1 : vector<224x1xf32>, vector<224x223xf32> -> vector<224x224xf32>
    %slice3A_1546 = vector.extract_strided_slice %add3A_1529 {offsets = [0, 1], sizes = [224, 223], strides = [1, 1]} : vector<224x224xf32> to vector<224x223xf32>
    %concatenate3A_1547 = tpu.concatenate %slice3A_1546, %broadcast_in_dim3A_1543 in 1 : vector<224x223xf32>, vector<224x1xf32> -> vector<224x224xf32>
    %swap3A_1548 = arith.constant 0 : index
    %swap3A_1549 = arith.constant 0 : index
    %swap3A_1550 = arith.constant 1 : index
    %swap3A_1551 = arith.constant 0 : index
    %swap3A_1552 = vector.load %arg10[%swap3A_1548, %swap3A_1549, %swap3A_1550, %swap3A_1551] : memref<3x3x226x224xf32, #tpu.memory_space<vmem>>, vector<1x1x224x224xf32>
    %swap3A_1553 = vector.shape_cast %swap3A_1552 : vector<1x1x224x224xf32> to vector<224x224xf32>
    %swap3A_1554 = vector.shape_cast %concatenate3A_1545 : vector<224x224xf32> to vector<1x1x224x224xf32>
    tpu.vector_store %arg10[%swap3A_1548, %swap3A_1549, %swap3A_1550, %swap3A_1551], %swap3A_1554 {strides = array<i32>} : memref<3x3x226x224xf32, #tpu.memory_space<vmem>>, vector<1x1x224x224xf32>,
    %swap3A_1555 = arith.constant 0 : index
    %swap3A_1556 = arith.constant 1 : index
    %swap3A_1557 = arith.constant 1 : index
    %swap3A_1558 = arith.constant 0 : index
    %swap3A_1559 = vector.load %arg10[%swap3A_1555, %swap3A_1556, %swap3A_1557, %swap3A_1558] : memref<3x3x226x224xf32, #tpu.memory_space<vmem>>, vector<1x1x224x224xf32>
    %swap3A_1560 = vector.shape_cast %swap3A_1559 : vector<1x1x224x224xf32> to vector<224x224xf32>
    %swap3A_1561 = vector.shape_cast %add3A_1529 : vector<224x224xf32> to vector<1x1x224x224xf32>
    tpu.vector_store %arg10[%swap3A_1555, %swap3A_1556, %swap3A_1557, %swap3A_1558], %swap3A_1561 {strides = array<i32>} : memref<3x3x226x224xf32, #tpu.memory_space<vmem>>, vector<1x1x224x224xf32>,
    %swap3A_1562 = arith.constant 0 : index
    %swap3A_1563 = arith.constant 2 : index
    %swap3A_1564 = arith.constant 1 : index
    %swap3A_1565 = arith.constant 0 : index
    %swap3A_1566 = vector.load %arg10[%swap3A_1562, %swap3A_1563, %swap3A_1564, %swap3A_1565] : memref<3x3x226x224xf32, #tpu.memory_space<vmem>>, vector<1x1x224x224xf32>
    %swap3A_1567 = vector.shape_cast %swap3A_1566 : vector<1x1x224x224xf32> to vector<224x224xf32>
    %swap3A_1568 = vector.shape_cast %concatenate3A_1547 : vector<224x224xf32> to vector<1x1x224x224xf32>
    tpu.vector_store %arg10[%swap3A_1562, %swap3A_1563, %swap3A_1564, %swap3A_1565], %swap3A_1568 {strides = array<i32>} : memref<3x3x226x224xf32, #tpu.memory_space<vmem>>, vector<1x1x224x224xf32>,
    %broadcast_in_dim3A_1569 = arith.constant 0.000000e+00 : f32
    %broadcast_in_dim3A_1570 = vector.broadcast %broadcast_in_dim3A_1569 : f32 to vector<224x1xf32>
    %slice3A_1571 = vector.extract_strided_slice %add3A_1535 {offsets = [0, 0], sizes = [224, 223], strides = [1, 1]} : vector<224x224xf32> to vector<224x223xf32>
    %concatenate3A_1572 = tpu.concatenate %broadcast_in_dim3A_1570, %slice3A_1571 in 1 : vector<224x1xf32>, vector<224x223xf32> -> vector<224x224xf32>
    %slice3A_1573 = vector.extract_strided_slice %add3A_1535 {offsets = [0, 1], sizes = [224, 223], strides = [1, 1]} : vector<224x224xf32> to vector<224x223xf32>
    %concatenate3A_1574 = tpu.concatenate %slice3A_1573, %broadcast_in_dim3A_1570 in 1 : vector<224x223xf32>, vector<224x1xf32> -> vector<224x224xf32>
    %swap3A_1575 = arith.constant 1 : index
    %swap3A_1576 = arith.constant 0 : index
    %swap3A_1577 = arith.constant 1 : index
    %swap3A_1578 = arith.constant 0 : index
    %swap3A_1579 = vector.load %arg10[%swap3A_1575, %swap3A_1576, %swap3A_1577, %swap3A_1578] : memref<3x3x226x224xf32, #tpu.memory_space<vmem>>, vector<1x1x224x224xf32>
    %swap3A_1580 = vector.shape_cast %swap3A_1579 : vector<1x1x224x224xf32> to vector<224x224xf32>
    %swap3A_1581 = vector.shape_cast %concatenate3A_1572 : vector<224x224xf32> to vector<1x1x224x224xf32>
    tpu.vector_store %arg10[%swap3A_1575, %swap3A_1576, %swap3A_1577, %swap3A_1578], %swap3A_1581 {strides = array<i32>} : memref<3x3x226x224xf32, #tpu.memory_space<vmem>>, vector<1x1x224x224xf32>,
    %swap3A_1582 = arith.constant 1 : index
    %swap3A_1583 = arith.constant 1 : index
    %swap3A_1584 = arith.constant 1 : index
    %swap3A_1585 = arith.constant 0 : index
    %swap3A_1586 = vector.load %arg10[%swap3A_1582, %swap3A_1583, %swap3A_1584, %swap3A_1585] : memref<3x3x226x224xf32, #tpu.memory_space<vmem>>, vector<1x1x224x224xf32>
    %swap3A_1587 = vector.shape_cast %swap3A_1586 : vector<1x1x224x224xf32> to vector<224x224xf32>
    %swap3A_1588 = vector.shape_cast %add3A_1535 : vector<224x224xf32> to vector<1x1x224x224xf32>
    tpu.vector_store %arg10[%swap3A_1582, %swap3A_1583, %swap3A_1584, %swap3A_1585], %swap3A_1588 {strides = array<i32>} : memref<3x3x226x224xf32, #tpu.memory_space<vmem>>, vector<1x1x224x224xf32>,
    %swap3A_1589 = arith.constant 1 : index
    %swap3A_1590 = arith.constant 2 : index
    %swap3A_1591 = arith.constant 1 : index
    %swap3A_1592 = arith.constant 0 : index
    %swap3A_1593 = vector.load %arg10[%swap3A_1589, %swap3A_1590, %swap3A_1591, %swap3A_1592] : memref<3x3x226x224xf32, #tpu.memory_space<vmem>>, vector<1x1x224x224xf32>
    %swap3A_1594 = vector.shape_cast %swap3A_1593 : vector<1x1x224x224xf32> to vector<224x224xf32>
    %swap3A_1595 = vector.shape_cast %concatenate3A_1574 : vector<224x224xf32> to vector<1x1x224x224xf32>
    tpu.vector_store %arg10[%swap3A_1589, %swap3A_1590, %swap3A_1591, %swap3A_1592], %swap3A_1595 {strides = array<i32>} : memref<3x3x226x224xf32, #tpu.memory_space<vmem>>, vector<1x1x224x224xf32>,
    %broadcast_in_dim3A_1596 = arith.constant 0.000000e+00 : f32
    %broadcast_in_dim3A_1597 = vector.broadcast %broadcast_in_dim3A_1596 : f32 to vector<224x1xf32>
    %slice3A_1598 = vector.extract_strided_slice %add3A_1541 {offsets = [0, 0], sizes = [224, 223], strides = [1, 1]} : vector<224x224xf32> to vector<224x223xf32>
    %concatenate3A_1599 = tpu.concatenate %broadcast_in_dim3A_1597, %slice3A_1598 in 1 : vector<224x1xf32>, vector<224x223xf32> -> vector<224x224xf32>
    %slice3A_1600 = vector.extract_strided_slice %add3A_1541 {offsets = [0, 1], sizes = [224, 223], strides = [1, 1]} : vector<224x224xf32> to vector<224x223xf32>
    %concatenate3A_1601 = tpu.concatenate %slice3A_1600, %broadcast_in_dim3A_1597 in 1 : vector<224x223xf32>, vector<224x1xf32> -> vector<224x224xf32>
    %swap3A_1602 = arith.constant 2 : index
    %swap3A_1603 = arith.constant 0 : index
    %swap3A_1604 = arith.constant 1 : index
    %swap3A_1605 = arith.constant 0 : index
    %swap3A_1606 = vector.load %arg10[%swap3A_1602, %swap3A_1603, %swap3A_1604, %swap3A_1605] : memref<3x3x226x224xf32, #tpu.memory_space<vmem>>, vector<1x1x224x224xf32>
    %swap3A_1607 = vector.shape_cast %swap3A_1606 : vector<1x1x224x224xf32> to vector<224x224xf32>
    %swap3A_1608 = vector.shape_cast %concatenate3A_1599 : vector<224x224xf32> to vector<1x1x224x224xf32>
    tpu.vector_store %arg10[%swap3A_1602, %swap3A_1603, %swap3A_1604, %swap3A_1605], %swap3A_1608 {strides = array<i32>} : memref<3x3x226x224xf32, #tpu.memory_space<vmem>>, vector<1x1x224x224xf32>,
    %swap3A_1609 = arith.constant 2 : index
    %swap3A_1610 = arith.constant 1 : index
    %swap3A_1611 = arith.constant 1 : index
    %swap3A_1612 = arith.constant 0 : index
    %swap3A_1613 = vector.load %arg10[%swap3A_1609, %swap3A_1610, %swap3A_1611, %swap3A_1612] : memref<3x3x226x224xf32, #tpu.memory_space<vmem>>, vector<1x1x224x224xf32>
    %swap3A_1614 = vector.shape_cast %swap3A_1613 : vector<1x1x224x224xf32> to vector<224x224xf32>
    %swap3A_1615 = vector.shape_cast %add3A_1541 : vector<224x224xf32> to vector<1x1x224x224xf32>
    tpu.vector_store %arg10[%swap3A_1609, %swap3A_1610, %swap3A_1611, %swap3A_1612], %swap3A_1615 {strides = array<i32>} : memref<3x3x226x224xf32, #tpu.memory_space<vmem>>, vector<1x1x224x224xf32>,
    %swap3A_1616 = arith.constant 2 : index
    %swap3A_1617 = arith.constant 2 : index
    %swap3A_1618 = arith.constant 1 : index
    %swap3A_1619 = arith.constant 0 : index
    %swap3A_1620 = vector.load %arg10[%swap3A_1616, %swap3A_1617, %swap3A_1618, %swap3A_1619] : memref<3x3x226x224xf32, #tpu.memory_space<vmem>>, vector<1x1x224x224xf32>
    %swap3A_1621 = vector.shape_cast %swap3A_1620 : vector<1x1x224x224xf32> to vector<224x224xf32>
    %swap3A_1622 = vector.shape_cast %concatenate3A_1601 : vector<224x224xf32> to vector<1x1x224x224xf32>
    tpu.vector_store %arg10[%swap3A_1616, %swap3A_1617, %swap3A_1618, %swap3A_1619], %swap3A_1622 {strides = array<i32>} : memref<3x3x226x224xf32, #tpu.memory_space<vmem>>, vector<1x1x224x224xf32>,
    %broadcast_in_dim3A_1623 = arith.constant 0.000000e+00 : f32
    %broadcast_in_dim3A_1624 = vector.broadcast %broadcast_in_dim3A_1623 : f32 to vector<224x224xf32>
    %broadcast_in_dim3A_1625 = arith.constant 0.000000e+00 : f32
    %broadcast_in_dim3A_1626 = vector.broadcast %broadcast_in_dim3A_1625 : f32 to vector<224x224xf32>
    %broadcast_in_dim3A_1627 = arith.constant 0.000000e+00 : f32
    %broadcast_in_dim3A_1628 = vector.broadcast %broadcast_in_dim3A_1627 : f32 to vector<224x224xf32>
    %broadcast_in_dim3A_1629 = arith.constant 0.000000e+00 : f32
    %broadcast_in_dim3A_1630 = vector.broadcast %broadcast_in_dim3A_1629 : f32 to vector<224x224xf32>
    %broadcast_in_dim3A_1631 = arith.constant 0.000000e+00 : f32
    %broadcast_in_dim3A_1632 = vector.broadcast %broadcast_in_dim3A_1631 : f32 to vector<224x224xf32>
    %broadcast_in_dim3A_1633 = arith.constant 0.000000e+00 : f32
    %broadcast_in_dim3A_1634 = vector.broadcast %broadcast_in_dim3A_1633 : f32 to vector<224x224xf32>
    %broadcast_in_dim3A_1635 = arith.constant 0.000000e+00 : f32
    %broadcast_in_dim3A_1636 = vector.broadcast %broadcast_in_dim3A_1635 : f32 to vector<224x224xf32>
    %broadcast_in_dim3A_1637 = arith.constant 0.000000e+00 : f32
    %broadcast_in_dim3A_1638 = vector.broadcast %broadcast_in_dim3A_1637 : f32 to vector<224x224xf32>
    %get3A_1639 = arith.constant 0 : index
    %get3A_1640 = arith.constant 0 : index
    %get3A_1641 = arith.constant 0 : index
    %get3A_1642 = arith.constant 0 : index
    %get3A_1643 = vector.load %arg10[%get3A_1639, %get3A_1640, %get3A_1641, %get3A_1642] : memref<3x3x226x224xf32, #tpu.memory_space<vmem>>, vector<1x1x224x224xf32>
    %get3A_1644 = vector.shape_cast %get3A_1643 : vector<1x1x224x224xf32> to vector<224x224xf32>
    %get3A_1645 = arith.constant 0 : index
    %get3A_1646 = memref.load %arg6[%get3A_1645] : memref<216xf32, #tpu.memory_space<smem>>
    %mul3A_1647 = vector.broadcast %get3A_1646 : f32 to vector<224x224xf32>
    %mul3A_1648 = arith.mulf %get3A_1644, %mul3A_1647 : vector<224x224xf32>
    %add3A_1649 = arith.addf %broadcast_in_dim3A_1624, %mul3A_1648 : vector<224x224xf32>
    %get3A_1650 = arith.constant 27 : index
    %get3A_1651 = memref.load %arg6[%get3A_1650] : memref<216xf32, #tpu.memory_space<smem>>
    %mul3A_1652 = vector.broadcast %get3A_1651 : f32 to vector<224x224xf32>
    %mul3A_1653 = arith.mulf %get3A_1644, %mul3A_1652 : vector<224x224xf32>
    %add3A_1654 = arith.addf %broadcast_in_dim3A_1626, %mul3A_1653 : vector<224x224xf32>
    %get3A_1655 = arith.constant 54 : index
    %get3A_1656 = memref.load %arg6[%get3A_1655] : memref<216xf32, #tpu.memory_space<smem>>
    %mul3A_1657 = vector.broadcast %get3A_1656 : f32 to vector<224x224xf32>
    %mul3A_1658 = arith.mulf %get3A_1644, %mul3A_1657 : vector<224x224xf32>
    %add3A_1659 = arith.addf %broadcast_in_dim3A_1628, %mul3A_1658 : vector<224x224xf32>
    %get3A_1660 = arith.constant 81 : index
    %get3A_1661 = memref.load %arg6[%get3A_1660] : memref<216xf32, #tpu.memory_space<smem>>
    %mul3A_1662 = vector.broadcast %get3A_1661 : f32 to vector<224x224xf32>
    %mul3A_1663 = arith.mulf %get3A_1644, %mul3A_1662 : vector<224x224xf32>
    %add3A_1664 = arith.addf %broadcast_in_dim3A_1630, %mul3A_1663 : vector<224x224xf32>
    %get3A_1665 = arith.constant 108 : index
    %get3A_1666 = memref.load %arg6[%get3A_1665] : memref<216xf32, #tpu.memory_space<smem>>
    %mul3A_1667 = vector.broadcast %get3A_1666 : f32 to vector<224x224xf32>
    %mul3A_1668 = arith.mulf %get3A_1644, %mul3A_1667 : vector<224x224xf32>
    %add3A_1669 = arith.addf %broadcast_in_dim3A_1632, %mul3A_1668 : vector<224x224xf32>
    %get3A_1670 = arith.constant 135 : index
    %get3A_1671 = memref.load %arg6[%get3A_1670] : memref<216xf32, #tpu.memory_space<smem>>
    %mul3A_1672 = vector.broadcast %get3A_1671 : f32 to vector<224x224xf32>
    %mul3A_1673 = arith.mulf %get3A_1644, %mul3A_1672 : vector<224x224xf32>
    %add3A_1674 = arith.addf %broadcast_in_dim3A_1634, %mul3A_1673 : vector<224x224xf32>
    %get3A_1675 = arith.constant 162 : index
    %get3A_1676 = memref.load %arg6[%get3A_1675] : memref<216xf32, #tpu.memory_space<smem>>
    %mul3A_1677 = vector.broadcast %get3A_1676 : f32 to vector<224x224xf32>
    %mul3A_1678 = arith.mulf %get3A_1644, %mul3A_1677 : vector<224x224xf32>
    %add3A_1679 = arith.addf %broadcast_in_dim3A_1636, %mul3A_1678 : vector<224x224xf32>
    %get3A_1680 = arith.constant 189 : index
    %get3A_1681 = memref.load %arg6[%get3A_1680] : memref<216xf32, #tpu.memory_space<smem>>
    %mul3A_1682 = vector.broadcast %get3A_1681 : f32 to vector<224x224xf32>
    %mul3A_1683 = arith.mulf %get3A_1644, %mul3A_1682 : vector<224x224xf32>
    %add3A_1684 = arith.addf %broadcast_in_dim3A_1638, %mul3A_1683 : vector<224x224xf32>
    %get3A_1685 = arith.constant 0 : index
    %get3A_1686 = arith.constant 1 : index
    %get3A_1687 = arith.constant 0 : index
    %get3A_1688 = arith.constant 0 : index
    %get3A_1689 = vector.load %arg10[%get3A_1685, %get3A_1686, %get3A_1687, %get3A_1688] : memref<3x3x226x224xf32, #tpu.memory_space<vmem>>, vector<1x1x224x224xf32>
    %get3A_1690 = vector.shape_cast %get3A_1689 : vector<1x1x224x224xf32> to vector<224x224xf32>
    %get3A_1691 = arith.constant 1 : index
    %get3A_1692 = memref.load %arg6[%get3A_1691] : memref<216xf32, #tpu.memory_space<smem>>
    %mul3A_1693 = vector.broadcast %get3A_1692 : f32 to vector<224x224xf32>
    %mul3A_1694 = arith.mulf %get3A_1690, %mul3A_1693 : vector<224x224xf32>
    %add3A_1695 = arith.addf %add3A_1649, %mul3A_1694 : vector<224x224xf32>
    %get3A_1696 = arith.constant 28 : index
    %get3A_1697 = memref.load %arg6[%get3A_1696] : memref<216xf32, #tpu.memory_space<smem>>
    %mul3A_1698 = vector.broadcast %get3A_1697 : f32 to vector<224x224xf32>
    %mul3A_1699 = arith.mulf %get3A_1690, %mul3A_1698 : vector<224x224xf32>
    %add3A_1700 = arith.addf %add3A_1654, %mul3A_1699 : vector<224x224xf32>
    %get3A_1701 = arith.constant 55 : index
    %get3A_1702 = memref.load %arg6[%get3A_1701] : memref<216xf32, #tpu.memory_space<smem>>
    %mul3A_1703 = vector.broadcast %get3A_1702 : f32 to vector<224x224xf32>
    %mul3A_1704 = arith.mulf %get3A_1690, %mul3A_1703 : vector<224x224xf32>
    %add3A_1705 = arith.addf %add3A_1659, %mul3A_1704 : vector<224x224xf32>
    %get3A_1706 = arith.constant 82 : index
    %get3A_1707 = memref.load %arg6[%get3A_1706] : memref<216xf32, #tpu.memory_space<smem>>
    %mul3A_1708 = vector.broadcast %get3A_1707 : f32 to vector<224x224xf32>
    %mul3A_1709 = arith.mulf %get3A_1690, %mul3A_1708 : vector<224x224xf32>
    %add3A_1710 = arith.addf %add3A_1664, %mul3A_1709 : vector<224x224xf32>
    %get3A_1711 = arith.constant 109 : index
    %get3A_1712 = memref.load %arg6[%get3A_1711] : memref<216xf32, #tpu.memory_space<smem>>
    %mul3A_1713 = vector.broadcast %get3A_1712 : f32 to vector<224x224xf32>
    %mul3A_1714 = arith.mulf %get3A_1690, %mul3A_1713 : vector<224x224xf32>
    %add3A_1715 = arith.addf %add3A_1669, %mul3A_1714 : vector<224x224xf32>
    %get3A_1716 = arith.constant 136 : index
    %get3A_1717 = memref.load %arg6[%get3A_1716] : memref<216xf32, #tpu.memory_space<smem>>
    %mul3A_1718 = vector.broadcast %get3A_1717 : f32 to vector<224x224xf32>
    %mul3A_1719 = arith.mulf %get3A_1690, %mul3A_1718 : vector<224x224xf32>
    %add3A_1720 = arith.addf %add3A_1674, %mul3A_1719 : vector<224x224xf32>
    %get3A_1721 = arith.constant 163 : index
    %get3A_1722 = memref.load %arg6[%get3A_1721] : memref<216xf32, #tpu.memory_space<smem>>
    %mul3A_1723 = vector.broadcast %get3A_1722 : f32 to vector<224x224xf32>
    %mul3A_1724 = arith.mulf %get3A_1690, %mul3A_1723 : vector<224x224xf32>
    %add3A_1725 = arith.addf %add3A_1679, %mul3A_1724 : vector<224x224xf32>
    %get3A_1726 = arith.constant 190 : index
    %get3A_1727 = memref.load %arg6[%get3A_1726] : memref<216xf32, #tpu.memory_space<smem>>
    %mul3A_1728 = vector.broadcast %get3A_1727 : f32 to vector<224x224xf32>
    %mul3A_1729 = arith.mulf %get3A_1690, %mul3A_1728 : vector<224x224xf32>
    %add3A_1730 = arith.addf %add3A_1684, %mul3A_1729 : vector<224x224xf32>
    %get3A_1731 = arith.constant 0 : index
    %get3A_1732 = arith.constant 2 : index
    %get3A_1733 = arith.constant 0 : index
    %get3A_1734 = arith.constant 0 : index
    %get3A_1735 = vector.load %arg10[%get3A_1731, %get3A_1732, %get3A_1733, %get3A_1734] : memref<3x3x226x224xf32, #tpu.memory_space<vmem>>, vector<1x1x224x224xf32>
    %get3A_1736 = vector.shape_cast %get3A_1735 : vector<1x1x224x224xf32> to vector<224x224xf32>
    %get3A_1737 = arith.constant 2 : index
    %get3A_1738 = memref.load %arg6[%get3A_1737] : memref<216xf32, #tpu.memory_space<smem>>
    %mul3A_1739 = vector.broadcast %get3A_1738 : f32 to vector<224x224xf32>
    %mul3A_1740 = arith.mulf %get3A_1736, %mul3A_1739 : vector<224x224xf32>
    %add3A_1741 = arith.addf %add3A_1695, %mul3A_1740 : vector<224x224xf32>
    %get3A_1742 = arith.constant 29 : index
    %get3A_1743 = memref.load %arg6[%get3A_1742] : memref<216xf32, #tpu.memory_space<smem>>
    %mul3A_1744 = vector.broadcast %get3A_1743 : f32 to vector<224x224xf32>
    %mul3A_1745 = arith.mulf %get3A_1736, %mul3A_1744 : vector<224x224xf32>
    %add3A_1746 = arith.addf %add3A_1700, %mul3A_1745 : vector<224x224xf32>
    %get3A_1747 = arith.constant 56 : index
    %get3A_1748 = memref.load %arg6[%get3A_1747] : memref<216xf32, #tpu.memory_space<smem>>
    %mul3A_1749 = vector.broadcast %get3A_1748 : f32 to vector<224x224xf32>
    %mul3A_1750 = arith.mulf %get3A_1736, %mul3A_1749 : vector<224x224xf32>
    %add3A_1751 = arith.addf %add3A_1705, %mul3A_1750 : vector<224x224xf32>
    %get3A_1752 = arith.constant 83 : index
    %get3A_1753 = memref.load %arg6[%get3A_1752] : memref<216xf32, #tpu.memory_space<smem>>
    %mul3A_1754 = vector.broadcast %get3A_1753 : f32 to vector<224x224xf32>
    %mul3A_1755 = arith.mulf %get3A_1736, %mul3A_1754 : vector<224x224xf32>
    %add3A_1756 = arith.addf %add3A_1710, %mul3A_1755 : vector<224x224xf32>
    %get3A_1757 = arith.constant 110 : index
    %get3A_1758 = memref.load %arg6[%get3A_1757] : memref<216xf32, #tpu.memory_space<smem>>
    %mul3A_1759 = vector.broadcast %get3A_1758 : f32 to vector<224x224xf32>
    %mul3A_1760 = arith.mulf %get3A_1736, %mul3A_1759 : vector<224x224xf32>
    %add3A_1761 = arith.addf %add3A_1715, %mul3A_1760 : vector<224x224xf32>
    %get3A_1762 = arith.constant 137 : index
    %get3A_1763 = memref.load %arg6[%get3A_1762] : memref<216xf32, #tpu.memory_space<smem>>
    %mul3A_1764 = vector.broadcast %get3A_1763 : f32 to vector<224x224xf32>
    %mul3A_1765 = arith.mulf %get3A_1736, %mul3A_1764 : vector<224x224xf32>
    %add3A_1766 = arith.addf %add3A_1720, %mul3A_1765 : vector<224x224xf32>
    %get3A_1767 = arith.constant 164 : index
    %get3A_1768 = memref.load %arg6[%get3A_1767] : memref<216xf32, #tpu.memory_space<smem>>
    %mul3A_1769 = vector.broadcast %get3A_1768 : f32 to vector<224x224xf32>
    %mul3A_1770 = arith.mulf %get3A_1736, %mul3A_1769 : vector<224x224xf32>
    %add3A_1771 = arith.addf %add3A_1725, %mul3A_1770 : vector<224x224xf32>
    %get3A_1772 = arith.constant 191 : index
    %get3A_1773 = memref.load %arg6[%get3A_1772] : memref<216xf32, #tpu.memory_space<smem>>
    %mul3A_1774 = vector.broadcast %get3A_1773 : f32 to vector<224x224xf32>
    %mul3A_1775 = arith.mulf %get3A_1736, %mul3A_1774 : vector<224x224xf32>
    %add3A_1776 = arith.addf %add3A_1730, %mul3A_1775 : vector<224x224xf32>
    %get3A_1777 = arith.constant 0 : index
    %get3A_1778 = arith.constant 0 : index
    %get3A_1779 = arith.constant 1 : index
    %get3A_1780 = arith.constant 0 : index
    %get3A_1781 = vector.load %arg10[%get3A_1777, %get3A_1778, %get3A_1779, %get3A_1780] : memref<3x3x226x224xf32, #tpu.memory_space<vmem>>, vector<1x1x224x224xf32>
    %get3A_1782 = vector.shape_cast %get3A_1781 : vector<1x1x224x224xf32> to vector<224x224xf32>
    %get3A_1783 = arith.constant 3 : index
    %get3A_1784 = memref.load %arg6[%get3A_1783] : memref<216xf32, #tpu.memory_space<smem>>
    %mul3A_1785 = vector.broadcast %get3A_1784 : f32 to vector<224x224xf32>
    %mul3A_1786 = arith.mulf %get3A_1782, %mul3A_1785 : vector<224x224xf32>
    %add3A_1787 = arith.addf %add3A_1741, %mul3A_1786 : vector<224x224xf32>
    %get3A_1788 = arith.constant 30 : index
    %get3A_1789 = memref.load %arg6[%get3A_1788] : memref<216xf32, #tpu.memory_space<smem>>
    %mul3A_1790 = vector.broadcast %get3A_1789 : f32 to vector<224x224xf32>
    %mul3A_1791 = arith.mulf %get3A_1782, %mul3A_1790 : vector<224x224xf32>
    %add3A_1792 = arith.addf %add3A_1746, %mul3A_1791 : vector<224x224xf32>
    %get3A_1793 = arith.constant 57 : index
    %get3A_1794 = memref.load %arg6[%get3A_1793] : memref<216xf32, #tpu.memory_space<smem>>
    %mul3A_1795 = vector.broadcast %get3A_1794 : f32 to vector<224x224xf32>
    %mul3A_1796 = arith.mulf %get3A_1782, %mul3A_1795 : vector<224x224xf32>
    %add3A_1797 = arith.addf %add3A_1751, %mul3A_1796 : vector<224x224xf32>
    %get3A_1798 = arith.constant 84 : index
    %get3A_1799 = memref.load %arg6[%get3A_1798] : memref<216xf32, #tpu.memory_space<smem>>
    %mul3A_1800 = vector.broadcast %get3A_1799 : f32 to vector<224x224xf32>
    %mul3A_1801 = arith.mulf %get3A_1782, %mul3A_1800 : vector<224x224xf32>
    %add3A_1802 = arith.addf %add3A_1756, %mul3A_1801 : vector<224x224xf32>
    %get3A_1803 = arith.constant 111 : index
    %get3A_1804 = memref.load %arg6[%get3A_1803] : memref<216xf32, #tpu.memory_space<smem>>
    %mul3A_1805 = vector.broadcast %get3A_1804 : f32 to vector<224x224xf32>
    %mul3A_1806 = arith.mulf %get3A_1782, %mul3A_1805 : vector<224x224xf32>
    %add3A_1807 = arith.addf %add3A_1761, %mul3A_1806 : vector<224x224xf32>
    %get3A_1808 = arith.constant 138 : index
    %get3A_1809 = memref.load %arg6[%get3A_1808] : memref<216xf32, #tpu.memory_space<smem>>
    %mul3A_1810 = vector.broadcast %get3A_1809 : f32 to vector<224x224xf32>
    %mul3A_1811 = arith.mulf %get3A_1782, %mul3A_1810 : vector<224x224xf32>
    %add3A_1812 = arith.addf %add3A_1766, %mul3A_1811 : vector<224x224xf32>
    %get3A_1813 = arith.constant 165 : index
    %get3A_1814 = memref.load %arg6[%get3A_1813] : memref<216xf32, #tpu.memory_space<smem>>
    %mul3A_1815 = vector.broadcast %get3A_1814 : f32 to vector<224x224xf32>
    %mul3A_1816 = arith.mulf %get3A_1782, %mul3A_1815 : vector<224x224xf32>
    %add3A_1817 = arith.addf %add3A_1771, %mul3A_1816 : vector<224x224xf32>
    %get3A_1818 = arith.constant 192 : index
    %get3A_1819 = memref.load %arg6[%get3A_1818] : memref<216xf32, #tpu.memory_space<smem>>
    %mul3A_1820 = vector.broadcast %get3A_1819 : f32 to vector<224x224xf32>
    %mul3A_1821 = arith.mulf %get3A_1782, %mul3A_1820 : vector<224x224xf32>
    %add3A_1822 = arith.addf %add3A_1776, %mul3A_1821 : vector<224x224xf32>
    %get3A_1823 = arith.constant 0 : index
    %get3A_1824 = arith.constant 1 : index
    %get3A_1825 = arith.constant 1 : index
    %get3A_1826 = arith.constant 0 : index
    %get3A_1827 = vector.load %arg10[%get3A_1823, %get3A_1824, %get3A_1825, %get3A_1826] : memref<3x3x226x224xf32, #tpu.memory_space<vmem>>, vector<1x1x224x224xf32>
    %get3A_1828 = vector.shape_cast %get3A_1827 : vector<1x1x224x224xf32> to vector<224x224xf32>
    %get3A_1829 = arith.constant 4 : index
    %get3A_1830 = memref.load %arg6[%get3A_1829] : memref<216xf32, #tpu.memory_space<smem>>
    %mul3A_1831 = vector.broadcast %get3A_1830 : f32 to vector<224x224xf32>
    %mul3A_1832 = arith.mulf %get3A_1828, %mul3A_1831 : vector<224x224xf32>
    %add3A_1833 = arith.addf %add3A_1787, %mul3A_1832 : vector<224x224xf32>
    %get3A_1834 = arith.constant 31 : index
    %get3A_1835 = memref.load %arg6[%get3A_1834] : memref<216xf32, #tpu.memory_space<smem>>
    %mul3A_1836 = vector.broadcast %get3A_1835 : f32 to vector<224x224xf32>
    %mul3A_1837 = arith.mulf %get3A_1828, %mul3A_1836 : vector<224x224xf32>
    %add3A_1838 = arith.addf %add3A_1792, %mul3A_1837 : vector<224x224xf32>
    %get3A_1839 = arith.constant 58 : index
    %get3A_1840 = memref.load %arg6[%get3A_1839] : memref<216xf32, #tpu.memory_space<smem>>
    %mul3A_1841 = vector.broadcast %get3A_1840 : f32 to vector<224x224xf32>
    %mul3A_1842 = arith.mulf %get3A_1828, %mul3A_1841 : vector<224x224xf32>
    %add3A_1843 = arith.addf %add3A_1797, %mul3A_1842 : vector<224x224xf32>
    %get3A_1844 = arith.constant 85 : index
    %get3A_1845 = memref.load %arg6[%get3A_1844] : memref<216xf32, #tpu.memory_space<smem>>
    %mul3A_1846 = vector.broadcast %get3A_1845 : f32 to vector<224x224xf32>
    %mul3A_1847 = arith.mulf %get3A_1828, %mul3A_1846 : vector<224x224xf32>
    %add3A_1848 = arith.addf %add3A_1802, %mul3A_1847 : vector<224x224xf32>
    %get3A_1849 = arith.constant 112 : index
    %get3A_1850 = memref.load %arg6[%get3A_1849] : memref<216xf32, #tpu.memory_space<smem>>
    %mul3A_1851 = vector.broadcast %get3A_1850 : f32 to vector<224x224xf32>
    %mul3A_1852 = arith.mulf %get3A_1828, %mul3A_1851 : vector<224x224xf32>
    %add3A_1853 = arith.addf %add3A_1807, %mul3A_1852 : vector<224x224xf32>
    %get3A_1854 = arith.constant 139 : index
    %get3A_1855 = memref.load %arg6[%get3A_1854] : memref<216xf32, #tpu.memory_space<smem>>
    %mul3A_1856 = vector.broadcast %get3A_1855 : f32 to vector<224x224xf32>
    %mul3A_1857 = arith.mulf %get3A_1828, %mul3A_1856 : vector<224x224xf32>
    %add3A_1858 = arith.addf %add3A_1812, %mul3A_1857 : vector<224x224xf32>
    %get3A_1859 = arith.constant 166 : index
    %get3A_1860 = memref.load %arg6[%get3A_1859] : memref<216xf32, #tpu.memory_space<smem>>
    %mul3A_1861 = vector.broadcast %get3A_1860 : f32 to vector<224x224xf32>
    %mul3A_1862 = arith.mulf %get3A_1828, %mul3A_1861 : vector<224x224xf32>
    %add3A_1863 = arith.addf %add3A_1817, %mul3A_1862 : vector<224x224xf32>
    %get3A_1864 = arith.constant 193 : index
    %get3A_1865 = memref.load %arg6[%get3A_1864] : memref<216xf32, #tpu.memory_space<smem>>
    %mul3A_1866 = vector.broadcast %get3A_1865 : f32 to vector<224x224xf32>
    %mul3A_1867 = arith.mulf %get3A_1828, %mul3A_1866 : vector<224x224xf32>
    %add3A_1868 = arith.addf %add3A_1822, %mul3A_1867 : vector<224x224xf32>
    %get3A_1869 = arith.constant 0 : index
    %get3A_1870 = arith.constant 2 : index
    %get3A_1871 = arith.constant 1 : index
    %get3A_1872 = arith.constant 0 : index
    %get3A_1873 = vector.load %arg10[%get3A_1869, %get3A_1870, %get3A_1871, %get3A_1872] : memref<3x3x226x224xf32, #tpu.memory_space<vmem>>, vector<1x1x224x224xf32>
    %get3A_1874 = vector.shape_cast %get3A_1873 : vector<1x1x224x224xf32> to vector<224x224xf32>
    %get3A_1875 = arith.constant 5 : index
    %get3A_1876 = memref.load %arg6[%get3A_1875] : memref<216xf32, #tpu.memory_space<smem>>
    %mul3A_1877 = vector.broadcast %get3A_1876 : f32 to vector<224x224xf32>
    %mul3A_1878 = arith.mulf %get3A_1874, %mul3A_1877 : vector<224x224xf32>
    %add3A_1879 = arith.addf %add3A_1833, %mul3A_1878 : vector<224x224xf32>
    %get3A_1880 = arith.constant 32 : index
    %get3A_1881 = memref.load %arg6[%get3A_1880] : memref<216xf32, #tpu.memory_space<smem>>
    %mul3A_1882 = vector.broadcast %get3A_1881 : f32 to vector<224x224xf32>
    %mul3A_1883 = arith.mulf %get3A_1874, %mul3A_1882 : vector<224x224xf32>
    %add3A_1884 = arith.addf %add3A_1838, %mul3A_1883 : vector<224x224xf32>
    %get3A_1885 = arith.constant 59 : index
    %get3A_1886 = memref.load %arg6[%get3A_1885] : memref<216xf32, #tpu.memory_space<smem>>
    %mul3A_1887 = vector.broadcast %get3A_1886 : f32 to vector<224x224xf32>
    %mul3A_1888 = arith.mulf %get3A_1874, %mul3A_1887 : vector<224x224xf32>
    %add3A_1889 = arith.addf %add3A_1843, %mul3A_1888 : vector<224x224xf32>
    %get3A_1890 = arith.constant 86 : index
    %get3A_1891 = memref.load %arg6[%get3A_1890] : memref<216xf32, #tpu.memory_space<smem>>
    %mul3A_1892 = vector.broadcast %get3A_1891 : f32 to vector<224x224xf32>
    %mul3A_1893 = arith.mulf %get3A_1874, %mul3A_1892 : vector<224x224xf32>
    %add3A_1894 = arith.addf %add3A_1848, %mul3A_1893 : vector<224x224xf32>
    %get3A_1895 = arith.constant 113 : index
    %get3A_1896 = memref.load %arg6[%get3A_1895] : memref<216xf32, #tpu.memory_space<smem>>
    %mul3A_1897 = vector.broadcast %get3A_1896 : f32 to vector<224x224xf32>
    %mul3A_1898 = arith.mulf %get3A_1874, %mul3A_1897 : vector<224x224xf32>
    %add3A_1899 = arith.addf %add3A_1853, %mul3A_1898 : vector<224x224xf32>
    %get3A_1900 = arith.constant 140 : index
    %get3A_1901 = memref.load %arg6[%get3A_1900] : memref<216xf32, #tpu.memory_space<smem>>
    %mul3A_1902 = vector.broadcast %get3A_1901 : f32 to vector<224x224xf32>
    %mul3A_1903 = arith.mulf %get3A_1874, %mul3A_1902 : vector<224x224xf32>
    %add3A_1904 = arith.addf %add3A_1858, %mul3A_1903 : vector<224x224xf32>
    %get3A_1905 = arith.constant 167 : index
    %get3A_1906 = memref.load %arg6[%get3A_1905] : memref<216xf32, #tpu.memory_space<smem>>
    %mul3A_1907 = vector.broadcast %get3A_1906 : f32 to vector<224x224xf32>
    %mul3A_1908 = arith.mulf %get3A_1874, %mul3A_1907 : vector<224x224xf32>
    %add3A_1909 = arith.addf %add3A_1863, %mul3A_1908 : vector<224x224xf32>
    %get3A_1910 = arith.constant 194 : index
    %get3A_1911 = memref.load %arg6[%get3A_1910] : memref<216xf32, #tpu.memory_space<smem>>
    %mul3A_1912 = vector.broadcast %get3A_1911 : f32 to vector<224x224xf32>
    %mul3A_1913 = arith.mulf %get3A_1874, %mul3A_1912 : vector<224x224xf32>
    %add3A_1914 = arith.addf %add3A_1868, %mul3A_1913 : vector<224x224xf32>
    %get3A_1915 = arith.constant 0 : index
    %get3A_1916 = arith.constant 0 : index
    %get3A_1917 = arith.constant 2 : index
    %get3A_1918 = arith.constant 0 : index
    %get3A_1919 = vector.load %arg10[%get3A_1915, %get3A_1916, %get3A_1917, %get3A_1918] : memref<3x3x226x224xf32, #tpu.memory_space<vmem>>, vector<1x1x224x224xf32>
    %get3A_1920 = vector.shape_cast %get3A_1919 : vector<1x1x224x224xf32> to vector<224x224xf32>
    %get3A_1921 = arith.constant 6 : index
    %get3A_1922 = memref.load %arg6[%get3A_1921] : memref<216xf32, #tpu.memory_space<smem>>
    %mul3A_1923 = vector.broadcast %get3A_1922 : f32 to vector<224x224xf32>
    %mul3A_1924 = arith.mulf %get3A_1920, %mul3A_1923 : vector<224x224xf32>
    %add3A_1925 = arith.addf %add3A_1879, %mul3A_1924 : vector<224x224xf32>
    %get3A_1926 = arith.constant 33 : index
    %get3A_1927 = memref.load %arg6[%get3A_1926] : memref<216xf32, #tpu.memory_space<smem>>
    %mul3A_1928 = vector.broadcast %get3A_1927 : f32 to vector<224x224xf32>
    %mul3A_1929 = arith.mulf %get3A_1920, %mul3A_1928 : vector<224x224xf32>
    %add3A_1930 = arith.addf %add3A_1884, %mul3A_1929 : vector<224x224xf32>
    %get3A_1931 = arith.constant 60 : index
    %get3A_1932 = memref.load %arg6[%get3A_1931] : memref<216xf32, #tpu.memory_space<smem>>
    %mul3A_1933 = vector.broadcast %get3A_1932 : f32 to vector<224x224xf32>
    %mul3A_1934 = arith.mulf %get3A_1920, %mul3A_1933 : vector<224x224xf32>
    %add3A_1935 = arith.addf %add3A_1889, %mul3A_1934 : vector<224x224xf32>
    %get3A_1936 = arith.constant 87 : index
    %get3A_1937 = memref.load %arg6[%get3A_1936] : memref<216xf32, #tpu.memory_space<smem>>
    %mul3A_1938 = vector.broadcast %get3A_1937 : f32 to vector<224x224xf32>
    %mul3A_1939 = arith.mulf %get3A_1920, %mul3A_1938 : vector<224x224xf32>
    %add3A_1940 = arith.addf %add3A_1894, %mul3A_1939 : vector<224x224xf32>
    %get3A_1941 = arith.constant 114 : index
    %get3A_1942 = memref.load %arg6[%get3A_1941] : memref<216xf32, #tpu.memory_space<smem>>
    %mul3A_1943 = vector.broadcast %get3A_1942 : f32 to vector<224x224xf32>
    %mul3A_1944 = arith.mulf %get3A_1920, %mul3A_1943 : vector<224x224xf32>
    %add3A_1945 = arith.addf %add3A_1899, %mul3A_1944 : vector<224x224xf32>
    %get3A_1946 = arith.constant 141 : index
    %get3A_1947 = memref.load %arg6[%get3A_1946] : memref<216xf32, #tpu.memory_space<smem>>
    %mul3A_1948 = vector.broadcast %get3A_1947 : f32 to vector<224x224xf32>
    %mul3A_1949 = arith.mulf %get3A_1920, %mul3A_1948 : vector<224x224xf32>
    %add3A_1950 = arith.addf %add3A_1904, %mul3A_1949 : vector<224x224xf32>
    %get3A_1951 = arith.constant 168 : index
    %get3A_1952 = memref.load %arg6[%get3A_1951] : memref<216xf32, #tpu.memory_space<smem>>
    %mul3A_1953 = vector.broadcast %get3A_1952 : f32 to vector<224x224xf32>
    %mul3A_1954 = arith.mulf %get3A_1920, %mul3A_1953 : vector<224x224xf32>
    %add3A_1955 = arith.addf %add3A_1909, %mul3A_1954 : vector<224x224xf32>
    %get3A_1956 = arith.constant 195 : index
    %get3A_1957 = memref.load %arg6[%get3A_1956] : memref<216xf32, #tpu.memory_space<smem>>
    %mul3A_1958 = vector.broadcast %get3A_1957 : f32 to vector<224x224xf32>
    %mul3A_1959 = arith.mulf %get3A_1920, %mul3A_1958 : vector<224x224xf32>
    %add3A_1960 = arith.addf %add3A_1914, %mul3A_1959 : vector<224x224xf32>
    %get3A_1961 = arith.constant 0 : index
    %get3A_1962 = arith.constant 1 : index
    %get3A_1963 = arith.constant 2 : index
    %get3A_1964 = arith.constant 0 : index
    %get3A_1965 = vector.load %arg10[%get3A_1961, %get3A_1962, %get3A_1963, %get3A_1964] : memref<3x3x226x224xf32, #tpu.memory_space<vmem>>, vector<1x1x224x224xf32>
    %get3A_1966 = vector.shape_cast %get3A_1965 : vector<1x1x224x224xf32> to vector<224x224xf32>
    %get3A_1967 = arith.constant 7 : index
    %get3A_1968 = memref.load %arg6[%get3A_1967] : memref<216xf32, #tpu.memory_space<smem>>
    %mul3A_1969 = vector.broadcast %get3A_1968 : f32 to vector<224x224xf32>
    %mul3A_1970 = arith.mulf %get3A_1966, %mul3A_1969 : vector<224x224xf32>
    %add3A_1971 = arith.addf %add3A_1925, %mul3A_1970 : vector<224x224xf32>
    %get3A_1972 = arith.constant 34 : index
    %get3A_1973 = memref.load %arg6[%get3A_1972] : memref<216xf32, #tpu.memory_space<smem>>
    %mul3A_1974 = vector.broadcast %get3A_1973 : f32 to vector<224x224xf32>
    %mul3A_1975 = arith.mulf %get3A_1966, %mul3A_1974 : vector<224x224xf32>
    %add3A_1976 = arith.addf %add3A_1930, %mul3A_1975 : vector<224x224xf32>
    %get3A_1977 = arith.constant 61 : index
    %get3A_1978 = memref.load %arg6[%get3A_1977] : memref<216xf32, #tpu.memory_space<smem>>
    %mul3A_1979 = vector.broadcast %get3A_1978 : f32 to vector<224x224xf32>
    %mul3A_1980 = arith.mulf %get3A_1966, %mul3A_1979 : vector<224x224xf32>
    %add3A_1981 = arith.addf %add3A_1935, %mul3A_1980 : vector<224x224xf32>
    %get3A_1982 = arith.constant 88 : index
    %get3A_1983 = memref.load %arg6[%get3A_1982] : memref<216xf32, #tpu.memory_space<smem>>
    %mul3A_1984 = vector.broadcast %get3A_1983 : f32 to vector<224x224xf32>
    %mul3A_1985 = arith.mulf %get3A_1966, %mul3A_1984 : vector<224x224xf32>
    %add3A_1986 = arith.addf %add3A_1940, %mul3A_1985 : vector<224x224xf32>
    %get3A_1987 = arith.constant 115 : index
    %get3A_1988 = memref.load %arg6[%get3A_1987] : memref<216xf32, #tpu.memory_space<smem>>
    %mul3A_1989 = vector.broadcast %get3A_1988 : f32 to vector<224x224xf32>
    %mul3A_1990 = arith.mulf %get3A_1966, %mul3A_1989 : vector<224x224xf32>
    %add3A_1991 = arith.addf %add3A_1945, %mul3A_1990 : vector<224x224xf32>
    %get3A_1992 = arith.constant 142 : index
    %get3A_1993 = memref.load %arg6[%get3A_1992] : memref<216xf32, #tpu.memory_space<smem>>
    %mul3A_1994 = vector.broadcast %get3A_1993 : f32 to vector<224x224xf32>
    %mul3A_1995 = arith.mulf %get3A_1966, %mul3A_1994 : vector<224x224xf32>
    %add3A_1996 = arith.addf %add3A_1950, %mul3A_1995 : vector<224x224xf32>
    %get3A_1997 = arith.constant 169 : index
    %get3A_1998 = memref.load %arg6[%get3A_1997] : memref<216xf32, #tpu.memory_space<smem>>
    %mul3A_1999 = vector.broadcast %get3A_1998 : f32 to vector<224x224xf32>
    %mul3A_2000 = arith.mulf %get3A_1966, %mul3A_1999 : vector<224x224xf32>
    %add3A_2001 = arith.addf %add3A_1955, %mul3A_2000 : vector<224x224xf32>
    %get3A_2002 = arith.constant 196 : index
    %get3A_2003 = memref.load %arg6[%get3A_2002] : memref<216xf32, #tpu.memory_space<smem>>
    %mul3A_2004 = vector.broadcast %get3A_2003 : f32 to vector<224x224xf32>
    %mul3A_2005 = arith.mulf %get3A_1966, %mul3A_2004 : vector<224x224xf32>
    %add3A_2006 = arith.addf %add3A_1960, %mul3A_2005 : vector<224x224xf32>
    %get3A_2007 = arith.constant 0 : index
    %get3A_2008 = arith.constant 2 : index
    %get3A_2009 = arith.constant 2 : index
    %get3A_2010 = arith.constant 0 : index
    %get3A_2011 = vector.load %arg10[%get3A_2007, %get3A_2008, %get3A_2009, %get3A_2010] : memref<3x3x226x224xf32, #tpu.memory_space<vmem>>, vector<1x1x224x224xf32>
    %get3A_2012 = vector.shape_cast %get3A_2011 : vector<1x1x224x224xf32> to vector<224x224xf32>
    %get3A_2013 = arith.constant 8 : index
    %get3A_2014 = memref.load %arg6[%get3A_2013] : memref<216xf32, #tpu.memory_space<smem>>
    %mul3A_2015 = vector.broadcast %get3A_2014 : f32 to vector<224x224xf32>
    %mul3A_2016 = arith.mulf %get3A_2012, %mul3A_2015 : vector<224x224xf32>
    %add3A_2017 = arith.addf %add3A_1971, %mul3A_2016 : vector<224x224xf32>
    %get3A_2018 = arith.constant 35 : index
    %get3A_2019 = memref.load %arg6[%get3A_2018] : memref<216xf32, #tpu.memory_space<smem>>
    %mul3A_2020 = vector.broadcast %get3A_2019 : f32 to vector<224x224xf32>
    %mul3A_2021 = arith.mulf %get3A_2012, %mul3A_2020 : vector<224x224xf32>
    %add3A_2022 = arith.addf %add3A_1976, %mul3A_2021 : vector<224x224xf32>
    %get3A_2023 = arith.constant 62 : index
    %get3A_2024 = memref.load %arg6[%get3A_2023] : memref<216xf32, #tpu.memory_space<smem>>
    %mul3A_2025 = vector.broadcast %get3A_2024 : f32 to vector<224x224xf32>
    %mul3A_2026 = arith.mulf %get3A_2012, %mul3A_2025 : vector<224x224xf32>
    %add3A_2027 = arith.addf %add3A_1981, %mul3A_2026 : vector<224x224xf32>
    %get3A_2028 = arith.constant 89 : index
    %get3A_2029 = memref.load %arg6[%get3A_2028] : memref<216xf32, #tpu.memory_space<smem>>
    %mul3A_2030 = vector.broadcast %get3A_2029 : f32 to vector<224x224xf32>
    %mul3A_2031 = arith.mulf %get3A_2012, %mul3A_2030 : vector<224x224xf32>
    %add3A_2032 = arith.addf %add3A_1986, %mul3A_2031 : vector<224x224xf32>
    %get3A_2033 = arith.constant 116 : index
    %get3A_2034 = memref.load %arg6[%get3A_2033] : memref<216xf32, #tpu.memory_space<smem>>
    %mul3A_2035 = vector.broadcast %get3A_2034 : f32 to vector<224x224xf32>
    %mul3A_2036 = arith.mulf %get3A_2012, %mul3A_2035 : vector<224x224xf32>
    %add3A_2037 = arith.addf %add3A_1991, %mul3A_2036 : vector<224x224xf32>
    %get3A_2038 = arith.constant 143 : index
    %get3A_2039 = memref.load %arg6[%get3A_2038] : memref<216xf32, #tpu.memory_space<smem>>
    %mul3A_2040 = vector.broadcast %get3A_2039 : f32 to vector<224x224xf32>
    %mul3A_2041 = arith.mulf %get3A_2012, %mul3A_2040 : vector<224x224xf32>
    %add3A_2042 = arith.addf %add3A_1996, %mul3A_2041 : vector<224x224xf32>
    %get3A_2043 = arith.constant 170 : index
    %get3A_2044 = memref.load %arg6[%get3A_2043] : memref<216xf32, #tpu.memory_space<smem>>
    %mul3A_2045 = vector.broadcast %get3A_2044 : f32 to vector<224x224xf32>
    %mul3A_2046 = arith.mulf %get3A_2012, %mul3A_2045 : vector<224x224xf32>
    %add3A_2047 = arith.addf %add3A_2001, %mul3A_2046 : vector<224x224xf32>
    %get3A_2048 = arith.constant 197 : index
    %get3A_2049 = memref.load %arg6[%get3A_2048] : memref<216xf32, #tpu.memory_space<smem>>
    %mul3A_2050 = vector.broadcast %get3A_2049 : f32 to vector<224x224xf32>
    %mul3A_2051 = arith.mulf %get3A_2012, %mul3A_2050 : vector<224x224xf32>
    %add3A_2052 = arith.addf %add3A_2006, %mul3A_2051 : vector<224x224xf32>
    %get3A_2053 = arith.constant 1 : index
    %get3A_2054 = arith.constant 0 : index
    %get3A_2055 = arith.constant 0 : index
    %get3A_2056 = arith.constant 0 : index
    %get3A_2057 = vector.load %arg10[%get3A_2053, %get3A_2054, %get3A_2055, %get3A_2056] : memref<3x3x226x224xf32, #tpu.memory_space<vmem>>, vector<1x1x224x224xf32>
    %get3A_2058 = vector.shape_cast %get3A_2057 : vector<1x1x224x224xf32> to vector<224x224xf32>
    %get3A_2059 = arith.constant 9 : index
    %get3A_2060 = memref.load %arg6[%get3A_2059] : memref<216xf32, #tpu.memory_space<smem>>
    %mul3A_2061 = vector.broadcast %get3A_2060 : f32 to vector<224x224xf32>
    %mul3A_2062 = arith.mulf %get3A_2058, %mul3A_2061 : vector<224x224xf32>
    %add3A_2063 = arith.addf %add3A_2017, %mul3A_2062 : vector<224x224xf32>
    %get3A_2064 = arith.constant 36 : index
    %get3A_2065 = memref.load %arg6[%get3A_2064] : memref<216xf32, #tpu.memory_space<smem>>
    %mul3A_2066 = vector.broadcast %get3A_2065 : f32 to vector<224x224xf32>
    %mul3A_2067 = arith.mulf %get3A_2058, %mul3A_2066 : vector<224x224xf32>
    %add3A_2068 = arith.addf %add3A_2022, %mul3A_2067 : vector<224x224xf32>
    %get3A_2069 = arith.constant 63 : index
    %get3A_2070 = memref.load %arg6[%get3A_2069] : memref<216xf32, #tpu.memory_space<smem>>
    %mul3A_2071 = vector.broadcast %get3A_2070 : f32 to vector<224x224xf32>
    %mul3A_2072 = arith.mulf %get3A_2058, %mul3A_2071 : vector<224x224xf32>
    %add3A_2073 = arith.addf %add3A_2027, %mul3A_2072 : vector<224x224xf32>
    %get3A_2074 = arith.constant 90 : index
    %get3A_2075 = memref.load %arg6[%get3A_2074] : memref<216xf32, #tpu.memory_space<smem>>
    %mul3A_2076 = vector.broadcast %get3A_2075 : f32 to vector<224x224xf32>
    %mul3A_2077 = arith.mulf %get3A_2058, %mul3A_2076 : vector<224x224xf32>
    %add3A_2078 = arith.addf %add3A_2032, %mul3A_2077 : vector<224x224xf32>
    %get3A_2079 = arith.constant 117 : index
    %get3A_2080 = memref.load %arg6[%get3A_2079] : memref<216xf32, #tpu.memory_space<smem>>
    %mul3A_2081 = vector.broadcast %get3A_2080 : f32 to vector<224x224xf32>
    %mul3A_2082 = arith.mulf %get3A_2058, %mul3A_2081 : vector<224x224xf32>
    %add3A_2083 = arith.addf %add3A_2037, %mul3A_2082 : vector<224x224xf32>
    %get3A_2084 = arith.constant 144 : index
    %get3A_2085 = memref.load %arg6[%get3A_2084] : memref<216xf32, #tpu.memory_space<smem>>
    %mul3A_2086 = vector.broadcast %get3A_2085 : f32 to vector<224x224xf32>
    %mul3A_2087 = arith.mulf %get3A_2058, %mul3A_2086 : vector<224x224xf32>
    %add3A_2088 = arith.addf %add3A_2042, %mul3A_2087 : vector<224x224xf32>
    %get3A_2089 = arith.constant 171 : index
    %get3A_2090 = memref.load %arg6[%get3A_2089] : memref<216xf32, #tpu.memory_space<smem>>
    %mul3A_2091 = vector.broadcast %get3A_2090 : f32 to vector<224x224xf32>
    %mul3A_2092 = arith.mulf %get3A_2058, %mul3A_2091 : vector<224x224xf32>
    %add3A_2093 = arith.addf %add3A_2047, %mul3A_2092 : vector<224x224xf32>
    %get3A_2094 = arith.constant 198 : index
    %get3A_2095 = memref.load %arg6[%get3A_2094] : memref<216xf32, #tpu.memory_space<smem>>
    %mul3A_2096 = vector.broadcast %get3A_2095 : f32 to vector<224x224xf32>
    %mul3A_2097 = arith.mulf %get3A_2058, %mul3A_2096 : vector<224x224xf32>
    %add3A_2098 = arith.addf %add3A_2052, %mul3A_2097 : vector<224x224xf32>
    %get3A_2099 = arith.constant 1 : index
    %get3A_2100 = arith.constant 1 : index
    %get3A_2101 = arith.constant 0 : index
    %get3A_2102 = arith.constant 0 : index
    %get3A_2103 = vector.load %arg10[%get3A_2099, %get3A_2100, %get3A_2101, %get3A_2102] : memref<3x3x226x224xf32, #tpu.memory_space<vmem>>, vector<1x1x224x224xf32>
    %get3A_2104 = vector.shape_cast %get3A_2103 : vector<1x1x224x224xf32> to vector<224x224xf32>
    %get3A_2105 = arith.constant 10 : index
    %get3A_2106 = memref.load %arg6[%get3A_2105] : memref<216xf32, #tpu.memory_space<smem>>
    %mul3A_2107 = vector.broadcast %get3A_2106 : f32 to vector<224x224xf32>
    %mul3A_2108 = arith.mulf %get3A_2104, %mul3A_2107 : vector<224x224xf32>
    %add3A_2109 = arith.addf %add3A_2063, %mul3A_2108 : vector<224x224xf32>
    %get3A_2110 = arith.constant 37 : index
    %get3A_2111 = memref.load %arg6[%get3A_2110] : memref<216xf32, #tpu.memory_space<smem>>
    %mul3A_2112 = vector.broadcast %get3A_2111 : f32 to vector<224x224xf32>
    %mul3A_2113 = arith.mulf %get3A_2104, %mul3A_2112 : vector<224x224xf32>
    %add3A_2114 = arith.addf %add3A_2068, %mul3A_2113 : vector<224x224xf32>
    %get3A_2115 = arith.constant 64 : index
    %get3A_2116 = memref.load %arg6[%get3A_2115] : memref<216xf32, #tpu.memory_space<smem>>
    %mul3A_2117 = vector.broadcast %get3A_2116 : f32 to vector<224x224xf32>
    %mul3A_2118 = arith.mulf %get3A_2104, %mul3A_2117 : vector<224x224xf32>
    %add3A_2119 = arith.addf %add3A_2073, %mul3A_2118 : vector<224x224xf32>
    %get3A_2120 = arith.constant 91 : index
    %get3A_2121 = memref.load %arg6[%get3A_2120] : memref<216xf32, #tpu.memory_space<smem>>
    %mul3A_2122 = vector.broadcast %get3A_2121 : f32 to vector<224x224xf32>
    %mul3A_2123 = arith.mulf %get3A_2104, %mul3A_2122 : vector<224x224xf32>
    %add3A_2124 = arith.addf %add3A_2078, %mul3A_2123 : vector<224x224xf32>
    %get3A_2125 = arith.constant 118 : index
    %get3A_2126 = memref.load %arg6[%get3A_2125] : memref<216xf32, #tpu.memory_space<smem>>
    %mul3A_2127 = vector.broadcast %get3A_2126 : f32 to vector<224x224xf32>
    %mul3A_2128 = arith.mulf %get3A_2104, %mul3A_2127 : vector<224x224xf32>
    %add3A_2129 = arith.addf %add3A_2083, %mul3A_2128 : vector<224x224xf32>
    %get3A_2130 = arith.constant 145 : index
    %get3A_2131 = memref.load %arg6[%get3A_2130] : memref<216xf32, #tpu.memory_space<smem>>
    %mul3A_2132 = vector.broadcast %get3A_2131 : f32 to vector<224x224xf32>
    %mul3A_2133 = arith.mulf %get3A_2104, %mul3A_2132 : vector<224x224xf32>
    %add3A_2134 = arith.addf %add3A_2088, %mul3A_2133 : vector<224x224xf32>
    %get3A_2135 = arith.constant 172 : index
    %get3A_2136 = memref.load %arg6[%get3A_2135] : memref<216xf32, #tpu.memory_space<smem>>
    %mul3A_2137 = vector.broadcast %get3A_2136 : f32 to vector<224x224xf32>
    %mul3A_2138 = arith.mulf %get3A_2104, %mul3A_2137 : vector<224x224xf32>
    %add3A_2139 = arith.addf %add3A_2093, %mul3A_2138 : vector<224x224xf32>
    %get3A_2140 = arith.constant 199 : index
    %get3A_2141 = memref.load %arg6[%get3A_2140] : memref<216xf32, #tpu.memory_space<smem>>
    %mul3A_2142 = vector.broadcast %get3A_2141 : f32 to vector<224x224xf32>
    %mul3A_2143 = arith.mulf %get3A_2104, %mul3A_2142 : vector<224x224xf32>
    %add3A_2144 = arith.addf %add3A_2098, %mul3A_2143 : vector<224x224xf32>
    %get3A_2145 = arith.constant 1 : index
    %get3A_2146 = arith.constant 2 : index
    %get3A_2147 = arith.constant 0 : index
    %get3A_2148 = arith.constant 0 : index
    %get3A_2149 = vector.load %arg10[%get3A_2145, %get3A_2146, %get3A_2147, %get3A_2148] : memref<3x3x226x224xf32, #tpu.memory_space<vmem>>, vector<1x1x224x224xf32>
    %get3A_2150 = vector.shape_cast %get3A_2149 : vector<1x1x224x224xf32> to vector<224x224xf32>
    %get3A_2151 = arith.constant 11 : index
    %get3A_2152 = memref.load %arg6[%get3A_2151] : memref<216xf32, #tpu.memory_space<smem>>
    %mul3A_2153 = vector.broadcast %get3A_2152 : f32 to vector<224x224xf32>
    %mul3A_2154 = arith.mulf %get3A_2150, %mul3A_2153 : vector<224x224xf32>
    %add3A_2155 = arith.addf %add3A_2109, %mul3A_2154 : vector<224x224xf32>
    %get3A_2156 = arith.constant 38 : index
    %get3A_2157 = memref.load %arg6[%get3A_2156] : memref<216xf32, #tpu.memory_space<smem>>
    %mul3A_2158 = vector.broadcast %get3A_2157 : f32 to vector<224x224xf32>
    %mul3A_2159 = arith.mulf %get3A_2150, %mul3A_2158 : vector<224x224xf32>
    %add3A_2160 = arith.addf %add3A_2114, %mul3A_2159 : vector<224x224xf32>
    %get3A_2161 = arith.constant 65 : index
    %get3A_2162 = memref.load %arg6[%get3A_2161] : memref<216xf32, #tpu.memory_space<smem>>
    %mul3A_2163 = vector.broadcast %get3A_2162 : f32 to vector<224x224xf32>
    %mul3A_2164 = arith.mulf %get3A_2150, %mul3A_2163 : vector<224x224xf32>
    %add3A_2165 = arith.addf %add3A_2119, %mul3A_2164 : vector<224x224xf32>
    %get3A_2166 = arith.constant 92 : index
    %get3A_2167 = memref.load %arg6[%get3A_2166] : memref<216xf32, #tpu.memory_space<smem>>
    %mul3A_2168 = vector.broadcast %get3A_2167 : f32 to vector<224x224xf32>
    %mul3A_2169 = arith.mulf %get3A_2150, %mul3A_2168 : vector<224x224xf32>
    %add3A_2170 = arith.addf %add3A_2124, %mul3A_2169 : vector<224x224xf32>
    %get3A_2171 = arith.constant 119 : index
    %get3A_2172 = memref.load %arg6[%get3A_2171] : memref<216xf32, #tpu.memory_space<smem>>
    %mul3A_2173 = vector.broadcast %get3A_2172 : f32 to vector<224x224xf32>
    %mul3A_2174 = arith.mulf %get3A_2150, %mul3A_2173 : vector<224x224xf32>
    %add3A_2175 = arith.addf %add3A_2129, %mul3A_2174 : vector<224x224xf32>
    %get3A_2176 = arith.constant 146 : index
    %get3A_2177 = memref.load %arg6[%get3A_2176] : memref<216xf32, #tpu.memory_space<smem>>
    %mul3A_2178 = vector.broadcast %get3A_2177 : f32 to vector<224x224xf32>
    %mul3A_2179 = arith.mulf %get3A_2150, %mul3A_2178 : vector<224x224xf32>
    %add3A_2180 = arith.addf %add3A_2134, %mul3A_2179 : vector<224x224xf32>
    %get3A_2181 = arith.constant 173 : index
    %get3A_2182 = memref.load %arg6[%get3A_2181] : memref<216xf32, #tpu.memory_space<smem>>
    %mul3A_2183 = vector.broadcast %get3A_2182 : f32 to vector<224x224xf32>
    %mul3A_2184 = arith.mulf %get3A_2150, %mul3A_2183 : vector<224x224xf32>
    %add3A_2185 = arith.addf %add3A_2139, %mul3A_2184 : vector<224x224xf32>
    %get3A_2186 = arith.constant 200 : index
    %get3A_2187 = memref.load %arg6[%get3A_2186] : memref<216xf32, #tpu.memory_space<smem>>
    %mul3A_2188 = vector.broadcast %get3A_2187 : f32 to vector<224x224xf32>
    %mul3A_2189 = arith.mulf %get3A_2150, %mul3A_2188 : vector<224x224xf32>
    %add3A_2190 = arith.addf %add3A_2144, %mul3A_2189 : vector<224x224xf32>
    %get3A_2191 = arith.constant 1 : index
    %get3A_2192 = arith.constant 0 : index
    %get3A_2193 = arith.constant 1 : index
    %get3A_2194 = arith.constant 0 : index
    %get3A_2195 = vector.load %arg10[%get3A_2191, %get3A_2192, %get3A_2193, %get3A_2194] : memref<3x3x226x224xf32, #tpu.memory_space<vmem>>, vector<1x1x224x224xf32>
    %get3A_2196 = vector.shape_cast %get3A_2195 : vector<1x1x224x224xf32> to vector<224x224xf32>
    %get3A_2197 = arith.constant 12 : index
    %get3A_2198 = memref.load %arg6[%get3A_2197] : memref<216xf32, #tpu.memory_space<smem>>
    %mul3A_2199 = vector.broadcast %get3A_2198 : f32 to vector<224x224xf32>
    %mul3A_2200 = arith.mulf %get3A_2196, %mul3A_2199 : vector<224x224xf32>
    %add3A_2201 = arith.addf %add3A_2155, %mul3A_2200 : vector<224x224xf32>
    %get3A_2202 = arith.constant 39 : index
    %get3A_2203 = memref.load %arg6[%get3A_2202] : memref<216xf32, #tpu.memory_space<smem>>
    %mul3A_2204 = vector.broadcast %get3A_2203 : f32 to vector<224x224xf32>
    %mul3A_2205 = arith.mulf %get3A_2196, %mul3A_2204 : vector<224x224xf32>
    %add3A_2206 = arith.addf %add3A_2160, %mul3A_2205 : vector<224x224xf32>
    %get3A_2207 = arith.constant 66 : index
    %get3A_2208 = memref.load %arg6[%get3A_2207] : memref<216xf32, #tpu.memory_space<smem>>
    %mul3A_2209 = vector.broadcast %get3A_2208 : f32 to vector<224x224xf32>
    %mul3A_2210 = arith.mulf %get3A_2196, %mul3A_2209 : vector<224x224xf32>
    %add3A_2211 = arith.addf %add3A_2165, %mul3A_2210 : vector<224x224xf32>
    %get3A_2212 = arith.constant 93 : index
    %get3A_2213 = memref.load %arg6[%get3A_2212] : memref<216xf32, #tpu.memory_space<smem>>
    %mul3A_2214 = vector.broadcast %get3A_2213 : f32 to vector<224x224xf32>
    %mul3A_2215 = arith.mulf %get3A_2196, %mul3A_2214 : vector<224x224xf32>
    %add3A_2216 = arith.addf %add3A_2170, %mul3A_2215 : vector<224x224xf32>
    %get3A_2217 = arith.constant 120 : index
    %get3A_2218 = memref.load %arg6[%get3A_2217] : memref<216xf32, #tpu.memory_space<smem>>
    %mul3A_2219 = vector.broadcast %get3A_2218 : f32 to vector<224x224xf32>
    %mul3A_2220 = arith.mulf %get3A_2196, %mul3A_2219 : vector<224x224xf32>
    %add3A_2221 = arith.addf %add3A_2175, %mul3A_2220 : vector<224x224xf32>
    %get3A_2222 = arith.constant 147 : index
    %get3A_2223 = memref.load %arg6[%get3A_2222] : memref<216xf32, #tpu.memory_space<smem>>
    %mul3A_2224 = vector.broadcast %get3A_2223 : f32 to vector<224x224xf32>
    %mul3A_2225 = arith.mulf %get3A_2196, %mul3A_2224 : vector<224x224xf32>
    %add3A_2226 = arith.addf %add3A_2180, %mul3A_2225 : vector<224x224xf32>
    %get3A_2227 = arith.constant 174 : index
    %get3A_2228 = memref.load %arg6[%get3A_2227] : memref<216xf32, #tpu.memory_space<smem>>
    %mul3A_2229 = vector.broadcast %get3A_2228 : f32 to vector<224x224xf32>
    %mul3A_2230 = arith.mulf %get3A_2196, %mul3A_2229 : vector<224x224xf32>
    %add3A_2231 = arith.addf %add3A_2185, %mul3A_2230 : vector<224x224xf32>
    %get3A_2232 = arith.constant 201 : index
    %get3A_2233 = memref.load %arg6[%get3A_2232] : memref<216xf32, #tpu.memory_space<smem>>
    %mul3A_2234 = vector.broadcast %get3A_2233 : f32 to vector<224x224xf32>
    %mul3A_2235 = arith.mulf %get3A_2196, %mul3A_2234 : vector<224x224xf32>
    %add3A_2236 = arith.addf %add3A_2190, %mul3A_2235 : vector<224x224xf32>
    %get3A_2237 = arith.constant 1 : index
    %get3A_2238 = arith.constant 1 : index
    %get3A_2239 = arith.constant 1 : index
    %get3A_2240 = arith.constant 0 : index
    %get3A_2241 = vector.load %arg10[%get3A_2237, %get3A_2238, %get3A_2239, %get3A_2240] : memref<3x3x226x224xf32, #tpu.memory_space<vmem>>, vector<1x1x224x224xf32>
    %get3A_2242 = vector.shape_cast %get3A_2241 : vector<1x1x224x224xf32> to vector<224x224xf32>
    %get3A_2243 = arith.constant 13 : index
    %get3A_2244 = memref.load %arg6[%get3A_2243] : memref<216xf32, #tpu.memory_space<smem>>
    %mul3A_2245 = vector.broadcast %get3A_2244 : f32 to vector<224x224xf32>
    %mul3A_2246 = arith.mulf %get3A_2242, %mul3A_2245 : vector<224x224xf32>
    %add3A_2247 = arith.addf %add3A_2201, %mul3A_2246 : vector<224x224xf32>
    %get3A_2248 = arith.constant 40 : index
    %get3A_2249 = memref.load %arg6[%get3A_2248] : memref<216xf32, #tpu.memory_space<smem>>
    %mul3A_2250 = vector.broadcast %get3A_2249 : f32 to vector<224x224xf32>
    %mul3A_2251 = arith.mulf %get3A_2242, %mul3A_2250 : vector<224x224xf32>
    %add3A_2252 = arith.addf %add3A_2206, %mul3A_2251 : vector<224x224xf32>
    %get3A_2253 = arith.constant 67 : index
    %get3A_2254 = memref.load %arg6[%get3A_2253] : memref<216xf32, #tpu.memory_space<smem>>
    %mul3A_2255 = vector.broadcast %get3A_2254 : f32 to vector<224x224xf32>
    %mul3A_2256 = arith.mulf %get3A_2242, %mul3A_2255 : vector<224x224xf32>
    %add3A_2257 = arith.addf %add3A_2211, %mul3A_2256 : vector<224x224xf32>
    %get3A_2258 = arith.constant 94 : index
    %get3A_2259 = memref.load %arg6[%get3A_2258] : memref<216xf32, #tpu.memory_space<smem>>
    %mul3A_2260 = vector.broadcast %get3A_2259 : f32 to vector<224x224xf32>
    %mul3A_2261 = arith.mulf %get3A_2242, %mul3A_2260 : vector<224x224xf32>
    %add3A_2262 = arith.addf %add3A_2216, %mul3A_2261 : vector<224x224xf32>
    %get3A_2263 = arith.constant 121 : index
    %get3A_2264 = memref.load %arg6[%get3A_2263] : memref<216xf32, #tpu.memory_space<smem>>
    %mul3A_2265 = vector.broadcast %get3A_2264 : f32 to vector<224x224xf32>
    %mul3A_2266 = arith.mulf %get3A_2242, %mul3A_2265 : vector<224x224xf32>
    %add3A_2267 = arith.addf %add3A_2221, %mul3A_2266 : vector<224x224xf32>
    %get3A_2268 = arith.constant 148 : index
    %get3A_2269 = memref.load %arg6[%get3A_2268] : memref<216xf32, #tpu.memory_space<smem>>
    %mul3A_2270 = vector.broadcast %get3A_2269 : f32 to vector<224x224xf32>
    %mul3A_2271 = arith.mulf %get3A_2242, %mul3A_2270 : vector<224x224xf32>
    %add3A_2272 = arith.addf %add3A_2226, %mul3A_2271 : vector<224x224xf32>
    %get3A_2273 = arith.constant 175 : index
    %get3A_2274 = memref.load %arg6[%get3A_2273] : memref<216xf32, #tpu.memory_space<smem>>
    %mul3A_2275 = vector.broadcast %get3A_2274 : f32 to vector<224x224xf32>
    %mul3A_2276 = arith.mulf %get3A_2242, %mul3A_2275 : vector<224x224xf32>
    %add3A_2277 = arith.addf %add3A_2231, %mul3A_2276 : vector<224x224xf32>
    %get3A_2278 = arith.constant 202 : index
    %get3A_2279 = memref.load %arg6[%get3A_2278] : memref<216xf32, #tpu.memory_space<smem>>
    %mul3A_2280 = vector.broadcast %get3A_2279 : f32 to vector<224x224xf32>
    %mul3A_2281 = arith.mulf %get3A_2242, %mul3A_2280 : vector<224x224xf32>
    %add3A_2282 = arith.addf %add3A_2236, %mul3A_2281 : vector<224x224xf32>
    %get3A_2283 = arith.constant 1 : index
    %get3A_2284 = arith.constant 2 : index
    %get3A_2285 = arith.constant 1 : index
    %get3A_2286 = arith.constant 0 : index
    %get3A_2287 = vector.load %arg10[%get3A_2283, %get3A_2284, %get3A_2285, %get3A_2286] : memref<3x3x226x224xf32, #tpu.memory_space<vmem>>, vector<1x1x224x224xf32>
    %get3A_2288 = vector.shape_cast %get3A_2287 : vector<1x1x224x224xf32> to vector<224x224xf32>
    %get3A_2289 = arith.constant 14 : index
    %get3A_2290 = memref.load %arg6[%get3A_2289] : memref<216xf32, #tpu.memory_space<smem>>
    %mul3A_2291 = vector.broadcast %get3A_2290 : f32 to vector<224x224xf32>
    %mul3A_2292 = arith.mulf %get3A_2288, %mul3A_2291 : vector<224x224xf32>
    %add3A_2293 = arith.addf %add3A_2247, %mul3A_2292 : vector<224x224xf32>
    %get3A_2294 = arith.constant 41 : index
    %get3A_2295 = memref.load %arg6[%get3A_2294] : memref<216xf32, #tpu.memory_space<smem>>
    %mul3A_2296 = vector.broadcast %get3A_2295 : f32 to vector<224x224xf32>
    %mul3A_2297 = arith.mulf %get3A_2288, %mul3A_2296 : vector<224x224xf32>
    %add3A_2298 = arith.addf %add3A_2252, %mul3A_2297 : vector<224x224xf32>
    %get3A_2299 = arith.constant 68 : index
    %get3A_2300 = memref.load %arg6[%get3A_2299] : memref<216xf32, #tpu.memory_space<smem>>
    %mul3A_2301 = vector.broadcast %get3A_2300 : f32 to vector<224x224xf32>
    %mul3A_2302 = arith.mulf %get3A_2288, %mul3A_2301 : vector<224x224xf32>
    %add3A_2303 = arith.addf %add3A_2257, %mul3A_2302 : vector<224x224xf32>
    %get3A_2304 = arith.constant 95 : index
    %get3A_2305 = memref.load %arg6[%get3A_2304] : memref<216xf32, #tpu.memory_space<smem>>
    %mul3A_2306 = vector.broadcast %get3A_2305 : f32 to vector<224x224xf32>
    %mul3A_2307 = arith.mulf %get3A_2288, %mul3A_2306 : vector<224x224xf32>
    %add3A_2308 = arith.addf %add3A_2262, %mul3A_2307 : vector<224x224xf32>
    %get3A_2309 = arith.constant 122 : index
    %get3A_2310 = memref.load %arg6[%get3A_2309] : memref<216xf32, #tpu.memory_space<smem>>
    %mul3A_2311 = vector.broadcast %get3A_2310 : f32 to vector<224x224xf32>
    %mul3A_2312 = arith.mulf %get3A_2288, %mul3A_2311 : vector<224x224xf32>
    %add3A_2313 = arith.addf %add3A_2267, %mul3A_2312 : vector<224x224xf32>
    %get3A_2314 = arith.constant 149 : index
    %get3A_2315 = memref.load %arg6[%get3A_2314] : memref<216xf32, #tpu.memory_space<smem>>
    %mul3A_2316 = vector.broadcast %get3A_2315 : f32 to vector<224x224xf32>
    %mul3A_2317 = arith.mulf %get3A_2288, %mul3A_2316 : vector<224x224xf32>
    %add3A_2318 = arith.addf %add3A_2272, %mul3A_2317 : vector<224x224xf32>
    %get3A_2319 = arith.constant 176 : index
    %get3A_2320 = memref.load %arg6[%get3A_2319] : memref<216xf32, #tpu.memory_space<smem>>
    %mul3A_2321 = vector.broadcast %get3A_2320 : f32 to vector<224x224xf32>
    %mul3A_2322 = arith.mulf %get3A_2288, %mul3A_2321 : vector<224x224xf32>
    %add3A_2323 = arith.addf %add3A_2277, %mul3A_2322 : vector<224x224xf32>
    %get3A_2324 = arith.constant 203 : index
    %get3A_2325 = memref.load %arg6[%get3A_2324] : memref<216xf32, #tpu.memory_space<smem>>
    %mul3A_2326 = vector.broadcast %get3A_2325 : f32 to vector<224x224xf32>
    %mul3A_2327 = arith.mulf %get3A_2288, %mul3A_2326 : vector<224x224xf32>
    %add3A_2328 = arith.addf %add3A_2282, %mul3A_2327 : vector<224x224xf32>
    %get3A_2329 = arith.constant 1 : index
    %get3A_2330 = arith.constant 0 : index
    %get3A_2331 = arith.constant 2 : index
    %get3A_2332 = arith.constant 0 : index
    %get3A_2333 = vector.load %arg10[%get3A_2329, %get3A_2330, %get3A_2331, %get3A_2332] : memref<3x3x226x224xf32, #tpu.memory_space<vmem>>, vector<1x1x224x224xf32>
    %get3A_2334 = vector.shape_cast %get3A_2333 : vector<1x1x224x224xf32> to vector<224x224xf32>
    %get3A_2335 = arith.constant 15 : index
    %get3A_2336 = memref.load %arg6[%get3A_2335] : memref<216xf32, #tpu.memory_space<smem>>
    %mul3A_2337 = vector.broadcast %get3A_2336 : f32 to vector<224x224xf32>
    %mul3A_2338 = arith.mulf %get3A_2334, %mul3A_2337 : vector<224x224xf32>
    %add3A_2339 = arith.addf %add3A_2293, %mul3A_2338 : vector<224x224xf32>
    %get3A_2340 = arith.constant 42 : index
    %get3A_2341 = memref.load %arg6[%get3A_2340] : memref<216xf32, #tpu.memory_space<smem>>
    %mul3A_2342 = vector.broadcast %get3A_2341 : f32 to vector<224x224xf32>
    %mul3A_2343 = arith.mulf %get3A_2334, %mul3A_2342 : vector<224x224xf32>
    %add3A_2344 = arith.addf %add3A_2298, %mul3A_2343 : vector<224x224xf32>
    %get3A_2345 = arith.constant 69 : index
    %get3A_2346 = memref.load %arg6[%get3A_2345] : memref<216xf32, #tpu.memory_space<smem>>
    %mul3A_2347 = vector.broadcast %get3A_2346 : f32 to vector<224x224xf32>
    %mul3A_2348 = arith.mulf %get3A_2334, %mul3A_2347 : vector<224x224xf32>
    %add3A_2349 = arith.addf %add3A_2303, %mul3A_2348 : vector<224x224xf32>
    %get3A_2350 = arith.constant 96 : index
    %get3A_2351 = memref.load %arg6[%get3A_2350] : memref<216xf32, #tpu.memory_space<smem>>
    %mul3A_2352 = vector.broadcast %get3A_2351 : f32 to vector<224x224xf32>
    %mul3A_2353 = arith.mulf %get3A_2334, %mul3A_2352 : vector<224x224xf32>
    %add3A_2354 = arith.addf %add3A_2308, %mul3A_2353 : vector<224x224xf32>
    %get3A_2355 = arith.constant 123 : index
    %get3A_2356 = memref.load %arg6[%get3A_2355] : memref<216xf32, #tpu.memory_space<smem>>
    %mul3A_2357 = vector.broadcast %get3A_2356 : f32 to vector<224x224xf32>
    %mul3A_2358 = arith.mulf %get3A_2334, %mul3A_2357 : vector<224x224xf32>
    %add3A_2359 = arith.addf %add3A_2313, %mul3A_2358 : vector<224x224xf32>
    %get3A_2360 = arith.constant 150 : index
    %get3A_2361 = memref.load %arg6[%get3A_2360] : memref<216xf32, #tpu.memory_space<smem>>
    %mul3A_2362 = vector.broadcast %get3A_2361 : f32 to vector<224x224xf32>
    %mul3A_2363 = arith.mulf %get3A_2334, %mul3A_2362 : vector<224x224xf32>
    %add3A_2364 = arith.addf %add3A_2318, %mul3A_2363 : vector<224x224xf32>
    %get3A_2365 = arith.constant 177 : index
    %get3A_2366 = memref.load %arg6[%get3A_2365] : memref<216xf32, #tpu.memory_space<smem>>
    %mul3A_2367 = vector.broadcast %get3A_2366 : f32 to vector<224x224xf32>
    %mul3A_2368 = arith.mulf %get3A_2334, %mul3A_2367 : vector<224x224xf32>
    %add3A_2369 = arith.addf %add3A_2323, %mul3A_2368 : vector<224x224xf32>
    %get3A_2370 = arith.constant 204 : index
    %get3A_2371 = memref.load %arg6[%get3A_2370] : memref<216xf32, #tpu.memory_space<smem>>
    %mul3A_2372 = vector.broadcast %get3A_2371 : f32 to vector<224x224xf32>
    %mul3A_2373 = arith.mulf %get3A_2334, %mul3A_2372 : vector<224x224xf32>
    %add3A_2374 = arith.addf %add3A_2328, %mul3A_2373 : vector<224x224xf32>
    %get3A_2375 = arith.constant 1 : index
    %get3A_2376 = arith.constant 1 : index
    %get3A_2377 = arith.constant 2 : index
    %get3A_2378 = arith.constant 0 : index
    %get3A_2379 = vector.load %arg10[%get3A_2375, %get3A_2376, %get3A_2377, %get3A_2378] : memref<3x3x226x224xf32, #tpu.memory_space<vmem>>, vector<1x1x224x224xf32>
    %get3A_2380 = vector.shape_cast %get3A_2379 : vector<1x1x224x224xf32> to vector<224x224xf32>
    %get3A_2381 = arith.constant 16 : index
    %get3A_2382 = memref.load %arg6[%get3A_2381] : memref<216xf32, #tpu.memory_space<smem>>
    %mul3A_2383 = vector.broadcast %get3A_2382 : f32 to vector<224x224xf32>
    %mul3A_2384 = arith.mulf %get3A_2380, %mul3A_2383 : vector<224x224xf32>
    %add3A_2385 = arith.addf %add3A_2339, %mul3A_2384 : vector<224x224xf32>
    %get3A_2386 = arith.constant 43 : index
    %get3A_2387 = memref.load %arg6[%get3A_2386] : memref<216xf32, #tpu.memory_space<smem>>
    %mul3A_2388 = vector.broadcast %get3A_2387 : f32 to vector<224x224xf32>
    %mul3A_2389 = arith.mulf %get3A_2380, %mul3A_2388 : vector<224x224xf32>
    %add3A_2390 = arith.addf %add3A_2344, %mul3A_2389 : vector<224x224xf32>
    %get3A_2391 = arith.constant 70 : index
    %get3A_2392 = memref.load %arg6[%get3A_2391] : memref<216xf32, #tpu.memory_space<smem>>
    %mul3A_2393 = vector.broadcast %get3A_2392 : f32 to vector<224x224xf32>
    %mul3A_2394 = arith.mulf %get3A_2380, %mul3A_2393 : vector<224x224xf32>
    %add3A_2395 = arith.addf %add3A_2349, %mul3A_2394 : vector<224x224xf32>
    %get3A_2396 = arith.constant 97 : index
    %get3A_2397 = memref.load %arg6[%get3A_2396] : memref<216xf32, #tpu.memory_space<smem>>
    %mul3A_2398 = vector.broadcast %get3A_2397 : f32 to vector<224x224xf32>
    %mul3A_2399 = arith.mulf %get3A_2380, %mul3A_2398 : vector<224x224xf32>
    %add3A_2400 = arith.addf %add3A_2354, %mul3A_2399 : vector<224x224xf32>
    %get3A_2401 = arith.constant 124 : index
    %get3A_2402 = memref.load %arg6[%get3A_2401] : memref<216xf32, #tpu.memory_space<smem>>
    %mul3A_2403 = vector.broadcast %get3A_2402 : f32 to vector<224x224xf32>
    %mul3A_2404 = arith.mulf %get3A_2380, %mul3A_2403 : vector<224x224xf32>
    %add3A_2405 = arith.addf %add3A_2359, %mul3A_2404 : vector<224x224xf32>
    %get3A_2406 = arith.constant 151 : index
    %get3A_2407 = memref.load %arg6[%get3A_2406] : memref<216xf32, #tpu.memory_space<smem>>
    %mul3A_2408 = vector.broadcast %get3A_2407 : f32 to vector<224x224xf32>
    %mul3A_2409 = arith.mulf %get3A_2380, %mul3A_2408 : vector<224x224xf32>
    %add3A_2410 = arith.addf %add3A_2364, %mul3A_2409 : vector<224x224xf32>
    %get3A_2411 = arith.constant 178 : index
    %get3A_2412 = memref.load %arg6[%get3A_2411] : memref<216xf32, #tpu.memory_space<smem>>
    %mul3A_2413 = vector.broadcast %get3A_2412 : f32 to vector<224x224xf32>
    %mul3A_2414 = arith.mulf %get3A_2380, %mul3A_2413 : vector<224x224xf32>
    %add3A_2415 = arith.addf %add3A_2369, %mul3A_2414 : vector<224x224xf32>
    %get3A_2416 = arith.constant 205 : index
    %get3A_2417 = memref.load %arg6[%get3A_2416] : memref<216xf32, #tpu.memory_space<smem>>
    %mul3A_2418 = vector.broadcast %get3A_2417 : f32 to vector<224x224xf32>
    %mul3A_2419 = arith.mulf %get3A_2380, %mul3A_2418 : vector<224x224xf32>
    %add3A_2420 = arith.addf %add3A_2374, %mul3A_2419 : vector<224x224xf32>
    %get3A_2421 = arith.constant 1 : index
    %get3A_2422 = arith.constant 2 : index
    %get3A_2423 = arith.constant 2 : index
    %get3A_2424 = arith.constant 0 : index
    %get3A_2425 = vector.load %arg10[%get3A_2421, %get3A_2422, %get3A_2423, %get3A_2424] : memref<3x3x226x224xf32, #tpu.memory_space<vmem>>, vector<1x1x224x224xf32>
    %get3A_2426 = vector.shape_cast %get3A_2425 : vector<1x1x224x224xf32> to vector<224x224xf32>
    %get3A_2427 = arith.constant 17 : index
    %get3A_2428 = memref.load %arg6[%get3A_2427] : memref<216xf32, #tpu.memory_space<smem>>
    %mul3A_2429 = vector.broadcast %get3A_2428 : f32 to vector<224x224xf32>
    %mul3A_2430 = arith.mulf %get3A_2426, %mul3A_2429 : vector<224x224xf32>
    %add3A_2431 = arith.addf %add3A_2385, %mul3A_2430 : vector<224x224xf32>
    %get3A_2432 = arith.constant 44 : index
    %get3A_2433 = memref.load %arg6[%get3A_2432] : memref<216xf32, #tpu.memory_space<smem>>
    %mul3A_2434 = vector.broadcast %get3A_2433 : f32 to vector<224x224xf32>
    %mul3A_2435 = arith.mulf %get3A_2426, %mul3A_2434 : vector<224x224xf32>
    %add3A_2436 = arith.addf %add3A_2390, %mul3A_2435 : vector<224x224xf32>
    %get3A_2437 = arith.constant 71 : index
    %get3A_2438 = memref.load %arg6[%get3A_2437] : memref<216xf32, #tpu.memory_space<smem>>
    %mul3A_2439 = vector.broadcast %get3A_2438 : f32 to vector<224x224xf32>
    %mul3A_2440 = arith.mulf %get3A_2426, %mul3A_2439 : vector<224x224xf32>
    %add3A_2441 = arith.addf %add3A_2395, %mul3A_2440 : vector<224x224xf32>
    %get3A_2442 = arith.constant 98 : index
    %get3A_2443 = memref.load %arg6[%get3A_2442] : memref<216xf32, #tpu.memory_space<smem>>
    %mul3A_2444 = vector.broadcast %get3A_2443 : f32 to vector<224x224xf32>
    %mul3A_2445 = arith.mulf %get3A_2426, %mul3A_2444 : vector<224x224xf32>
    %add3A_2446 = arith.addf %add3A_2400, %mul3A_2445 : vector<224x224xf32>
    %get3A_2447 = arith.constant 125 : index
    %get3A_2448 = memref.load %arg6[%get3A_2447] : memref<216xf32, #tpu.memory_space<smem>>
    %mul3A_2449 = vector.broadcast %get3A_2448 : f32 to vector<224x224xf32>
    %mul3A_2450 = arith.mulf %get3A_2426, %mul3A_2449 : vector<224x224xf32>
    %add3A_2451 = arith.addf %add3A_2405, %mul3A_2450 : vector<224x224xf32>
    %get3A_2452 = arith.constant 152 : index
    %get3A_2453 = memref.load %arg6[%get3A_2452] : memref<216xf32, #tpu.memory_space<smem>>
    %mul3A_2454 = vector.broadcast %get3A_2453 : f32 to vector<224x224xf32>
    %mul3A_2455 = arith.mulf %get3A_2426, %mul3A_2454 : vector<224x224xf32>
    %add3A_2456 = arith.addf %add3A_2410, %mul3A_2455 : vector<224x224xf32>
    %get3A_2457 = arith.constant 179 : index
    %get3A_2458 = memref.load %arg6[%get3A_2457] : memref<216xf32, #tpu.memory_space<smem>>
    %mul3A_2459 = vector.broadcast %get3A_2458 : f32 to vector<224x224xf32>
    %mul3A_2460 = arith.mulf %get3A_2426, %mul3A_2459 : vector<224x224xf32>
    %add3A_2461 = arith.addf %add3A_2415, %mul3A_2460 : vector<224x224xf32>
    %get3A_2462 = arith.constant 206 : index
    %get3A_2463 = memref.load %arg6[%get3A_2462] : memref<216xf32, #tpu.memory_space<smem>>
    %mul3A_2464 = vector.broadcast %get3A_2463 : f32 to vector<224x224xf32>
    %mul3A_2465 = arith.mulf %get3A_2426, %mul3A_2464 : vector<224x224xf32>
    %add3A_2466 = arith.addf %add3A_2420, %mul3A_2465 : vector<224x224xf32>
    %get3A_2467 = arith.constant 2 : index
    %get3A_2468 = arith.constant 0 : index
    %get3A_2469 = arith.constant 0 : index
    %get3A_2470 = arith.constant 0 : index
    %get3A_2471 = vector.load %arg10[%get3A_2467, %get3A_2468, %get3A_2469, %get3A_2470] : memref<3x3x226x224xf32, #tpu.memory_space<vmem>>, vector<1x1x224x224xf32>
    %get3A_2472 = vector.shape_cast %get3A_2471 : vector<1x1x224x224xf32> to vector<224x224xf32>
    %get3A_2473 = arith.constant 18 : index
    %get3A_2474 = memref.load %arg6[%get3A_2473] : memref<216xf32, #tpu.memory_space<smem>>
    %mul3A_2475 = vector.broadcast %get3A_2474 : f32 to vector<224x224xf32>
    %mul3A_2476 = arith.mulf %get3A_2472, %mul3A_2475 : vector<224x224xf32>
    %add3A_2477 = arith.addf %add3A_2431, %mul3A_2476 : vector<224x224xf32>
    %get3A_2478 = arith.constant 45 : index
    %get3A_2479 = memref.load %arg6[%get3A_2478] : memref<216xf32, #tpu.memory_space<smem>>
    %mul3A_2480 = vector.broadcast %get3A_2479 : f32 to vector<224x224xf32>
    %mul3A_2481 = arith.mulf %get3A_2472, %mul3A_2480 : vector<224x224xf32>
    %add3A_2482 = arith.addf %add3A_2436, %mul3A_2481 : vector<224x224xf32>
    %get3A_2483 = arith.constant 72 : index
    %get3A_2484 = memref.load %arg6[%get3A_2483] : memref<216xf32, #tpu.memory_space<smem>>
    %mul3A_2485 = vector.broadcast %get3A_2484 : f32 to vector<224x224xf32>
    %mul3A_2486 = arith.mulf %get3A_2472, %mul3A_2485 : vector<224x224xf32>
    %add3A_2487 = arith.addf %add3A_2441, %mul3A_2486 : vector<224x224xf32>
    %get3A_2488 = arith.constant 99 : index
    %get3A_2489 = memref.load %arg6[%get3A_2488] : memref<216xf32, #tpu.memory_space<smem>>
    %mul3A_2490 = vector.broadcast %get3A_2489 : f32 to vector<224x224xf32>
    %mul3A_2491 = arith.mulf %get3A_2472, %mul3A_2490 : vector<224x224xf32>
    %add3A_2492 = arith.addf %add3A_2446, %mul3A_2491 : vector<224x224xf32>
    %get3A_2493 = arith.constant 126 : index
    %get3A_2494 = memref.load %arg6[%get3A_2493] : memref<216xf32, #tpu.memory_space<smem>>
    %mul3A_2495 = vector.broadcast %get3A_2494 : f32 to vector<224x224xf32>
    %mul3A_2496 = arith.mulf %get3A_2472, %mul3A_2495 : vector<224x224xf32>
    %add3A_2497 = arith.addf %add3A_2451, %mul3A_2496 : vector<224x224xf32>
    %get3A_2498 = arith.constant 153 : index
    %get3A_2499 = memref.load %arg6[%get3A_2498] : memref<216xf32, #tpu.memory_space<smem>>
    %mul3A_2500 = vector.broadcast %get3A_2499 : f32 to vector<224x224xf32>
    %mul3A_2501 = arith.mulf %get3A_2472, %mul3A_2500 : vector<224x224xf32>
    %add3A_2502 = arith.addf %add3A_2456, %mul3A_2501 : vector<224x224xf32>
    %get3A_2503 = arith.constant 180 : index
    %get3A_2504 = memref.load %arg6[%get3A_2503] : memref<216xf32, #tpu.memory_space<smem>>
    %mul3A_2505 = vector.broadcast %get3A_2504 : f32 to vector<224x224xf32>
    %mul3A_2506 = arith.mulf %get3A_2472, %mul3A_2505 : vector<224x224xf32>
    %add3A_2507 = arith.addf %add3A_2461, %mul3A_2506 : vector<224x224xf32>
    %get3A_2508 = arith.constant 207 : index
    %get3A_2509 = memref.load %arg6[%get3A_2508] : memref<216xf32, #tpu.memory_space<smem>>
    %mul3A_2510 = vector.broadcast %get3A_2509 : f32 to vector<224x224xf32>
    %mul3A_2511 = arith.mulf %get3A_2472, %mul3A_2510 : vector<224x224xf32>
    %add3A_2512 = arith.addf %add3A_2466, %mul3A_2511 : vector<224x224xf32>
    %get3A_2513 = arith.constant 2 : index
    %get3A_2514 = arith.constant 1 : index
    %get3A_2515 = arith.constant 0 : index
    %get3A_2516 = arith.constant 0 : index
    %get3A_2517 = vector.load %arg10[%get3A_2513, %get3A_2514, %get3A_2515, %get3A_2516] : memref<3x3x226x224xf32, #tpu.memory_space<vmem>>, vector<1x1x224x224xf32>
    %get3A_2518 = vector.shape_cast %get3A_2517 : vector<1x1x224x224xf32> to vector<224x224xf32>
    %get3A_2519 = arith.constant 19 : index
    %get3A_2520 = memref.load %arg6[%get3A_2519] : memref<216xf32, #tpu.memory_space<smem>>
    %mul3A_2521 = vector.broadcast %get3A_2520 : f32 to vector<224x224xf32>
    %mul3A_2522 = arith.mulf %get3A_2518, %mul3A_2521 : vector<224x224xf32>
    %add3A_2523 = arith.addf %add3A_2477, %mul3A_2522 : vector<224x224xf32>
    %get3A_2524 = arith.constant 46 : index
    %get3A_2525 = memref.load %arg6[%get3A_2524] : memref<216xf32, #tpu.memory_space<smem>>
    %mul3A_2526 = vector.broadcast %get3A_2525 : f32 to vector<224x224xf32>
    %mul3A_2527 = arith.mulf %get3A_2518, %mul3A_2526 : vector<224x224xf32>
    %add3A_2528 = arith.addf %add3A_2482, %mul3A_2527 : vector<224x224xf32>
    %get3A_2529 = arith.constant 73 : index
    %get3A_2530 = memref.load %arg6[%get3A_2529] : memref<216xf32, #tpu.memory_space<smem>>
    %mul3A_2531 = vector.broadcast %get3A_2530 : f32 to vector<224x224xf32>
    %mul3A_2532 = arith.mulf %get3A_2518, %mul3A_2531 : vector<224x224xf32>
    %add3A_2533 = arith.addf %add3A_2487, %mul3A_2532 : vector<224x224xf32>
    %get3A_2534 = arith.constant 100 : index
    %get3A_2535 = memref.load %arg6[%get3A_2534] : memref<216xf32, #tpu.memory_space<smem>>
    %mul3A_2536 = vector.broadcast %get3A_2535 : f32 to vector<224x224xf32>
    %mul3A_2537 = arith.mulf %get3A_2518, %mul3A_2536 : vector<224x224xf32>
    %add3A_2538 = arith.addf %add3A_2492, %mul3A_2537 : vector<224x224xf32>
    %get3A_2539 = arith.constant 127 : index
    %get3A_2540 = memref.load %arg6[%get3A_2539] : memref<216xf32, #tpu.memory_space<smem>>
    %mul3A_2541 = vector.broadcast %get3A_2540 : f32 to vector<224x224xf32>
    %mul3A_2542 = arith.mulf %get3A_2518, %mul3A_2541 : vector<224x224xf32>
    %add3A_2543 = arith.addf %add3A_2497, %mul3A_2542 : vector<224x224xf32>
    %get3A_2544 = arith.constant 154 : index
    %get3A_2545 = memref.load %arg6[%get3A_2544] : memref<216xf32, #tpu.memory_space<smem>>
    %mul3A_2546 = vector.broadcast %get3A_2545 : f32 to vector<224x224xf32>
    %mul3A_2547 = arith.mulf %get3A_2518, %mul3A_2546 : vector<224x224xf32>
    %add3A_2548 = arith.addf %add3A_2502, %mul3A_2547 : vector<224x224xf32>
    %get3A_2549 = arith.constant 181 : index
    %get3A_2550 = memref.load %arg6[%get3A_2549] : memref<216xf32, #tpu.memory_space<smem>>
    %mul3A_2551 = vector.broadcast %get3A_2550 : f32 to vector<224x224xf32>
    %mul3A_2552 = arith.mulf %get3A_2518, %mul3A_2551 : vector<224x224xf32>
    %add3A_2553 = arith.addf %add3A_2507, %mul3A_2552 : vector<224x224xf32>
    %get3A_2554 = arith.constant 208 : index
    %get3A_2555 = memref.load %arg6[%get3A_2554] : memref<216xf32, #tpu.memory_space<smem>>
    %mul3A_2556 = vector.broadcast %get3A_2555 : f32 to vector<224x224xf32>
    %mul3A_2557 = arith.mulf %get3A_2518, %mul3A_2556 : vector<224x224xf32>
    %add3A_2558 = arith.addf %add3A_2512, %mul3A_2557 : vector<224x224xf32>
    %get3A_2559 = arith.constant 2 : index
    %get3A_2560 = arith.constant 2 : index
    %get3A_2561 = arith.constant 0 : index
    %get3A_2562 = arith.constant 0 : index
    %get3A_2563 = vector.load %arg10[%get3A_2559, %get3A_2560, %get3A_2561, %get3A_2562] : memref<3x3x226x224xf32, #tpu.memory_space<vmem>>, vector<1x1x224x224xf32>
    %get3A_2564 = vector.shape_cast %get3A_2563 : vector<1x1x224x224xf32> to vector<224x224xf32>
    %get3A_2565 = arith.constant 20 : index
    %get3A_2566 = memref.load %arg6[%get3A_2565] : memref<216xf32, #tpu.memory_space<smem>>
    %mul3A_2567 = vector.broadcast %get3A_2566 : f32 to vector<224x224xf32>
    %mul3A_2568 = arith.mulf %get3A_2564, %mul3A_2567 : vector<224x224xf32>
    %add3A_2569 = arith.addf %add3A_2523, %mul3A_2568 : vector<224x224xf32>
    %get3A_2570 = arith.constant 47 : index
    %get3A_2571 = memref.load %arg6[%get3A_2570] : memref<216xf32, #tpu.memory_space<smem>>
    %mul3A_2572 = vector.broadcast %get3A_2571 : f32 to vector<224x224xf32>
    %mul3A_2573 = arith.mulf %get3A_2564, %mul3A_2572 : vector<224x224xf32>
    %add3A_2574 = arith.addf %add3A_2528, %mul3A_2573 : vector<224x224xf32>
    %get3A_2575 = arith.constant 74 : index
    %get3A_2576 = memref.load %arg6[%get3A_2575] : memref<216xf32, #tpu.memory_space<smem>>
    %mul3A_2577 = vector.broadcast %get3A_2576 : f32 to vector<224x224xf32>
    %mul3A_2578 = arith.mulf %get3A_2564, %mul3A_2577 : vector<224x224xf32>
    %add3A_2579 = arith.addf %add3A_2533, %mul3A_2578 : vector<224x224xf32>
    %get3A_2580 = arith.constant 101 : index
    %get3A_2581 = memref.load %arg6[%get3A_2580] : memref<216xf32, #tpu.memory_space<smem>>
    %mul3A_2582 = vector.broadcast %get3A_2581 : f32 to vector<224x224xf32>
    %mul3A_2583 = arith.mulf %get3A_2564, %mul3A_2582 : vector<224x224xf32>
    %add3A_2584 = arith.addf %add3A_2538, %mul3A_2583 : vector<224x224xf32>
    %get3A_2585 = arith.constant 128 : index
    %get3A_2586 = memref.load %arg6[%get3A_2585] : memref<216xf32, #tpu.memory_space<smem>>
    %mul3A_2587 = vector.broadcast %get3A_2586 : f32 to vector<224x224xf32>
    %mul3A_2588 = arith.mulf %get3A_2564, %mul3A_2587 : vector<224x224xf32>
    %add3A_2589 = arith.addf %add3A_2543, %mul3A_2588 : vector<224x224xf32>
    %get3A_2590 = arith.constant 155 : index
    %get3A_2591 = memref.load %arg6[%get3A_2590] : memref<216xf32, #tpu.memory_space<smem>>
    %mul3A_2592 = vector.broadcast %get3A_2591 : f32 to vector<224x224xf32>
    %mul3A_2593 = arith.mulf %get3A_2564, %mul3A_2592 : vector<224x224xf32>
    %add3A_2594 = arith.addf %add3A_2548, %mul3A_2593 : vector<224x224xf32>
    %get3A_2595 = arith.constant 182 : index
    %get3A_2596 = memref.load %arg6[%get3A_2595] : memref<216xf32, #tpu.memory_space<smem>>
    %mul3A_2597 = vector.broadcast %get3A_2596 : f32 to vector<224x224xf32>
    %mul3A_2598 = arith.mulf %get3A_2564, %mul3A_2597 : vector<224x224xf32>
    %add3A_2599 = arith.addf %add3A_2553, %mul3A_2598 : vector<224x224xf32>
    %get3A_2600 = arith.constant 209 : index
    %get3A_2601 = memref.load %arg6[%get3A_2600] : memref<216xf32, #tpu.memory_space<smem>>
    %mul3A_2602 = vector.broadcast %get3A_2601 : f32 to vector<224x224xf32>
    %mul3A_2603 = arith.mulf %get3A_2564, %mul3A_2602 : vector<224x224xf32>
    %add3A_2604 = arith.addf %add3A_2558, %mul3A_2603 : vector<224x224xf32>
    %get3A_2605 = arith.constant 2 : index
    %get3A_2606 = arith.constant 0 : index
    %get3A_2607 = arith.constant 1 : index
    %get3A_2608 = arith.constant 0 : index
    %get3A_2609 = vector.load %arg10[%get3A_2605, %get3A_2606, %get3A_2607, %get3A_2608] : memref<3x3x226x224xf32, #tpu.memory_space<vmem>>, vector<1x1x224x224xf32>
    %get3A_2610 = vector.shape_cast %get3A_2609 : vector<1x1x224x224xf32> to vector<224x224xf32>
    %get3A_2611 = arith.constant 21 : index
    %get3A_2612 = memref.load %arg6[%get3A_2611] : memref<216xf32, #tpu.memory_space<smem>>
    %mul3A_2613 = vector.broadcast %get3A_2612 : f32 to vector<224x224xf32>
    %mul3A_2614 = arith.mulf %get3A_2610, %mul3A_2613 : vector<224x224xf32>
    %add3A_2615 = arith.addf %add3A_2569, %mul3A_2614 : vector<224x224xf32>
    %get3A_2616 = arith.constant 48 : index
    %get3A_2617 = memref.load %arg6[%get3A_2616] : memref<216xf32, #tpu.memory_space<smem>>
    %mul3A_2618 = vector.broadcast %get3A_2617 : f32 to vector<224x224xf32>
    %mul3A_2619 = arith.mulf %get3A_2610, %mul3A_2618 : vector<224x224xf32>
    %add3A_2620 = arith.addf %add3A_2574, %mul3A_2619 : vector<224x224xf32>
    %get3A_2621 = arith.constant 75 : index
    %get3A_2622 = memref.load %arg6[%get3A_2621] : memref<216xf32, #tpu.memory_space<smem>>
    %mul3A_2623 = vector.broadcast %get3A_2622 : f32 to vector<224x224xf32>
    %mul3A_2624 = arith.mulf %get3A_2610, %mul3A_2623 : vector<224x224xf32>
    %add3A_2625 = arith.addf %add3A_2579, %mul3A_2624 : vector<224x224xf32>
    %get3A_2626 = arith.constant 102 : index
    %get3A_2627 = memref.load %arg6[%get3A_2626] : memref<216xf32, #tpu.memory_space<smem>>
    %mul3A_2628 = vector.broadcast %get3A_2627 : f32 to vector<224x224xf32>
    %mul3A_2629 = arith.mulf %get3A_2610, %mul3A_2628 : vector<224x224xf32>
    %add3A_2630 = arith.addf %add3A_2584, %mul3A_2629 : vector<224x224xf32>
    %get3A_2631 = arith.constant 129 : index
    %get3A_2632 = memref.load %arg6[%get3A_2631] : memref<216xf32, #tpu.memory_space<smem>>
    %mul3A_2633 = vector.broadcast %get3A_2632 : f32 to vector<224x224xf32>
    %mul3A_2634 = arith.mulf %get3A_2610, %mul3A_2633 : vector<224x224xf32>
    %add3A_2635 = arith.addf %add3A_2589, %mul3A_2634 : vector<224x224xf32>
    %get3A_2636 = arith.constant 156 : index
    %get3A_2637 = memref.load %arg6[%get3A_2636] : memref<216xf32, #tpu.memory_space<smem>>
    %mul3A_2638 = vector.broadcast %get3A_2637 : f32 to vector<224x224xf32>
    %mul3A_2639 = arith.mulf %get3A_2610, %mul3A_2638 : vector<224x224xf32>
    %add3A_2640 = arith.addf %add3A_2594, %mul3A_2639 : vector<224x224xf32>
    %get3A_2641 = arith.constant 183 : index
    %get3A_2642 = memref.load %arg6[%get3A_2641] : memref<216xf32, #tpu.memory_space<smem>>
    %mul3A_2643 = vector.broadcast %get3A_2642 : f32 to vector<224x224xf32>
    %mul3A_2644 = arith.mulf %get3A_2610, %mul3A_2643 : vector<224x224xf32>
    %add3A_2645 = arith.addf %add3A_2599, %mul3A_2644 : vector<224x224xf32>
    %get3A_2646 = arith.constant 210 : index
    %get3A_2647 = memref.load %arg6[%get3A_2646] : memref<216xf32, #tpu.memory_space<smem>>
    %mul3A_2648 = vector.broadcast %get3A_2647 : f32 to vector<224x224xf32>
    %mul3A_2649 = arith.mulf %get3A_2610, %mul3A_2648 : vector<224x224xf32>
    %add3A_2650 = arith.addf %add3A_2604, %mul3A_2649 : vector<224x224xf32>
    %get3A_2651 = arith.constant 2 : index
    %get3A_2652 = arith.constant 1 : index
    %get3A_2653 = arith.constant 1 : index
    %get3A_2654 = arith.constant 0 : index
    %get3A_2655 = vector.load %arg10[%get3A_2651, %get3A_2652, %get3A_2653, %get3A_2654] : memref<3x3x226x224xf32, #tpu.memory_space<vmem>>, vector<1x1x224x224xf32>
    %get3A_2656 = vector.shape_cast %get3A_2655 : vector<1x1x224x224xf32> to vector<224x224xf32>
    %get3A_2657 = arith.constant 22 : index
    %get3A_2658 = memref.load %arg6[%get3A_2657] : memref<216xf32, #tpu.memory_space<smem>>
    %mul3A_2659 = vector.broadcast %get3A_2658 : f32 to vector<224x224xf32>
    %mul3A_2660 = arith.mulf %get3A_2656, %mul3A_2659 : vector<224x224xf32>
    %add3A_2661 = arith.addf %add3A_2615, %mul3A_2660 : vector<224x224xf32>
    %get3A_2662 = arith.constant 49 : index
    %get3A_2663 = memref.load %arg6[%get3A_2662] : memref<216xf32, #tpu.memory_space<smem>>
    %mul3A_2664 = vector.broadcast %get3A_2663 : f32 to vector<224x224xf32>
    %mul3A_2665 = arith.mulf %get3A_2656, %mul3A_2664 : vector<224x224xf32>
    %add3A_2666 = arith.addf %add3A_2620, %mul3A_2665 : vector<224x224xf32>
    %get3A_2667 = arith.constant 76 : index
    %get3A_2668 = memref.load %arg6[%get3A_2667] : memref<216xf32, #tpu.memory_space<smem>>
    %mul3A_2669 = vector.broadcast %get3A_2668 : f32 to vector<224x224xf32>
    %mul3A_2670 = arith.mulf %get3A_2656, %mul3A_2669 : vector<224x224xf32>
    %add3A_2671 = arith.addf %add3A_2625, %mul3A_2670 : vector<224x224xf32>
    %get3A_2672 = arith.constant 103 : index
    %get3A_2673 = memref.load %arg6[%get3A_2672] : memref<216xf32, #tpu.memory_space<smem>>
    %mul3A_2674 = vector.broadcast %get3A_2673 : f32 to vector<224x224xf32>
    %mul3A_2675 = arith.mulf %get3A_2656, %mul3A_2674 : vector<224x224xf32>
    %add3A_2676 = arith.addf %add3A_2630, %mul3A_2675 : vector<224x224xf32>
    %get3A_2677 = arith.constant 130 : index
    %get3A_2678 = memref.load %arg6[%get3A_2677] : memref<216xf32, #tpu.memory_space<smem>>
    %mul3A_2679 = vector.broadcast %get3A_2678 : f32 to vector<224x224xf32>
    %mul3A_2680 = arith.mulf %get3A_2656, %mul3A_2679 : vector<224x224xf32>
    %add3A_2681 = arith.addf %add3A_2635, %mul3A_2680 : vector<224x224xf32>
    %get3A_2682 = arith.constant 157 : index
    %get3A_2683 = memref.load %arg6[%get3A_2682] : memref<216xf32, #tpu.memory_space<smem>>
    %mul3A_2684 = vector.broadcast %get3A_2683 : f32 to vector<224x224xf32>
    %mul3A_2685 = arith.mulf %get3A_2656, %mul3A_2684 : vector<224x224xf32>
    %add3A_2686 = arith.addf %add3A_2640, %mul3A_2685 : vector<224x224xf32>
    %get3A_2687 = arith.constant 184 : index
    %get3A_2688 = memref.load %arg6[%get3A_2687] : memref<216xf32, #tpu.memory_space<smem>>
    %mul3A_2689 = vector.broadcast %get3A_2688 : f32 to vector<224x224xf32>
    %mul3A_2690 = arith.mulf %get3A_2656, %mul3A_2689 : vector<224x224xf32>
    %add3A_2691 = arith.addf %add3A_2645, %mul3A_2690 : vector<224x224xf32>
    %get3A_2692 = arith.constant 211 : index
    %get3A_2693 = memref.load %arg6[%get3A_2692] : memref<216xf32, #tpu.memory_space<smem>>
    %mul3A_2694 = vector.broadcast %get3A_2693 : f32 to vector<224x224xf32>
    %mul3A_2695 = arith.mulf %get3A_2656, %mul3A_2694 : vector<224x224xf32>
    %add3A_2696 = arith.addf %add3A_2650, %mul3A_2695 : vector<224x224xf32>
    %get3A_2697 = arith.constant 2 : index
    %get3A_2698 = arith.constant 2 : index
    %get3A_2699 = arith.constant 1 : index
    %get3A_2700 = arith.constant 0 : index
    %get3A_2701 = vector.load %arg10[%get3A_2697, %get3A_2698, %get3A_2699, %get3A_2700] : memref<3x3x226x224xf32, #tpu.memory_space<vmem>>, vector<1x1x224x224xf32>
    %get3A_2702 = vector.shape_cast %get3A_2701 : vector<1x1x224x224xf32> to vector<224x224xf32>
    %get3A_2703 = arith.constant 23 : index
    %get3A_2704 = memref.load %arg6[%get3A_2703] : memref<216xf32, #tpu.memory_space<smem>>
    %mul3A_2705 = vector.broadcast %get3A_2704 : f32 to vector<224x224xf32>
    %mul3A_2706 = arith.mulf %get3A_2702, %mul3A_2705 : vector<224x224xf32>
    %add3A_2707 = arith.addf %add3A_2661, %mul3A_2706 : vector<224x224xf32>
    %get3A_2708 = arith.constant 50 : index
    %get3A_2709 = memref.load %arg6[%get3A_2708] : memref<216xf32, #tpu.memory_space<smem>>
    %mul3A_2710 = vector.broadcast %get3A_2709 : f32 to vector<224x224xf32>
    %mul3A_2711 = arith.mulf %get3A_2702, %mul3A_2710 : vector<224x224xf32>
    %add3A_2712 = arith.addf %add3A_2666, %mul3A_2711 : vector<224x224xf32>
    %get3A_2713 = arith.constant 77 : index
    %get3A_2714 = memref.load %arg6[%get3A_2713] : memref<216xf32, #tpu.memory_space<smem>>
    %mul3A_2715 = vector.broadcast %get3A_2714 : f32 to vector<224x224xf32>
    %mul3A_2716 = arith.mulf %get3A_2702, %mul3A_2715 : vector<224x224xf32>
    %add3A_2717 = arith.addf %add3A_2671, %mul3A_2716 : vector<224x224xf32>
    %get3A_2718 = arith.constant 104 : index
    %get3A_2719 = memref.load %arg6[%get3A_2718] : memref<216xf32, #tpu.memory_space<smem>>
    %mul3A_2720 = vector.broadcast %get3A_2719 : f32 to vector<224x224xf32>
    %mul3A_2721 = arith.mulf %get3A_2702, %mul3A_2720 : vector<224x224xf32>
    %add3A_2722 = arith.addf %add3A_2676, %mul3A_2721 : vector<224x224xf32>
    %get3A_2723 = arith.constant 131 : index
    %get3A_2724 = memref.load %arg6[%get3A_2723] : memref<216xf32, #tpu.memory_space<smem>>
    %mul3A_2725 = vector.broadcast %get3A_2724 : f32 to vector<224x224xf32>
    %mul3A_2726 = arith.mulf %get3A_2702, %mul3A_2725 : vector<224x224xf32>
    %add3A_2727 = arith.addf %add3A_2681, %mul3A_2726 : vector<224x224xf32>
    %get3A_2728 = arith.constant 158 : index
    %get3A_2729 = memref.load %arg6[%get3A_2728] : memref<216xf32, #tpu.memory_space<smem>>
    %mul3A_2730 = vector.broadcast %get3A_2729 : f32 to vector<224x224xf32>
    %mul3A_2731 = arith.mulf %get3A_2702, %mul3A_2730 : vector<224x224xf32>
    %add3A_2732 = arith.addf %add3A_2686, %mul3A_2731 : vector<224x224xf32>
    %get3A_2733 = arith.constant 185 : index
    %get3A_2734 = memref.load %arg6[%get3A_2733] : memref<216xf32, #tpu.memory_space<smem>>
    %mul3A_2735 = vector.broadcast %get3A_2734 : f32 to vector<224x224xf32>
    %mul3A_2736 = arith.mulf %get3A_2702, %mul3A_2735 : vector<224x224xf32>
    %add3A_2737 = arith.addf %add3A_2691, %mul3A_2736 : vector<224x224xf32>
    %get3A_2738 = arith.constant 212 : index
    %get3A_2739 = memref.load %arg6[%get3A_2738] : memref<216xf32, #tpu.memory_space<smem>>
    %mul3A_2740 = vector.broadcast %get3A_2739 : f32 to vector<224x224xf32>
    %mul3A_2741 = arith.mulf %get3A_2702, %mul3A_2740 : vector<224x224xf32>
    %add3A_2742 = arith.addf %add3A_2696, %mul3A_2741 : vector<224x224xf32>
    %get3A_2743 = arith.constant 2 : index
    %get3A_2744 = arith.constant 0 : index
    %get3A_2745 = arith.constant 2 : index
    %get3A_2746 = arith.constant 0 : index
    %get3A_2747 = vector.load %arg10[%get3A_2743, %get3A_2744, %get3A_2745, %get3A_2746] : memref<3x3x226x224xf32, #tpu.memory_space<vmem>>, vector<1x1x224x224xf32>
    %get3A_2748 = vector.shape_cast %get3A_2747 : vector<1x1x224x224xf32> to vector<224x224xf32>
    %get3A_2749 = arith.constant 24 : index
    %get3A_2750 = memref.load %arg6[%get3A_2749] : memref<216xf32, #tpu.memory_space<smem>>
    %mul3A_2751 = vector.broadcast %get3A_2750 : f32 to vector<224x224xf32>
    %mul3A_2752 = arith.mulf %get3A_2748, %mul3A_2751 : vector<224x224xf32>
    %add3A_2753 = arith.addf %add3A_2707, %mul3A_2752 : vector<224x224xf32>
    %get3A_2754 = arith.constant 51 : index
    %get3A_2755 = memref.load %arg6[%get3A_2754] : memref<216xf32, #tpu.memory_space<smem>>
    %mul3A_2756 = vector.broadcast %get3A_2755 : f32 to vector<224x224xf32>
    %mul3A_2757 = arith.mulf %get3A_2748, %mul3A_2756 : vector<224x224xf32>
    %add3A_2758 = arith.addf %add3A_2712, %mul3A_2757 : vector<224x224xf32>
    %get3A_2759 = arith.constant 78 : index
    %get3A_2760 = memref.load %arg6[%get3A_2759] : memref<216xf32, #tpu.memory_space<smem>>
    %mul3A_2761 = vector.broadcast %get3A_2760 : f32 to vector<224x224xf32>
    %mul3A_2762 = arith.mulf %get3A_2748, %mul3A_2761 : vector<224x224xf32>
    %add3A_2763 = arith.addf %add3A_2717, %mul3A_2762 : vector<224x224xf32>
    %get3A_2764 = arith.constant 105 : index
    %get3A_2765 = memref.load %arg6[%get3A_2764] : memref<216xf32, #tpu.memory_space<smem>>
    %mul3A_2766 = vector.broadcast %get3A_2765 : f32 to vector<224x224xf32>
    %mul3A_2767 = arith.mulf %get3A_2748, %mul3A_2766 : vector<224x224xf32>
    %add3A_2768 = arith.addf %add3A_2722, %mul3A_2767 : vector<224x224xf32>
    %get3A_2769 = arith.constant 132 : index
    %get3A_2770 = memref.load %arg6[%get3A_2769] : memref<216xf32, #tpu.memory_space<smem>>
    %mul3A_2771 = vector.broadcast %get3A_2770 : f32 to vector<224x224xf32>
    %mul3A_2772 = arith.mulf %get3A_2748, %mul3A_2771 : vector<224x224xf32>
    %add3A_2773 = arith.addf %add3A_2727, %mul3A_2772 : vector<224x224xf32>
    %get3A_2774 = arith.constant 159 : index
    %get3A_2775 = memref.load %arg6[%get3A_2774] : memref<216xf32, #tpu.memory_space<smem>>
    %mul3A_2776 = vector.broadcast %get3A_2775 : f32 to vector<224x224xf32>
    %mul3A_2777 = arith.mulf %get3A_2748, %mul3A_2776 : vector<224x224xf32>
    %add3A_2778 = arith.addf %add3A_2732, %mul3A_2777 : vector<224x224xf32>
    %get3A_2779 = arith.constant 186 : index
    %get3A_2780 = memref.load %arg6[%get3A_2779] : memref<216xf32, #tpu.memory_space<smem>>
    %mul3A_2781 = vector.broadcast %get3A_2780 : f32 to vector<224x224xf32>
    %mul3A_2782 = arith.mulf %get3A_2748, %mul3A_2781 : vector<224x224xf32>
    %add3A_2783 = arith.addf %add3A_2737, %mul3A_2782 : vector<224x224xf32>
    %get3A_2784 = arith.constant 213 : index
    %get3A_2785 = memref.load %arg6[%get3A_2784] : memref<216xf32, #tpu.memory_space<smem>>
    %mul3A_2786 = vector.broadcast %get3A_2785 : f32 to vector<224x224xf32>
    %mul3A_2787 = arith.mulf %get3A_2748, %mul3A_2786 : vector<224x224xf32>
    %add3A_2788 = arith.addf %add3A_2742, %mul3A_2787 : vector<224x224xf32>
    %get3A_2789 = arith.constant 2 : index
    %get3A_2790 = arith.constant 1 : index
    %get3A_2791 = arith.constant 2 : index
    %get3A_2792 = arith.constant 0 : index
    %get3A_2793 = vector.load %arg10[%get3A_2789, %get3A_2790, %get3A_2791, %get3A_2792] : memref<3x3x226x224xf32, #tpu.memory_space<vmem>>, vector<1x1x224x224xf32>
    %get3A_2794 = vector.shape_cast %get3A_2793 : vector<1x1x224x224xf32> to vector<224x224xf32>
    %get3A_2795 = arith.constant 25 : index
    %get3A_2796 = memref.load %arg6[%get3A_2795] : memref<216xf32, #tpu.memory_space<smem>>
    %mul3A_2797 = vector.broadcast %get3A_2796 : f32 to vector<224x224xf32>
    %mul3A_2798 = arith.mulf %get3A_2794, %mul3A_2797 : vector<224x224xf32>
    %add3A_2799 = arith.addf %add3A_2753, %mul3A_2798 : vector<224x224xf32>
    %get3A_2800 = arith.constant 52 : index
    %get3A_2801 = memref.load %arg6[%get3A_2800] : memref<216xf32, #tpu.memory_space<smem>>
    %mul3A_2802 = vector.broadcast %get3A_2801 : f32 to vector<224x224xf32>
    %mul3A_2803 = arith.mulf %get3A_2794, %mul3A_2802 : vector<224x224xf32>
    %add3A_2804 = arith.addf %add3A_2758, %mul3A_2803 : vector<224x224xf32>
    %get3A_2805 = arith.constant 79 : index
    %get3A_2806 = memref.load %arg6[%get3A_2805] : memref<216xf32, #tpu.memory_space<smem>>
    %mul3A_2807 = vector.broadcast %get3A_2806 : f32 to vector<224x224xf32>
    %mul3A_2808 = arith.mulf %get3A_2794, %mul3A_2807 : vector<224x224xf32>
    %add3A_2809 = arith.addf %add3A_2763, %mul3A_2808 : vector<224x224xf32>
    %get3A_2810 = arith.constant 106 : index
    %get3A_2811 = memref.load %arg6[%get3A_2810] : memref<216xf32, #tpu.memory_space<smem>>
    %mul3A_2812 = vector.broadcast %get3A_2811 : f32 to vector<224x224xf32>
    %mul3A_2813 = arith.mulf %get3A_2794, %mul3A_2812 : vector<224x224xf32>
    %add3A_2814 = arith.addf %add3A_2768, %mul3A_2813 : vector<224x224xf32>
    %get3A_2815 = arith.constant 133 : index
    %get3A_2816 = memref.load %arg6[%get3A_2815] : memref<216xf32, #tpu.memory_space<smem>>
    %mul3A_2817 = vector.broadcast %get3A_2816 : f32 to vector<224x224xf32>
    %mul3A_2818 = arith.mulf %get3A_2794, %mul3A_2817 : vector<224x224xf32>
    %add3A_2819 = arith.addf %add3A_2773, %mul3A_2818 : vector<224x224xf32>
    %get3A_2820 = arith.constant 160 : index
    %get3A_2821 = memref.load %arg6[%get3A_2820] : memref<216xf32, #tpu.memory_space<smem>>
    %mul3A_2822 = vector.broadcast %get3A_2821 : f32 to vector<224x224xf32>
    %mul3A_2823 = arith.mulf %get3A_2794, %mul3A_2822 : vector<224x224xf32>
    %add3A_2824 = arith.addf %add3A_2778, %mul3A_2823 : vector<224x224xf32>
    %get3A_2825 = arith.constant 187 : index
    %get3A_2826 = memref.load %arg6[%get3A_2825] : memref<216xf32, #tpu.memory_space<smem>>
    %mul3A_2827 = vector.broadcast %get3A_2826 : f32 to vector<224x224xf32>
    %mul3A_2828 = arith.mulf %get3A_2794, %mul3A_2827 : vector<224x224xf32>
    %add3A_2829 = arith.addf %add3A_2783, %mul3A_2828 : vector<224x224xf32>
    %get3A_2830 = arith.constant 214 : index
    %get3A_2831 = memref.load %arg6[%get3A_2830] : memref<216xf32, #tpu.memory_space<smem>>
    %mul3A_2832 = vector.broadcast %get3A_2831 : f32 to vector<224x224xf32>
    %mul3A_2833 = arith.mulf %get3A_2794, %mul3A_2832 : vector<224x224xf32>
    %add3A_2834 = arith.addf %add3A_2788, %mul3A_2833 : vector<224x224xf32>
    %get3A_2835 = arith.constant 2 : index
    %get3A_2836 = arith.constant 2 : index
    %get3A_2837 = arith.constant 2 : index
    %get3A_2838 = arith.constant 0 : index
    %get3A_2839 = vector.load %arg10[%get3A_2835, %get3A_2836, %get3A_2837, %get3A_2838] : memref<3x3x226x224xf32, #tpu.memory_space<vmem>>, vector<1x1x224x224xf32>
    %get3A_2840 = vector.shape_cast %get3A_2839 : vector<1x1x224x224xf32> to vector<224x224xf32>
    %get3A_2841 = arith.constant 26 : index
    %get3A_2842 = memref.load %arg6[%get3A_2841] : memref<216xf32, #tpu.memory_space<smem>>
    %mul3A_2843 = vector.broadcast %get3A_2842 : f32 to vector<224x224xf32>
    %mul3A_2844 = arith.mulf %get3A_2840, %mul3A_2843 : vector<224x224xf32>
    %add3A_2845 = arith.addf %add3A_2799, %mul3A_2844 : vector<224x224xf32>
    %get3A_2846 = arith.constant 53 : index
    %get3A_2847 = memref.load %arg6[%get3A_2846] : memref<216xf32, #tpu.memory_space<smem>>
    %mul3A_2848 = vector.broadcast %get3A_2847 : f32 to vector<224x224xf32>
    %mul3A_2849 = arith.mulf %get3A_2840, %mul3A_2848 : vector<224x224xf32>
    %add3A_2850 = arith.addf %add3A_2804, %mul3A_2849 : vector<224x224xf32>
    %get3A_2851 = arith.constant 80 : index
    %get3A_2852 = memref.load %arg6[%get3A_2851] : memref<216xf32, #tpu.memory_space<smem>>
    %mul3A_2853 = vector.broadcast %get3A_2852 : f32 to vector<224x224xf32>
    %mul3A_2854 = arith.mulf %get3A_2840, %mul3A_2853 : vector<224x224xf32>
    %add3A_2855 = arith.addf %add3A_2809, %mul3A_2854 : vector<224x224xf32>
    %get3A_2856 = arith.constant 107 : index
    %get3A_2857 = memref.load %arg6[%get3A_2856] : memref<216xf32, #tpu.memory_space<smem>>
    %mul3A_2858 = vector.broadcast %get3A_2857 : f32 to vector<224x224xf32>
    %mul3A_2859 = arith.mulf %get3A_2840, %mul3A_2858 : vector<224x224xf32>
    %add3A_2860 = arith.addf %add3A_2814, %mul3A_2859 : vector<224x224xf32>
    %get3A_2861 = arith.constant 134 : index
    %get3A_2862 = memref.load %arg6[%get3A_2861] : memref<216xf32, #tpu.memory_space<smem>>
    %mul3A_2863 = vector.broadcast %get3A_2862 : f32 to vector<224x224xf32>
    %mul3A_2864 = arith.mulf %get3A_2840, %mul3A_2863 : vector<224x224xf32>
    %add3A_2865 = arith.addf %add3A_2819, %mul3A_2864 : vector<224x224xf32>
    %get3A_2866 = arith.constant 161 : index
    %get3A_2867 = memref.load %arg6[%get3A_2866] : memref<216xf32, #tpu.memory_space<smem>>
    %mul3A_2868 = vector.broadcast %get3A_2867 : f32 to vector<224x224xf32>
    %mul3A_2869 = arith.mulf %get3A_2840, %mul3A_2868 : vector<224x224xf32>
    %add3A_2870 = arith.addf %add3A_2824, %mul3A_2869 : vector<224x224xf32>
    %get3A_2871 = arith.constant 188 : index
    %get3A_2872 = memref.load %arg6[%get3A_2871] : memref<216xf32, #tpu.memory_space<smem>>
    %mul3A_2873 = vector.broadcast %get3A_2872 : f32 to vector<224x224xf32>
    %mul3A_2874 = arith.mulf %get3A_2840, %mul3A_2873 : vector<224x224xf32>
    %add3A_2875 = arith.addf %add3A_2829, %mul3A_2874 : vector<224x224xf32>
    %get3A_2876 = arith.constant 215 : index
    %get3A_2877 = memref.load %arg6[%get3A_2876] : memref<216xf32, #tpu.memory_space<smem>>
    %mul3A_2878 = vector.broadcast %get3A_2877 : f32 to vector<224x224xf32>
    %mul3A_2879 = arith.mulf %get3A_2840, %mul3A_2878 : vector<224x224xf32>
    %add3A_2880 = arith.addf %add3A_2834, %mul3A_2879 : vector<224x224xf32>
    %max3A = arith.constant 0.000000e+00 : f32
    %max3A_2881 = vector.broadcast %max3A : f32 to vector<224x224xf32>
    %max3A_2882 = arith.maximumf %add3A_2845, %max3A_2881 : vector<224x224xf32>
    %swap3A_2883 = arith.constant 0 : index
    %swap3A_2884 = arith.constant 0 : index
    %swap3A_2885 = arith.constant 0 : index
    %swap3A_2886 = vector.load %arg11[%swap3A_2883, %swap3A_2884, %swap3A_2885] : memref<8x224x224xf32, #tpu.memory_space<vmem>>, vector<1x224x224xf32>
    %swap3A_2887 = vector.shape_cast %swap3A_2886 : vector<1x224x224xf32> to vector<224x224xf32>
    %swap3A_2888 = vector.shape_cast %max3A_2882 : vector<224x224xf32> to vector<1x224x224xf32>
    tpu.vector_store %arg11[%swap3A_2883, %swap3A_2884, %swap3A_2885], %swap3A_2888 {strides = array<i32>} : memref<8x224x224xf32, #tpu.memory_space<vmem>>, vector<1x224x224xf32>,
    %max3A_2889 = arith.constant 0.000000e+00 : f32
    %max3A_2890 = vector.broadcast %max3A_2889 : f32 to vector<224x224xf32>
    %max3A_2891 = arith.maximumf %add3A_2850, %max3A_2890 : vector<224x224xf32>
    %swap3A_2892 = arith.constant 1 : index
    %swap3A_2893 = arith.constant 0 : index
    %swap3A_2894 = arith.constant 0 : index
    %swap3A_2895 = vector.load %arg11[%swap3A_2892, %swap3A_2893, %swap3A_2894] : memref<8x224x224xf32, #tpu.memory_space<vmem>>, vector<1x224x224xf32>
    %swap3A_2896 = vector.shape_cast %swap3A_2895 : vector<1x224x224xf32> to vector<224x224xf32>
    %swap3A_2897 = vector.shape_cast %max3A_2891 : vector<224x224xf32> to vector<1x224x224xf32>
    tpu.vector_store %arg11[%swap3A_2892, %swap3A_2893, %swap3A_2894], %swap3A_2897 {strides = array<i32>} : memref<8x224x224xf32, #tpu.memory_space<vmem>>, vector<1x224x224xf32>,
    %max3A_2898 = arith.constant 0.000000e+00 : f32
    %max3A_2899 = vector.broadcast %max3A_2898 : f32 to vector<224x224xf32>
    %max3A_2900 = arith.maximumf %add3A_2855, %max3A_2899 : vector<224x224xf32>
    %swap3A_2901 = arith.constant 2 : index
    %swap3A_2902 = arith.constant 0 : index
    %swap3A_2903 = arith.constant 0 : index
    %swap3A_2904 = vector.load %arg11[%swap3A_2901, %swap3A_2902, %swap3A_2903] : memref<8x224x224xf32, #tpu.memory_space<vmem>>, vector<1x224x224xf32>
    %swap3A_2905 = vector.shape_cast %swap3A_2904 : vector<1x224x224xf32> to vector<224x224xf32>
    %swap3A_2906 = vector.shape_cast %max3A_2900 : vector<224x224xf32> to vector<1x224x224xf32>
    tpu.vector_store %arg11[%swap3A_2901, %swap3A_2902, %swap3A_2903], %swap3A_2906 {strides = array<i32>} : memref<8x224x224xf32, #tpu.memory_space<vmem>>, vector<1x224x224xf32>,
    %max3A_2907 = arith.constant 0.000000e+00 : f32
    %max3A_2908 = vector.broadcast %max3A_2907 : f32 to vector<224x224xf32>
    %max3A_2909 = arith.maximumf %add3A_2860, %max3A_2908 : vector<224x224xf32>
    %swap3A_2910 = arith.constant 3 : index
    %swap3A_2911 = arith.constant 0 : index
    %swap3A_2912 = arith.constant 0 : index
    %swap3A_2913 = vector.load %arg11[%swap3A_2910, %swap3A_2911, %swap3A_2912] : memref<8x224x224xf32, #tpu.memory_space<vmem>>, vector<1x224x224xf32>
    %swap3A_2914 = vector.shape_cast %swap3A_2913 : vector<1x224x224xf32> to vector<224x224xf32>
    %swap3A_2915 = vector.shape_cast %max3A_2909 : vector<224x224xf32> to vector<1x224x224xf32>
    tpu.vector_store %arg11[%swap3A_2910, %swap3A_2911, %swap3A_2912], %swap3A_2915 {strides = array<i32>} : memref<8x224x224xf32, #tpu.memory_space<vmem>>, vector<1x224x224xf32>,
    %max3A_2916 = arith.constant 0.000000e+00 : f32
    %max3A_2917 = vector.broadcast %max3A_2916 : f32 to vector<224x224xf32>
    %max3A_2918 = arith.maximumf %add3A_2865, %max3A_2917 : vector<224x224xf32>
    %swap3A_2919 = arith.constant 4 : index
    %swap3A_2920 = arith.constant 0 : index
    %swap3A_2921 = arith.constant 0 : index
    %swap3A_2922 = vector.load %arg11[%swap3A_2919, %swap3A_2920, %swap3A_2921] : memref<8x224x224xf32, #tpu.memory_space<vmem>>, vector<1x224x224xf32>
    %swap3A_2923 = vector.shape_cast %swap3A_2922 : vector<1x224x224xf32> to vector<224x224xf32>
    %swap3A_2924 = vector.shape_cast %max3A_2918 : vector<224x224xf32> to vector<1x224x224xf32>
    tpu.vector_store %arg11[%swap3A_2919, %swap3A_2920, %swap3A_2921], %swap3A_2924 {strides = array<i32>} : memref<8x224x224xf32, #tpu.memory_space<vmem>>, vector<1x224x224xf32>,
    %max3A_2925 = arith.constant 0.000000e+00 : f32
    %max3A_2926 = vector.broadcast %max3A_2925 : f32 to vector<224x224xf32>
    %max3A_2927 = arith.maximumf %add3A_2870, %max3A_2926 : vector<224x224xf32>
    %swap3A_2928 = arith.constant 5 : index
    %swap3A_2929 = arith.constant 0 : index
    %swap3A_2930 = arith.constant 0 : index
    %swap3A_2931 = vector.load %arg11[%swap3A_2928, %swap3A_2929, %swap3A_2930] : memref<8x224x224xf32, #tpu.memory_space<vmem>>, vector<1x224x224xf32>
    %swap3A_2932 = vector.shape_cast %swap3A_2931 : vector<1x224x224xf32> to vector<224x224xf32>
    %swap3A_2933 = vector.shape_cast %max3A_2927 : vector<224x224xf32> to vector<1x224x224xf32>
    tpu.vector_store %arg11[%swap3A_2928, %swap3A_2929, %swap3A_2930], %swap3A_2933 {strides = array<i32>} : memref<8x224x224xf32, #tpu.memory_space<vmem>>, vector<1x224x224xf32>,
    %max3A_2934 = arith.constant 0.000000e+00 : f32
    %max3A_2935 = vector.broadcast %max3A_2934 : f32 to vector<224x224xf32>
    %max3A_2936 = arith.maximumf %add3A_2875, %max3A_2935 : vector<224x224xf32>
    %swap3A_2937 = arith.constant 6 : index
    %swap3A_2938 = arith.constant 0 : index
    %swap3A_2939 = arith.constant 0 : index
    %swap3A_2940 = vector.load %arg11[%swap3A_2937, %swap3A_2938, %swap3A_2939] : memref<8x224x224xf32, #tpu.memory_space<vmem>>, vector<1x224x224xf32>
    %swap3A_2941 = vector.shape_cast %swap3A_2940 : vector<1x224x224xf32> to vector<224x224xf32>
    %swap3A_2942 = vector.shape_cast %max3A_2936 : vector<224x224xf32> to vector<1x224x224xf32>
    tpu.vector_store %arg11[%swap3A_2937, %swap3A_2938, %swap3A_2939], %swap3A_2942 {strides = array<i32>} : memref<8x224x224xf32, #tpu.memory_space<vmem>>, vector<1x224x224xf32>,
    %max3A_2943 = arith.constant 0.000000e+00 : f32
    %max3A_2944 = vector.broadcast %max3A_2943 : f32 to vector<224x224xf32>
    %max3A_2945 = arith.maximumf %add3A_2880, %max3A_2944 : vector<224x224xf32>
    %swap3A_2946 = arith.constant 7 : index
    %swap3A_2947 = arith.constant 0 : index
    %swap3A_2948 = arith.constant 0 : index
    %swap3A_2949 = vector.load %arg11[%swap3A_2946, %swap3A_2947, %swap3A_2948] : memref<8x224x224xf32, #tpu.memory_space<vmem>>, vector<1x224x224xf32>
    %swap3A_2950 = vector.shape_cast %swap3A_2949 : vector<1x224x224xf32> to vector<224x224xf32>
    %swap3A_2951 = vector.shape_cast %max3A_2945 : vector<224x224xf32> to vector<1x224x224xf32>
    tpu.vector_store %arg11[%swap3A_2946, %swap3A_2947, %swap3A_2948], %swap3A_2951 {strides = array<i32>} : memref<8x224x224xf32, #tpu.memory_space<vmem>>, vector<1x224x224xf32>,
    %broadcast_in_dim3A_2952 = arith.constant 0.000000e+00 : f32
    %broadcast_in_dim3A_2953 = vector.broadcast %broadcast_in_dim3A_2952 : f32 to vector<224x224xf32>
    %broadcast_in_dim3A_2954 = arith.constant 0.000000e+00 : f32
    %broadcast_in_dim3A_2955 = vector.broadcast %broadcast_in_dim3A_2954 : f32 to vector<224x224xf32>
    %broadcast_in_dim3A_2956 = arith.constant 0.000000e+00 : f32
    %broadcast_in_dim3A_2957 = vector.broadcast %broadcast_in_dim3A_2956 : f32 to vector<224x224xf32>
    %get3A_2958 = arith.constant 0 : index
    %get3A_2959 = arith.constant 0 : index
    %get3A_2960 = arith.constant 0 : index
    %get3A_2961 = vector.load %arg11[%get3A_2958, %get3A_2959, %get3A_2960] : memref<8x224x224xf32, #tpu.memory_space<vmem>>, vector<1x224x224xf32>
    %get3A_2962 = vector.shape_cast %get3A_2961 : vector<1x224x224xf32> to vector<224x224xf32>
    %get3A_2963 = arith.constant 0 : index
    %get3A_2964 = memref.load %arg7[%get3A_2963] : memref<24xf32, #tpu.memory_space<smem>>
    %mul3A_2965 = vector.broadcast %get3A_2964 : f32 to vector<224x224xf32>
    %mul3A_2966 = arith.mulf %get3A_2962, %mul3A_2965 : vector<224x224xf32>
    %add3A_2967 = arith.addf %broadcast_in_dim3A_2953, %mul3A_2966 : vector<224x224xf32>
    %get3A_2968 = arith.constant 8 : index
    %get3A_2969 = memref.load %arg7[%get3A_2968] : memref<24xf32, #tpu.memory_space<smem>>
    %mul3A_2970 = vector.broadcast %get3A_2969 : f32 to vector<224x224xf32>
    %mul3A_2971 = arith.mulf %get3A_2962, %mul3A_2970 : vector<224x224xf32>
    %add3A_2972 = arith.addf %broadcast_in_dim3A_2955, %mul3A_2971 : vector<224x224xf32>
    %get3A_2973 = arith.constant 16 : index
    %get3A_2974 = memref.load %arg7[%get3A_2973] : memref<24xf32, #tpu.memory_space<smem>>
    %mul3A_2975 = vector.broadcast %get3A_2974 : f32 to vector<224x224xf32>
    %mul3A_2976 = arith.mulf %get3A_2962, %mul3A_2975 : vector<224x224xf32>
    %add3A_2977 = arith.addf %broadcast_in_dim3A_2957, %mul3A_2976 : vector<224x224xf32>
    %get3A_2978 = arith.constant 1 : index
    %get3A_2979 = arith.constant 0 : index
    %get3A_2980 = arith.constant 0 : index
    %get3A_2981 = vector.load %arg11[%get3A_2978, %get3A_2979, %get3A_2980] : memref<8x224x224xf32, #tpu.memory_space<vmem>>, vector<1x224x224xf32>
    %get3A_2982 = vector.shape_cast %get3A_2981 : vector<1x224x224xf32> to vector<224x224xf32>
    %get3A_2983 = arith.constant 1 : index
    %get3A_2984 = memref.load %arg7[%get3A_2983] : memref<24xf32, #tpu.memory_space<smem>>
    %mul3A_2985 = vector.broadcast %get3A_2984 : f32 to vector<224x224xf32>
    %mul3A_2986 = arith.mulf %get3A_2982, %mul3A_2985 : vector<224x224xf32>
    %add3A_2987 = arith.addf %add3A_2967, %mul3A_2986 : vector<224x224xf32>
    %get3A_2988 = arith.constant 9 : index
    %get3A_2989 = memref.load %arg7[%get3A_2988] : memref<24xf32, #tpu.memory_space<smem>>
    %mul3A_2990 = vector.broadcast %get3A_2989 : f32 to vector<224x224xf32>
    %mul3A_2991 = arith.mulf %get3A_2982, %mul3A_2990 : vector<224x224xf32>
    %add3A_2992 = arith.addf %add3A_2972, %mul3A_2991 : vector<224x224xf32>
    %get3A_2993 = arith.constant 17 : index
    %get3A_2994 = memref.load %arg7[%get3A_2993] : memref<24xf32, #tpu.memory_space<smem>>
    %mul3A_2995 = vector.broadcast %get3A_2994 : f32 to vector<224x224xf32>
    %mul3A_2996 = arith.mulf %get3A_2982, %mul3A_2995 : vector<224x224xf32>
    %add3A_2997 = arith.addf %add3A_2977, %mul3A_2996 : vector<224x224xf32>
    %get3A_2998 = arith.constant 2 : index
    %get3A_2999 = arith.constant 0 : index
    %get3A_3000 = arith.constant 0 : index
    %get3A_3001 = vector.load %arg11[%get3A_2998, %get3A_2999, %get3A_3000] : memref<8x224x224xf32, #tpu.memory_space<vmem>>, vector<1x224x224xf32>
    %get3A_3002 = vector.shape_cast %get3A_3001 : vector<1x224x224xf32> to vector<224x224xf32>
    %get3A_3003 = arith.constant 2 : index
    %get3A_3004 = memref.load %arg7[%get3A_3003] : memref<24xf32, #tpu.memory_space<smem>>
    %mul3A_3005 = vector.broadcast %get3A_3004 : f32 to vector<224x224xf32>
    %mul3A_3006 = arith.mulf %get3A_3002, %mul3A_3005 : vector<224x224xf32>
    %add3A_3007 = arith.addf %add3A_2987, %mul3A_3006 : vector<224x224xf32>
    %get3A_3008 = arith.constant 10 : index
    %get3A_3009 = memref.load %arg7[%get3A_3008] : memref<24xf32, #tpu.memory_space<smem>>
    %mul3A_3010 = vector.broadcast %get3A_3009 : f32 to vector<224x224xf32>
    %mul3A_3011 = arith.mulf %get3A_3002, %mul3A_3010 : vector<224x224xf32>
    %add3A_3012 = arith.addf %add3A_2992, %mul3A_3011 : vector<224x224xf32>
    %get3A_3013 = arith.constant 18 : index
    %get3A_3014 = memref.load %arg7[%get3A_3013] : memref<24xf32, #tpu.memory_space<smem>>
    %mul3A_3015 = vector.broadcast %get3A_3014 : f32 to vector<224x224xf32>
    %mul3A_3016 = arith.mulf %get3A_3002, %mul3A_3015 : vector<224x224xf32>
    %add3A_3017 = arith.addf %add3A_2997, %mul3A_3016 : vector<224x224xf32>
    %get3A_3018 = arith.constant 3 : index
    %get3A_3019 = arith.constant 0 : index
    %get3A_3020 = arith.constant 0 : index
    %get3A_3021 = vector.load %arg11[%get3A_3018, %get3A_3019, %get3A_3020] : memref<8x224x224xf32, #tpu.memory_space<vmem>>, vector<1x224x224xf32>
    %get3A_3022 = vector.shape_cast %get3A_3021 : vector<1x224x224xf32> to vector<224x224xf32>
    %get3A_3023 = arith.constant 3 : index
    %get3A_3024 = memref.load %arg7[%get3A_3023] : memref<24xf32, #tpu.memory_space<smem>>
    %mul3A_3025 = vector.broadcast %get3A_3024 : f32 to vector<224x224xf32>
    %mul3A_3026 = arith.mulf %get3A_3022, %mul3A_3025 : vector<224x224xf32>
    %add3A_3027 = arith.addf %add3A_3007, %mul3A_3026 : vector<224x224xf32>
    %get3A_3028 = arith.constant 11 : index
    %get3A_3029 = memref.load %arg7[%get3A_3028] : memref<24xf32, #tpu.memory_space<smem>>
    %mul3A_3030 = vector.broadcast %get3A_3029 : f32 to vector<224x224xf32>
    %mul3A_3031 = arith.mulf %get3A_3022, %mul3A_3030 : vector<224x224xf32>
    %add3A_3032 = arith.addf %add3A_3012, %mul3A_3031 : vector<224x224xf32>
    %get3A_3033 = arith.constant 19 : index
    %get3A_3034 = memref.load %arg7[%get3A_3033] : memref<24xf32, #tpu.memory_space<smem>>
    %mul3A_3035 = vector.broadcast %get3A_3034 : f32 to vector<224x224xf32>
    %mul3A_3036 = arith.mulf %get3A_3022, %mul3A_3035 : vector<224x224xf32>
    %add3A_3037 = arith.addf %add3A_3017, %mul3A_3036 : vector<224x224xf32>
    %get3A_3038 = arith.constant 4 : index
    %get3A_3039 = arith.constant 0 : index
    %get3A_3040 = arith.constant 0 : index
    %get3A_3041 = vector.load %arg11[%get3A_3038, %get3A_3039, %get3A_3040] : memref<8x224x224xf32, #tpu.memory_space<vmem>>, vector<1x224x224xf32>
    %get3A_3042 = vector.shape_cast %get3A_3041 : vector<1x224x224xf32> to vector<224x224xf32>
    %get3A_3043 = arith.constant 4 : index
    %get3A_3044 = memref.load %arg7[%get3A_3043] : memref<24xf32, #tpu.memory_space<smem>>
    %mul3A_3045 = vector.broadcast %get3A_3044 : f32 to vector<224x224xf32>
    %mul3A_3046 = arith.mulf %get3A_3042, %mul3A_3045 : vector<224x224xf32>
    %add3A_3047 = arith.addf %add3A_3027, %mul3A_3046 : vector<224x224xf32>
    %get3A_3048 = arith.constant 12 : index
    %get3A_3049 = memref.load %arg7[%get3A_3048] : memref<24xf32, #tpu.memory_space<smem>>
    %mul3A_3050 = vector.broadcast %get3A_3049 : f32 to vector<224x224xf32>
    %mul3A_3051 = arith.mulf %get3A_3042, %mul3A_3050 : vector<224x224xf32>
    %add3A_3052 = arith.addf %add3A_3032, %mul3A_3051 : vector<224x224xf32>
    %get3A_3053 = arith.constant 20 : index
    %get3A_3054 = memref.load %arg7[%get3A_3053] : memref<24xf32, #tpu.memory_space<smem>>
    %mul3A_3055 = vector.broadcast %get3A_3054 : f32 to vector<224x224xf32>
    %mul3A_3056 = arith.mulf %get3A_3042, %mul3A_3055 : vector<224x224xf32>
    %add3A_3057 = arith.addf %add3A_3037, %mul3A_3056 : vector<224x224xf32>
    %get3A_3058 = arith.constant 5 : index
    %get3A_3059 = arith.constant 0 : index
    %get3A_3060 = arith.constant 0 : index
    %get3A_3061 = vector.load %arg11[%get3A_3058, %get3A_3059, %get3A_3060] : memref<8x224x224xf32, #tpu.memory_space<vmem>>, vector<1x224x224xf32>
    %get3A_3062 = vector.shape_cast %get3A_3061 : vector<1x224x224xf32> to vector<224x224xf32>
    %get3A_3063 = arith.constant 5 : index
    %get3A_3064 = memref.load %arg7[%get3A_3063] : memref<24xf32, #tpu.memory_space<smem>>
    %mul3A_3065 = vector.broadcast %get3A_3064 : f32 to vector<224x224xf32>
    %mul3A_3066 = arith.mulf %get3A_3062, %mul3A_3065 : vector<224x224xf32>
    %add3A_3067 = arith.addf %add3A_3047, %mul3A_3066 : vector<224x224xf32>
    %get3A_3068 = arith.constant 13 : index
    %get3A_3069 = memref.load %arg7[%get3A_3068] : memref<24xf32, #tpu.memory_space<smem>>
    %mul3A_3070 = vector.broadcast %get3A_3069 : f32 to vector<224x224xf32>
    %mul3A_3071 = arith.mulf %get3A_3062, %mul3A_3070 : vector<224x224xf32>
    %add3A_3072 = arith.addf %add3A_3052, %mul3A_3071 : vector<224x224xf32>
    %get3A_3073 = arith.constant 21 : index
    %get3A_3074 = memref.load %arg7[%get3A_3073] : memref<24xf32, #tpu.memory_space<smem>>
    %mul3A_3075 = vector.broadcast %get3A_3074 : f32 to vector<224x224xf32>
    %mul3A_3076 = arith.mulf %get3A_3062, %mul3A_3075 : vector<224x224xf32>
    %add3A_3077 = arith.addf %add3A_3057, %mul3A_3076 : vector<224x224xf32>
    %get3A_3078 = arith.constant 6 : index
    %get3A_3079 = arith.constant 0 : index
    %get3A_3080 = arith.constant 0 : index
    %get3A_3081 = vector.load %arg11[%get3A_3078, %get3A_3079, %get3A_3080] : memref<8x224x224xf32, #tpu.memory_space<vmem>>, vector<1x224x224xf32>
    %get3A_3082 = vector.shape_cast %get3A_3081 : vector<1x224x224xf32> to vector<224x224xf32>
    %get3A_3083 = arith.constant 6 : index
    %get3A_3084 = memref.load %arg7[%get3A_3083] : memref<24xf32, #tpu.memory_space<smem>>
    %mul3A_3085 = vector.broadcast %get3A_3084 : f32 to vector<224x224xf32>
    %mul3A_3086 = arith.mulf %get3A_3082, %mul3A_3085 : vector<224x224xf32>
    %add3A_3087 = arith.addf %add3A_3067, %mul3A_3086 : vector<224x224xf32>
    %get3A_3088 = arith.constant 14 : index
    %get3A_3089 = memref.load %arg7[%get3A_3088] : memref<24xf32, #tpu.memory_space<smem>>
    %mul3A_3090 = vector.broadcast %get3A_3089 : f32 to vector<224x224xf32>
    %mul3A_3091 = arith.mulf %get3A_3082, %mul3A_3090 : vector<224x224xf32>
    %add3A_3092 = arith.addf %add3A_3072, %mul3A_3091 : vector<224x224xf32>
    %get3A_3093 = arith.constant 22 : index
    %get3A_3094 = memref.load %arg7[%get3A_3093] : memref<24xf32, #tpu.memory_space<smem>>
    %mul3A_3095 = vector.broadcast %get3A_3094 : f32 to vector<224x224xf32>
    %mul3A_3096 = arith.mulf %get3A_3082, %mul3A_3095 : vector<224x224xf32>
    %add3A_3097 = arith.addf %add3A_3077, %mul3A_3096 : vector<224x224xf32>
    %get3A_3098 = arith.constant 7 : index
    %get3A_3099 = arith.constant 0 : index
    %get3A_3100 = arith.constant 0 : index
    %get3A_3101 = vector.load %arg11[%get3A_3098, %get3A_3099, %get3A_3100] : memref<8x224x224xf32, #tpu.memory_space<vmem>>, vector<1x224x224xf32>
    %get3A_3102 = vector.shape_cast %get3A_3101 : vector<1x224x224xf32> to vector<224x224xf32>
    %get3A_3103 = arith.constant 7 : index
    %get3A_3104 = memref.load %arg7[%get3A_3103] : memref<24xf32, #tpu.memory_space<smem>>
    %mul3A_3105 = vector.broadcast %get3A_3104 : f32 to vector<224x224xf32>
    %mul3A_3106 = arith.mulf %get3A_3102, %mul3A_3105 : vector<224x224xf32>
    %add3A_3107 = arith.addf %add3A_3087, %mul3A_3106 : vector<224x224xf32>
    %get3A_3108 = arith.constant 15 : index
    %get3A_3109 = memref.load %arg7[%get3A_3108] : memref<24xf32, #tpu.memory_space<smem>>
    %mul3A_3110 = vector.broadcast %get3A_3109 : f32 to vector<224x224xf32>
    %mul3A_3111 = arith.mulf %get3A_3102, %mul3A_3110 : vector<224x224xf32>
    %add3A_3112 = arith.addf %add3A_3092, %mul3A_3111 : vector<224x224xf32>
    %get3A_3113 = arith.constant 23 : index
    %get3A_3114 = memref.load %arg7[%get3A_3113] : memref<24xf32, #tpu.memory_space<smem>>
    %mul3A_3115 = vector.broadcast %get3A_3114 : f32 to vector<224x224xf32>
    %mul3A_3116 = arith.mulf %get3A_3102, %mul3A_3115 : vector<224x224xf32>
    %add3A_3117 = arith.addf %add3A_3097, %mul3A_3116 : vector<224x224xf32>
    %logistic3A = arith.negf %add3A_3107 : vector<224x224xf32>
    %logistic3A_3118 = math.exp %logistic3A : vector<224x224xf32>
    %logistic3A_3119 = arith.constant 1.000000e+00 : f32
    %logistic3A_3120 = vector.broadcast %logistic3A_3119 : f32 to vector<224x224xf32>
    %logistic3A_3121 = arith.addf %logistic3A_3120, %logistic3A_3118 : vector<224x224xf32>
    %logistic3A_3122 = arith.divf %logistic3A_3120, %logistic3A_3121 : vector<224x224xf32>
    %swap3A_3123 = arith.constant 0 : index
    %swap3A_3124 = arith.constant 0 : index
    %swap3A_3125 = arith.constant 0 : index
    %swap3A_3126 = arith.constant 0 : index
    %swap3A_3127 = vector.load %arg8[%swap3A_3123, %swap3A_3124, %swap3A_3125, %swap3A_3126] : memref<1x3x224x224xf32, #tpu.memory_space<vmem>>, vector<1x1x224x224xf32>
    %swap3A_3128 = vector.shape_cast %swap3A_3127 : vector<1x1x224x224xf32> to vector<224x224xf32>
    %swap3A_3129 = vector.shape_cast %logistic3A_3122 : vector<224x224xf32> to vector<1x1x224x224xf32>
    tpu.vector_store %arg8[%swap3A_3123, %swap3A_3124, %swap3A_3125, %swap3A_3126], %swap3A_3129 {strides = array<i32>} : memref<1x3x224x224xf32, #tpu.memory_space<vmem>>, vector<1x1x224x224xf32>,
    %logistic3A_3130 = arith.negf %add3A_3112 : vector<224x224xf32>
    %logistic3A_3131 = math.exp %logistic3A_3130 : vector<224x224xf32>
    %logistic3A_3132 = arith.constant 1.000000e+00 : f32
    %logistic3A_3133 = vector.broadcast %logistic3A_3132 : f32 to vector<224x224xf32>
    %logistic3A_3134 = arith.addf %logistic3A_3133, %logistic3A_3131 : vector<224x224xf32>
    %logistic3A_3135 = arith.divf %logistic3A_3133, %logistic3A_3134 : vector<224x224xf32>
    %swap3A_3136 = arith.constant 0 : index
    %swap3A_3137 = arith.constant 1 : index
    %swap3A_3138 = arith.constant 0 : index
    %swap3A_3139 = arith.constant 0 : index
    %swap3A_3140 = vector.load %arg8[%swap3A_3136, %swap3A_3137, %swap3A_3138, %swap3A_3139] : memref<1x3x224x224xf32, #tpu.memory_space<vmem>>, vector<1x1x224x224xf32>
    %swap3A_3141 = vector.shape_cast %swap3A_3140 : vector<1x1x224x224xf32> to vector<224x224xf32>
    %swap3A_3142 = vector.shape_cast %logistic3A_3135 : vector<224x224xf32> to vector<1x1x224x224xf32>
    tpu.vector_store %arg8[%swap3A_3136, %swap3A_3137, %swap3A_3138, %swap3A_3139], %swap3A_3142 {strides = array<i32>} : memref<1x3x224x224xf32, #tpu.memory_space<vmem>>, vector<1x1x224x224xf32>,
    %logistic3A_3143 = arith.negf %add3A_3117 : vector<224x224xf32>
    %logistic3A_3144 = math.exp %logistic3A_3143 : vector<224x224xf32>
    %logistic3A_3145 = arith.constant 1.000000e+00 : f32
    %logistic3A_3146 = vector.broadcast %logistic3A_3145 : f32 to vector<224x224xf32>
    %logistic3A_3147 = arith.addf %logistic3A_3146, %logistic3A_3144 : vector<224x224xf32>
    %logistic3A_3148 = arith.divf %logistic3A_3146, %logistic3A_3147 : vector<224x224xf32>
    %swap3A_3149 = arith.constant 0 : index
    %swap3A_3150 = arith.constant 2 : index
    %swap3A_3151 = arith.constant 0 : index
    %swap3A_3152 = arith.constant 0 : index
    %swap3A_3153 = vector.load %arg8[%swap3A_3149, %swap3A_3150, %swap3A_3151, %swap3A_3152] : memref<1x3x224x224xf32, #tpu.memory_space<vmem>>, vector<1x1x224x224xf32>
    %swap3A_3154 = vector.shape_cast %swap3A_3153 : vector<1x1x224x224xf32> to vector<224x224xf32>
    %swap3A_3155 = vector.shape_cast %logistic3A_3148 : vector<224x224xf32> to vector<1x1x224x224xf32>
    tpu.vector_store %arg8[%swap3A_3149, %swap3A_3150, %swap3A_3151, %swap3A_3152], %swap3A_3155 {strides = array<i32>} : memref<1x3x224x224xf32, #tpu.memory_space<vmem>>, vector<1x1x224x224xf32>,
    return
  }
  func.func @transform_0(%arg0: i32) -> (i32, i32, i32, i32) {
    %c0_i32 = arith.constant 0 : i32
    %c0_i32_0 = arith.constant 0 : i32
    %c0_i32_1 = arith.constant 0 : i32
    %c0_i32_2 = arith.constant 0 : i32
    return %arg0, %c0_i32, %c0_i32_0, %c0_i32_1 : i32, i32, i32, i32
  }
  func.func @transform_1(%arg0: i32) -> (i32, i32) {
    %c0_i32 = arith.constant 0 : i32
    %c0_i32_0 = arith.constant 0 : i32
    %c0_i32_1 = arith.constant 0 : i32
    return %c0_i32, %c0_i32_0 : i32, i32
  }
  func.func @transform_2(%arg0: i32) -> (i32, i32) {
    %c0_i32 = arith.constant 0 : i32
    %c0_i32_0 = arith.constant 0 : i32
    %c0_i32_1 = arith.constant 0 : i32
    return %c0_i32, %c0_i32_0 : i32, i32
  }
  func.func @transform_3(%arg0: i32) -> i32 {
    %c0_i32 = arith.constant 0 : i32
    %c0_i32_0 = arith.constant 0 : i32
    return %c0_i32 : i32
  }
  func.func @transform_4(%arg0: i32) -> i32 {
    %c0_i32 = arith.constant 0 : i32
    %c0_i32_0 = arith.constant 0 : i32
    return %c0_i32 : i32
  }
  func.func @transform_5(%arg0: i32) -> i32 {
    %c0_i32 = arith.constant 0 : i32
    %c0_i32_0 = arith.constant 0 : i32
    return %c0_i32 : i32
  }
  func.func @transform_6(%arg0: i32) -> i32 {
    %c0_i32 = arith.constant 0 : i32
    %c0_i32_0 = arith.constant 0 : i32
    return %c0_i32 : i32
  }
  func.func @transform_7(%arg0: i32) -> (i32, i32, i32, i32) {
    %c0_i32 = arith.constant 0 : i32
    %c0_i32_0 = arith.constant 0 : i32
    %c0_i32_1 = arith.constant 0 : i32
    %c0_i32_2 = arith.constant 0 : i32
    return %arg0, %c0_i32, %c0_i32_0, %c0_i32_1 : i32, i32, i32, i32
  }
}

</mosaic_0001>

<sc_bundles>
// kernel: kernel.6.cloned.1.call-start
scs
__scs_entry_jumppad:
0x0: {  	(pc) =	sbr.rel $0x88, $3  }
0x1: {  	(tag) =	ssettag $0x0;
	lr =	simm.s32 $0x1  }
0x2: {  	[smem:$0x3F99] =	sst lr;
	_ =	strace $0xD0000000  }
0x3: {  	_ = 	snop  }
0x4: {  	_ = 	snop  }
0x5: {  	_ = 	snop  }
0x6: {  	_ = 	snop  }
0x7: {  	_ = 	snop  }
__scs_overlays_trampoline_lowered:
0x8: {  	[smem:$0x3FA8] =	sst s0  }
0x9: {  	[smem:$0x3FA9] =	sst s1  }
0xa: {  	[smem:$0x3FAA] =	sst s2  }
0xb: {  	[smem:$0x3FAB] =	sst s3  }
0xc: {  	[smem:$0x3FAC] =	sst s4  }
0xd: {  	[smem:$0x3FAD] =	sst s5  }
0xe: {  	[smem:$0x3FAE] =	sst s6  }
0xf: {  	[smem:$0x3FAF] =	sst s7  }
0x10: {  	[smem:$0x3FB0] =	sst s8  }
0x11: {  	[smem:$0x3FB1] =	sst s9;
	s0 =	simm.s32 @!p0 $0x0  }
0x12: {  	s1 =	sld [smem:$0x3F97];
	s0 =	simm.s32 @p0 $0x1  }
0x13: {  	[smem:$0x3FB2] =	sst s0;
	s0 =	simm.s32 @!p1 $0x0  }
0x14: {  	s2 =	sld [smem:$0x3F96];
	s0 =	simm.s32 @p1 $0x1  }
0x15: {  	[smem:$0x3FB3] =	sst s0;
	s0 =	simm.s32 @!p2 $0x0  }
0x16: {  	s3 =	sld [smem:$0x3FDB];
	s0 =	simm.s32 @p2 $0x1  }
0x17: {  	s4 =	simm.s32 $0x1BF5;
	[smem:$0x3FB5] =	sst s0  }
0x18: {  	s0 =	sld [smem:$0x3F98];
	_ =	swait.ge [sflag:s4], $0x0  }
0x19: {  	s7 =	sld [smem:$0x3F99]  }
0x1a: {  	s8 =	sadd.s32 $0xFFFFE003, lr  }
0x1b: {  	s9 =	sadd.s32 $0xFFFFFEF7, lr;
	s5 =	simm.s32 $0xFFFFFFFF;
	p2 =	slt.u32 s8, $0xFFFFF086  }
0x1c: {  	p1 =	slt.u32 s9, $0xF7A;
	s5 =	simm.s32 @!p2 $0x0  }
0x1d: {  	s5 =	simm.s32 @p1 $0x1;
	p0 =	seq.s32 s7, s2  }
0x1e: {  	s7 =	smul.u32 @!p0 $0xF7A, s2;
	p2 =	seq.s32 @!p0 s5, $0x0  }
0x1f: {  	s9 =	smul.u32 $0xF7A, s1;
	s8 =	simm.s32 @!p0 $0x1BF5;
	p2 =	por !p2, p0  }
0x20: {  	[sflag:s8] =	ssyncset.s32 @!p0 $0xFFFFF086;
	s6 =	sadd.s32 @!p0 s3, s7;
	s7 =	simm.s32 @!p0 $0x108  }
0x21: {  	s3 =	sadd.s32 s3, s9;
	s6 =	sadd.s32 @!p0 $0x88, s6;
	s7 =	simm.s32 @p2 $0x1082  }
0x22: {  	[simem:s7], [sflag:s8] =	dma.local @!p0 [hbm:s6], $0xF7A  }
0x23: {  	s9 =	sor.u32 $0xD0000000, s2;
	s6 =	simm.s32 $0x108;
	_ =	swait.ge @!p0 [sflag:s8], $0x0  }
0x24: {  	s3 =	sadd.s32 $0x88, s3;
	s6 =	simm.s32 @!p1 $0x1082;
	[sflag:s4] =	ssyncset.s32 $0xFFFFF086  }
0x25: {  	[simem:s6], [sflag:s4] =	dma.local [hbm:s3], $0xF7A  }
0x26: {  	[smem:$0x3F99] =	sst s1;
	(tag) =	ssettag s2;
	_ =	strace s9  }
0x27: {  	s1 =	sld [smem:$0x3FA9]  }
0x28: {  	s2 =	sld [smem:$0x3FAA]  }
0x29: {  	s4 =	sld [smem:$0x3FAC]  }
0x2a: {  	p0 =	seq.s32 s5, $0x0;
	s5 =	sld [smem:$0x3FAD]  }
0x2b: {  	s6 =	sld [smem:$0x3FAE]  }
0x2c: {  	s7 =	sld [smem:$0x3FAF]  }
0x2d: {  	s3 =	simm.s32 $0x108;
	s8 =	sld [smem:$0x3FB0]  }
0x2e: {  	s3 =	simm.s32 @!p0 $0x1082;
	s9 =	sld [smem:$0x3FB1]  }
0x2f: {  	lr =	sadd.s32 s0, s3;
	s0 =	sld [smem:$0x3FA8]  }
0x30: {  	s3 =	sld [smem:$0x3FAB]  }
0x31: {  	[smem:$0x3FB4] =	sst s10  }
0x32: {  	s10 =	sld [smem:$0x3FB2];
	_ =	sdelay $0x3  }
0x33: {  	p0 =	seq.s32 s10, $0x1;
	s10 =	sld [smem:$0x3FB4];
	_ =	sdelay $0x3  }
0x34: {  	[smem:$0x3FB4] =	sst s10  }
0x35: {  	s10 =	sld [smem:$0x3FB3];
	_ =	sdelay $0x3  }
0x36: {  	p1 =	seq.s32 s10, $0x1;
	s10 =	sld [smem:$0x3FB4];
	_ =	sdelay $0x3  }
0x37: {  	[smem:$0x3FB4] =	sst s10  }
0x38: {  	s10 =	sld [smem:$0x3FB5]  }
0x39: {  	_ = 	snop;
	(pc) =	sbr.ind lr, $3  }
0x3a: {  	_ = 	snop  }
0x3b: {  	_ = 	snop  }
0x3c: {  	p2 =	seq.s32 s10, $0x1;
	s10 =	sld [smem:$0x3FB4]  }
0x3d: {  	_ =	shalt  }
0x3e: {  	_ =	shalt  }
0x3f: {  	_ =	shalt  }
0x40: {  	_ =	shalt  }
0x41: {  	_ =	shalt  }
0x42: {  	_ =	shalt  }
0x43: {  	_ =	shalt  }
0x44: {  	_ =	shalt  }
0x45: {  	_ =	shalt  }
0x46: {  	_ =	shalt  }
0x47: {  	_ =	shalt  }
0x48: {  	_ =	shalt  }
0x49: {  	_ =	shalt  }
0x4a: {  	_ =	shalt  }
0x4b: {  	_ =	shalt  }
0x4c: {  	_ =	shalt  }
0x4d: {  	_ =	shalt  }
0x4e: {  	_ =	shalt  }
0x4f: {  	_ =	shalt  }
0x50: {  	_ =	shalt  }
0x51: {  	_ =	shalt  }
0x52: {  	_ =	shalt  }
0x53: {  	_ =	shalt  }
0x54: {  	_ =	shalt  }
0x55: {  	_ =	shalt  }
0x56: {  	_ =	shalt  }
0x57: {  	_ =	shalt  }
0x58: {  	_ =	shalt  }
0x59: {  	_ =	shalt  }
0x5a: {  	_ =	shalt  }
0x5b: {  	_ =	shalt  }
0x5c: {  	_ =	shalt  }
0x5d: {  	_ =	shalt  }
0x5e: {  	_ =	shalt  }
0x5f: {  	_ =	shalt  }
0x60: {  	_ =	shalt  }
0x61: {  	_ =	shalt  }
0x62: {  	_ =	shalt  }
0x63: {  	_ =	shalt  }
0x64: {  	_ =	shalt  }
0x65: {  	_ =	shalt  }
0x66: {  	_ =	shalt  }
0x67: {  	_ =	shalt  }
0x68: {  	_ =	shalt  }
0x69: {  	_ =	shalt  }
0x6a: {  	_ =	shalt  }
0x6b: {  	_ =	shalt  }
0x6c: {  	_ =	shalt  }
0x6d: {  	_ =	shalt  }
0x6e: {  	_ =	shalt  }
0x6f: {  	_ =	shalt  }
0x70: {  	_ =	shalt  }
0x71: {  	_ =	shalt  }
0x72: {  	_ =	shalt  }
0x73: {  	_ =	shalt  }
0x74: {  	_ =	shalt  }
0x75: {  	_ =	shalt  }
0x76: {  	_ =	shalt  }
0x77: {  	_ =	shalt  }
0x78: {  	_ =	shalt  }
0x79: {  	_ =	shalt  }
0x7a: {  	_ =	shalt  }
0x7b: {  	_ =	shalt  }
0x7c: {  	_ =	shalt  }
0x7d: {  	_ =	shalt  }
0x7e: {  	_ =	shalt  }
0x7f: {  	_ =	shalt  }
0x80: {  	_ =	shalt  }
0x81: {  	_ =	shalt  }
0x82: {  	_ =	shalt  }
0x83: {  	_ =	shalt  }
0x84: {  	_ =	shalt  }
0x85: {  	_ =	shalt  }
0x86: {  	_ =	shalt  }
0x87: {  	_ =	shalt  }
.Lfunc_end0:
.L_simem_size_0:
called_computation_lowered:
.L_overlay_start_0:
0x88: {  	s2 =	sld [smem:$0x3FD9]  }
0x89: {  	s3 =	sld [smem:$0x3FFE];
	_ =	sdelay $0x1  }
0x8a: {  	s1 =	srdreg.scid  }
0x8b: {  	s0 =	sand.u32 $0x1, s1  }
0x8c: {  	s17 =	sshll.u32 s0, $0xA;
	s2 =	sadd.s32 s3, s2  }
0x8d: {  	s2 =	sadd.s32 s2, s17  }
0x8e: {  	[smem:$0x3FC0] =	sst s2  }
0x8f: {  	_ = 	snop  }
0x90: {  	s2 =	sld [smem:$0x3FC9]  }
0x91: {  	s18 =	sld [smem:$0x3FC8];
	(tm) =	ssettm $0x1  }
0x92: {  	s4 =	sld [smem:$0x3FFB];
	_ =	sdelay $0x3  }
0x93: {  	_ =	strace s4  }
0x94: {  	s4 =	sld [smem:$0x3FFC];
	_ =	sdelay $0x3  }
0x95: {  	_ =	strace s4  }
0x96: {  	s4 =	sld [smem:$0x3FFD];
	_ =	sdelay $0x3  }
0x97: {  	_ =	strace s4  }
0x98: {  	_ =	strace $0x8FFFFFFF  }
0x99: {  	s19 =	sld [smem:$0x3FDB];
	_ =	sdelay $0x1  }
0x9a: {  	s5 =	simm.s32 $_scs_section_size  }
0x9b: {  	s6 =	simm.s32 $_size__tile_overlayer_lowered;
	s7 =	simm.s32 $_tile_overlayer_lowered  }
0x9c: {  	s22 =	simm.s32 $0x1BFF;
	s21 =	sshll.u32 s7, $0x1;
	s4 =	sadd.s32 s5, s19  }
0x9d: {  	s8 =	simm.s32 $0x0;
	s20 =	sshll.u32 s6, $0x1;
	s6 =	sadd.s32 s21, s4  }
0x9e: {  	[timem:s8], [sflag:s22] =	dma.local [hbm:s6], s20  }
0x9f: {  	_ =	swait.ge [sflag:s22], s20  }
0xa0: {  	s5 =	ssub.s32 $0x0, s20;
	[sflag:s22] =	ssyncset.done $0x0  }
0xa1: {  	[sflag:s22] =	ssyncadd.s32 s5;
	_ =	sdelay $0x1  }
0xa2: {  	s23 =	simm.s32 $0x1B8B  }
0xa3: {  	_ =	swait.ge [sflag:s23], $0x1  }
0xa4: {  	[sflag:s23] =	ssyncset.done $0x0  }
0xa5: {  	s25 =	simm.s32 $0x1B8E;
	s24 =	sld [smem:$0x3FFE];
	[sflag:s23] =	ssyncadd.s32 $0xFFFFFFFF  }
0xa6: {  	s26 =	simm.s32 $execute0_lowered;
	[smem:$0x3FD2] =	sst s25  }
0xa7: {  	s6 =	sshll.u32 s26, $0x1;
	_ =	strace $0x80000046;
	[dreg:$0x1] =	wrdreg $0xFFFFFFFF  }
0xa8: {  	s28 =	simm.s32 $_size_execute0_lowered;
	s4 =	sadd.s32 s4, s6;
	[dreg:$0x0] =	wrdreg $0x0  }
0xa9: {  	s6 =	sshll.u32 s28, $0x1;
	[dreg:$0x2] =	wrdreg s4  }
0xaa: {  	[dreg:$0x3] =	wrdreg s6  }
0xab: {  	[dreg:$0x4] =	wrdreg $0xC0  }
0xac: {  	_ =	task [dreg:s8], $0x5FFFF  }
0xad: {  	[dreg:$0x1] =	wrdreg $0xFFFFFFFF  }
0xae: {  	[dreg:$0x0] =	wrdreg $0x60  }
0xaf: {  	[dreg:$0x2] =	wrdreg s24  }
0xb0: {  	[dreg:$0x3] =	wrdreg s2  }
0xb1: {  	[dreg:$0x4] =	wrdreg s18  }
0xb2: {  	[dreg:$0x5] =	wrdreg $0x9  }
0xb3: {  	_ =	task.clear_ibuf [dreg:s8], $0x6FFFF;
	_ =	strace $0x90000046  }
0xb4: {  	s29 =	simm.s32 $0x9;
	_ =	strace $0x80000048  }
0xb5: {  	_ =	swait.ge [sflag:s29], $0x1  }
0xb6: {  	[sflag:s29] =	ssyncadd.s32 $0xFFFFFFFF  }
0xb7: {  	_ =	strace $0x90000048  }
0xb8: {  	_ =	sfence  }
0xb9: {  	s30 =	sld [smem:$0x0];
	_ =	sdelay $0x2  }
0xba: {  	s31 =	sshll.u32 s1, $0xD;
	s1 =	sshrl.u32 s1, $0x2  }
0xbb: {  	s3 =	sand.u32 $0x4000, s31;
	s1 =	sadd.s32 s1, s30  }
0xbc: {  	s0 =	sor.u32 s3, s0;
	s1 =	sshll.u32 s1, $0x11  }
0xbd: {  	s0 =	sor.u32 s1, s0  }
0xbe: {  	s0 =	sadd.s32 $0x8F2B, s0  }
0xbf: {  	[sflag:s0] =	ssyncadd.remote.s32 $0x1  }
0xc0: {  	_ =	sfence.sel $0xFFFF  }
0xc1: {  	[dreg:$0x0] =	wrdreg $0xFFFFFFFF;
	(pc) =	sbr.abs _section_cstart, $3  }
0xc2: {  	[dreg:$0x1] =	wrdreg $0xFFFFFFFF  }
0xc3: {  	_ =	task.clear_ibuf [dreg:s8], $0x2FFFF;
	_ =	strace $0x9FFFFFFF  }
0xc4: {  	(tm) =	ssettm $0x7FFFFFFF  }
0xc5: {  	_ =	shalt  }
tec
execute0_lowered:
.L_overlay_start_1:
0x0: {  	(tag) =	ssettag $0x1  }
0x1: {  	s0 =	stileid.u32;
	s9 =	rddreg [dreg:$0x0]  }
0x2: {  	s10 =	rddreg [dreg:$0x1];
	s1 =	smul.u32 $0x56, s0  }
0x3: {  	s2 =	rddreg [dreg:$0x2];
	s3 =	srdreg.scid  }
0x4: {  	s11 =	sand.u32 $0x1, s3;
	s3 =	simm.s32 $0x0;
	s4 =	sshrl.u32 s1, $0x8  }
0x5: {  	s19 =	sshll.u32 s0, $0x1;
	[smem:$0x7FF] =	sst s3;
	s5 =	smul.u32 $0xFFFFFFFA, s4  }
0x6: {  	s8 =	sor.u32 s11, s19;
	s1 =	rddreg [dreg:$0x3];
	_ =	strace $0x80000047  }
0x7: {  	s21 =	sor.u32 $0x20, s8;
	s4 =	sshll.u32 s4, $0x3;
	s7 =	sadd.s32 s8, s5  }
0x8: {  	s5 =	simm.s32 $0x2;
	s6 =	sadd.s32 s4, s7;
	s4 =	sadd.s32 $0xE00, s9  }
0x9: {  	[tilespmem:s3], [sflag:$0x2] =	stream.linear.gather [hbm4b:s4+s3], $0x80, $0x38;
	[tilespmem:$0xE080] =	vst v63  }
0xa: {  	s20 =	sshll.u32 s6, $0x18;
	p0 =	slt.s32 s6, $0x1;
	_ =	swait.ge [sflag:s5], $0x80  }
0xb: {  	s13 =	sand.u32 $0xF, s6;
	s12 =	sshra.s32 s20, $0x1F;
	[sflag:s5] =	ssyncset.done $0x0  }
0xc: {  	p1 =	sne.s32 s13, $0x0;
	s12 =	sand.u32 $0xF, s12;
	[sflag:s5] =	ssyncadd.s32 $0xFFFFFF80  }
0xd: {  	s14 =	smul.u32 $0x2B, s21;
	p0 =	por !p0, !p1;
	s12 =	sadd.s32 s12, s6;
	v0 =	vld [tilespmem:$0x20]  }
0xe: {  	s15 =	simm.s32 $0x1;
	p0 =	por !p0, !p0;
	s12 =	sshll.u32 s12, $0x18;
	v1 =	vld [tilespmem:$0x30]  }
0xf: {  	s14 =	sshrl.u32 s14, $0x8;
	s15 =	simm.s32 @!p0 $0x0;
	v2 =	vld [tilespmem:$0x10];
	s12 =	sshra.s32 s12, $0x1C  }
0x10: {  	s22 =	smul.u32 $0xFFFFFFFA, s14;
	v3 =	vld [tilespmem:$0x0];
	s12 =	ssub.s32 s12, s15  }
0x11: {  	v4 =	vmov s12  }
0x12: {  	s14 =	sshll.u32 s14, $0x3;
	s23 =	sadd.s32 s21, s22;
	s16 =	sshll.u32 s12, $0x4;
	vm0 =	veq.s32 v4, $0x2  }
0x13: {  	v61 =	vlaneseq.u32;
	s24 =	sadd.s32 s14, s23;
	s6 =	ssub.s32 s6, s16;
	vm1 =	veq.s32 v4, $0x1;
	v6 =	vsel vm0, v0, v1  }
0x14: {  	s14 =	sshrl.u32 s24, $0x4;
	vm2 =	veq.s32 v4, $0x0;
	v5 =	vmov s6;
	v6 =	vsel vm1, v2, v6  }
0x15: {  	p0 =	sgt.u32 s0, $0x7;
	v4 =	vmov s14;
	vm3 =	veq.s32 v5, v61;
	v62 =	vsel vm2, v3, v6  }
0x16: {  	vm4 =	veq.s32 @!p0 v4, $0x2;
	v5 =	vnsel vm3, $0x0, v62  }
0x17: {  	s6 =	sand.u32 $0xF, s24;
	vm5 =	veq.s32 @!p0 v4, $0x1;
	vm6 =	veq.s32 @!p0 v4, $0x0;
	v0 =	vsel @!p0 vm4, v0, v1;
	(xrf0) =	vadd.scan.msk.s32 $0xffff, v5  }
0x18: {  	v4 =	vlaneseq.u32 @!p0;
	v1 =	vmov s6;
	v0 =	vsel @!p0 vm5, v2, v0  }
0x19: {  	vm7 =	veq.s32 @!p0 v1, v4;
	v0 =	vsel @!p0 vm6, v3, v0  }
0x1a: {  	v0 =	vnsel @!p0 vm7, $0x0, v0  }
0x1b: {  	(xrf0) =	vadd.scan.msk.s32 @!p0 $0xffff, v0;
	_ =	sdelay $0x1  }
0x1c: {  	v63, _, _ =	vpop (xrf0)  }
0x1d: {  	(v2sf) =	vpush v63, $0xF;
	_ =	sdelay $0x2  }
0x1e: {  	v0, _, _ =	vpop @!p0 (xrf0)  }
0x1f: {  	(v2sf) =	vpush @!p0 v0, $0xF;
	_ =	sdelay $0xa  }
0x20: {  	s28 =	smul.u32 $0x1C00, s8;
	s25 =	spop (v2sf)  }
0x21: {  	s29 =	sadd.s32 $0x1000, s9;
	s30 =	ssub.s32 $0x2, s11;
	s26 =	smul.u32 $0xE000, s25  }
0x22: {  	s31 =	sshrl.u32 s30, $0x1;
	p1 =	slt.s32 s7, $0x3;
	s7 =	smov.u32 s2  }
0x23: {  	s8 =	simm.s32 $0x80;
	s7 =	smov.u32 @p1 s10;
	s14 =	sshrl.u32 s26, $0x3  }
0x24: {  	s6 =	simm.s32 $0x1;
	s16 =	spop @!p0 (v2sf);
	s14 =	sadd.s32 s7, s14  }
0x25: {  	[tilespmem:s8], [sflag:$0x1] =	stream.linear.gather [hbm4b:s14+s3], $0xE000, $0x38;
	[tilespmem:$0xE080] =	vst v63  }
0x26: {  	s9 =	sadd.s32 s29, s28;
	p1 =	slt.s32 s23, $0x3;
	_ =	swait.ge [sflag:s6], $0xE000  }
0x27: {  	s2 =	smov.u32 @p1 s10;
	s15 =	ssub.s32 s30, s31;
	[sflag:s6] =	ssyncset.done $0x0  }
0x28: {  	s15 =	smax.u32 s15, $0x1;
	s12 =	smul.u32 @!p0 $0xE000, s16;
	[sflag:s6] =	ssyncadd.s32 $0xFFFF2000  }
0x29: {  	[hbm4b:s9+s3] =	stream.linear.scatter [tilespmem:s8], [sflag:$0x2], $0xE000, $0x38;
	[tilespmem:$0xE080] =	vst v63  }
0x2a: {  	s10 =	simm.s32 @!p0 $0x80;
	s15 =	sadd.s32 $0xFFFFFFFF, s15;
	_ =	swait.ge [sflag:s5], $0xE000  }
0x2b: {  	p1 =	sne.s32 s15, $0x0;
	s11 =	sshrl.u32 @!p0 s12, $0x3;
	[sflag:s5] =	ssyncset.done $0x0  }
0x2c: {  	s12 =	sadd.s32 @!p0 s2, s11;
	s11 =	simm.s32 @!p0 $0x0;
	[sflag:s5] =	ssyncadd.s32 $0xFFFF2000  }
0x2d: {  	[tilespmem:s10], [sflag:$0x1] =	stream.linear.gather @!p0 [hbm4b:s12+s11], $0xE000, $0x38;
	[tilespmem:$0xE080] =	vst v63  }
.Ltmp0:
0x2e: {  	s12 =	simm.s32 @!p0 $0x1;
	(pc) =	sbr.rel @!p1 .LBB2_2-.Ltmp0, $4  }
0x2f: {  	s13 =	smul.u32 $0x1C00, s21;
	_ =	swait.ge @!p0 [sflag:s12], $0xE000  }
0x30: {  	[sflag:s12] =	ssyncset.done @!p0 $0x0  }
0x31: {  	s14 =	sadd.s32 s29, s13;
	s13 =	simm.s32 @!p0 $0x2;
	[sflag:s12] =	ssyncadd.s32 @!p0 $0xFFFF2000  }
0x32: {  	[hbm4b:s14+s11] =	stream.linear.scatter @!p0 [tilespmem:s10], [sflag:$0x2], $0xE000, $0x38;
	[tilespmem:$0xE080] =	vst v63  }
.LBB2_1:
0x33: {  	s15 =	sadd.s32 $0xFFFFFFFF, s15;
	_ =	swait.ge @!p0 [sflag:s13], $0xE000  }
0x34: {  	p1 =	sne.s32 s15, $0x0;
	[sflag:s13] =	ssyncset.done @!p0 $0x0  }
0x35: {  	[sflag:s13] =	ssyncadd.s32 @!p0 $0xFFFF2000  }
0x36: {  	[tilespmem:s3], [sflag:$0x2] =	stream.linear.gather [hbm4b:s4+s3], $0x80, $0x38;
	[tilespmem:$0xE080] =	vst v63  }
0x37: {  	_ =	swait.ge [sflag:s5], $0x80  }
0x38: {  	[sflag:s5] =	ssyncset.done $0x0  }
0x39: {  	[sflag:s5] =	ssyncadd.s32 $0xFFFFFF80  }
0x3a: {  	v0 =	vld [tilespmem:$0x10]  }
0x3b: {  	v1 =	vld [tilespmem:$0x20]  }
0x3c: {  	v2 =	vld [tilespmem:$0x30]  }
0x3d: {  	v3 =	vld [tilespmem:$0x0];
	_ =	sdelay $0x3  }
0x3e: {  	v4 =	vsel vm0, v1, v2;
	v1 =	vsel @!p0 vm4, v1, v2  }
0x3f: {  	v2 =	vsel vm1, v0, v4;
	v0 =	vsel @!p0 vm5, v0, v1  }
0x40: {  	v1 =	vsel vm2, v3, v2;
	v0 =	vsel @!p0 vm6, v3, v0  }
0x41: {  	v1 =	vnsel vm3, $0x0, v1;
	v0 =	vnsel @!p0 vm7, $0x0, v0  }
0x42: {  	(xrf0) =	vadd.scan.msk.s32 $0xffff, v1  }
0x43: {  	(xrf0) =	vadd.scan.msk.s32 @!p0 $0xffff, v0;
	_ =	sdelay $0x4  }
0x44: {  	v0, _, _ =	vpop (xrf0)  }
0x45: {  	(v2sf) =	vpush v0, $0xF;
	v0, _, _ =	vpop @!p0 (xrf0)  }
0x46: {  	(v2sf) =	vpush @!p0 v0, $0xF;
	_ =	sdelay $0xd  }
0x47: {  	s16 =	spop (v2sf)  }
0x48: {  	s16 =	smul.u32 $0xE000, s16;
	s17 =	spop @!p0 (v2sf)  }
0x49: {  	s17 =	smul.u32 @!p0 $0xE000, s17  }
0x4a: {  	s16 =	sshrl.u32 s16, $0x3  }
0x4b: {  	s16 =	sadd.s32 s7, s16;
	s17 =	sshrl.u32 @!p0 s17, $0x3  }
0x4c: {  	[tilespmem:s8], [sflag:$0x1] =	stream.linear.gather [hbm4b:s16+s3], $0xE000, $0x38;
	[tilespmem:$0xE080] =	vst v63  }
0x4d: {  	_ =	swait.ge [sflag:s6], $0xE000  }
0x4e: {  	[sflag:s6] =	ssyncset.done $0x0  }
0x4f: {  	[sflag:s6] =	ssyncadd.s32 $0xFFFF2000  }
0x50: {  	[hbm4b:s9+s3] =	stream.linear.scatter [tilespmem:s8], [sflag:$0x2], $0xE000, $0x38;
	[tilespmem:$0xE080] =	vst v63  }
0x51: {  	_ =	swait.ge [sflag:s5], $0xE000  }
0x52: {  	s16 =	sadd.s32 @!p0 s2, s17;
	[sflag:s5] =	ssyncset.done $0x0  }
0x53: {  	[sflag:s5] =	ssyncadd.s32 $0xFFFF2000  }
0x54: {  	[tilespmem:s10], [sflag:$0x1] =	stream.linear.gather @!p0 [hbm4b:s16+s11], $0xE000, $0x38;
	[tilespmem:$0xE080] =	vst v63  }
.Ltmp1:
0x55: {  	_ = 	snop;
	(pc) =	sbr.rel @p1 .LBB2_1-.Ltmp1, $4  }
0x56: {  	_ =	swait.ge @!p0 [sflag:s12], $0xE000  }
0x57: {  	[sflag:s12] =	ssyncset.done @!p0 $0x0  }
0x58: {  	[sflag:s12] =	ssyncadd.s32 @!p0 $0xFFFF2000  }
0x59: {  	[hbm4b:s14+s11] =	stream.linear.scatter @!p0 [tilespmem:s10], [sflag:$0x2], $0xE000, $0x38;
	[tilespmem:$0xE080] =	vst v63  }
.LBB2_2:
0x5a: {  	_ =	swait.ge @!p0 [sflag:s13], $0xE000  }
0x5b: {  	[sflag:s13] =	ssyncset.done @!p0 $0x0  }
0x5c: {  	[sflag:s13] =	ssyncadd.s32 @!p0 $0xFFFF2000  }
0x5d: {  	_ =	sfence.sel $0x180000  }
0x5e: {  	[bflag:$0x0] =	sbarrier.arrive $0xFFFF  }
0x5f: {  	p0 =	sne.s32 s0, $0x0;
	_ =	strace $0x90000047  }
0x60: {  	s0 =	sadd.s32 @!p0 $0x100000, s1;
	[bflag:$0x2] =	sbarrier.arrive $0xFFFF  }
0x61: {  	[sflag:s0] =	ssyncadd.tile.s32 @!p0 $0x1;
	_ =	shalt  }
.Lfunc_end2:
_tile_overlayer_lowered:
.L_overlay_start_2:
0x62: {  	(tag) =	ssettag $0x2  }
0x63: {  	s0 =	rddreg [dreg:$0x0];
	s2 =	stileid.u32  }
0x64: {  	s1 =	rddreg [dreg:$0x1];
	p0 =	sne.s32 s2, $0x0  }
0x65: {  	s3 =	rddreg [dreg:$0x2];
	[bflag:$0x3] =	sbarrier.arrive $0xFFFF;
	s2 =	simm.s32 @!p0 $0x1C02  }
0x66: {  	[timem:s3], [sflag:s2] =	dma.local @!p0 [hbm:s0], s1  }
0x67: {  	s0 =	simm.s32 @!p0 $0x2  }
0x68: {  	_ =	swait.ge @!p0 [sflag:s0], s1  }
0x69: {  	s1 =	ssub.s32 @!p0 $0x0, s1;
	[sflag:s0] =	ssyncset.done @!p0 $0x0  }
0x6a: {  	[sflag:s0] =	ssyncadd.s32 @!p0 s1  }
0x6b: {  	[bflag:$0x3] =	sbarrier.arrive $0xFFFF  }
0x6c: {  	_ =	shalt  }

</sc_bundles>
